<compile_context>
chip_gen: v7x
topology: tpu7x:2x2x1
jax: 0.10.2.dev20260603
libtpu: 0.0.44.dev20260713+nightly
codegen_flags: <defaults>
</compile_context>

<pallas_src>
import functools

import jax
import jax.numpy as jnp
from jax import lax
from jax.experimental import pallas as pl
from jax.experimental.pallas import tpu as pltpu
from jax.experimental.pallas import tpu_sc as plsc

N_NODES = 10000
N_EDGES = 320000
IN_DIM = 128
HID_DIM = 64
OUT_DIM = 64

NC = 2
NS = 16
NTILES = NC * NS
EPT = N_EDGES // NTILES
CH = 125
NCH = EPT // CH
RPT = 624
RPT_LAST = N_NODES - 15 * RPT

@functools.cache
def _mesh():
    return plsc.VectorSubcoreMesh(core_axis_name="c", subcore_axis_name="s",
                                  num_cores=NC, num_subcores=NS)



_RING = 8


def _deg_body(col_deg, deg_out, cidx, ones_v, zbuf, dbuf, ssem, shared_deg):
    c = lax.axis_index("c")
    s = lax.axis_index("s")
    for i in range(8):
        ones_v[pl.ds(i * 16, 16)] = jnp.full((16,), 1.0, jnp.float32)
    for i in range(63):
        zbuf[pl.ds(i * 16, 16)] = jnp.zeros((16,), jnp.float32)

    @pl.when(s < 10)
    def _():
        pltpu.sync_copy(zbuf.at[pl.ds(0, 1000)],
                        shared_deg.at[pl.ds(s * 1000, 1000)])

    pltpu.sync_copy(col_deg.at[s], cidx)
    plsc.subcore_barrier()

    def body(j, carry):
        @pl.when(j >= _RING)
        def _():
            pltpu.make_async_copy(ones_v.at[pl.ds(0, CH)],
                                  shared_deg.at[cidx.at[0]], ssem).wait()

        pltpu.async_copy(ones_v.at[pl.ds(0, CH)],
                         shared_deg.at[cidx.at[j]], ssem, add=True)
        return carry

    lax.fori_loop(0, 2 * NCH, body, 0)
    for _ in range(_RING):
        pltpu.make_async_copy(ones_v.at[pl.ds(0, CH)],
                              shared_deg.at[cidx.at[0]], ssem).wait()
    plsc.subcore_barrier()

    @pl.when(s < 5)
    def _():
        base = c * 5000 + s * 1000
        pltpu.sync_copy(shared_deg.at[pl.ds(base, 1000)], dbuf)
        pltpu.sync_copy(dbuf, deg_out.at[pl.ds(base, 1000)])


@functools.cache
def _deg_call():
    return pl.kernel(
        _deg_body,
        out_type=jax.ShapeDtypeStruct((N_NODES,), jnp.float32),
        mesh=_mesh(),
        scratch_types=[
            pltpu.VMEM((2 * NCH, CH), jnp.int32),
            pltpu.VMEM((128,), jnp.float32),
            pltpu.VMEM((1008,), jnp.float32),
            pltpu.VMEM((1000,), jnp.float32),
            pltpu.SemaphoreType.DMA,
            pltpu.VMEM_SHARED((N_NODES,), jnp.float32),
        ],
        compiler_params=pltpu.CompilerParams(use_tc_tiling_on_sc=False),
    )



def _prop_body(hp, row3, col3, zeros2, out, ridx, cidx, rb0, rb1, rb2, rb3,
               gsem, shared_acc):
    c = lax.axis_index("c")
    s = lax.axis_index("s")
    wid = c * NS + s
    r0 = s * RPT
    bufs = (rb0, rb1, rb2, rb3)

    @pl.when(s < 15)
    def _():
        pltpu.sync_copy(zeros2.at[pl.ds(r0, RPT)],
                        shared_acc.at[pl.ds(r0, RPT)])

    @pl.when(s == 15)
    def _():
        pltpu.sync_copy(zeros2.at[pl.ds(15 * RPT, RPT_LAST)],
                        shared_acc.at[pl.ds(15 * RPT, RPT_LAST)])

    pltpu.sync_copy(row3.at[wid], ridx)
    pltpu.sync_copy(col3.at[wid], cidx)
    plsc.subcore_barrier()

    for b in range(4):
        pltpu.async_copy(hp.at[ridx.at[b]], bufs[b], gsem)

    def body(g, carry):
        for b in range(4):
            j = 4 * g + b
            pltpu.make_async_copy(hp.at[ridx.at[j]], bufs[b], gsem).wait()
            pltpu.sync_copy(bufs[b], shared_acc.at[cidx.at[j]], add=True)

            @pl.when(j + 4 < NCH)
            def _():
                pltpu.async_copy(hp.at[ridx.at[j + 4]], bufs[b], gsem)

        return carry

    lax.fori_loop(0, NCH // 4, body, 0)
    plsc.subcore_barrier()

    @pl.when(s < 15)
    def _():
        pltpu.sync_copy(shared_acc.at[pl.ds(r0, RPT)],
                        out.at[c, pl.ds(r0, RPT)])

    @pl.when(s == 15)
    def _():
        pltpu.sync_copy(shared_acc.at[pl.ds(15 * RPT, RPT_LAST)],
                        out.at[c, pl.ds(15 * RPT, RPT_LAST)])


@functools.cache
def _prop_call():
    return pl.kernel(
        _prop_body,
        out_type=jax.ShapeDtypeStruct((NC, N_NODES, HID_DIM), jnp.float32),
        mesh=_mesh(),
        scratch_types=[
            pltpu.VMEM((NCH, CH), jnp.int32),
            pltpu.VMEM((NCH, CH), jnp.int32),
            pltpu.VMEM((CH, HID_DIM), jnp.float32),
            pltpu.VMEM((CH, HID_DIM), jnp.float32),
            pltpu.VMEM((CH, HID_DIM), jnp.float32),
            pltpu.VMEM((CH, HID_DIM), jnp.float32),
            pltpu.SemaphoreType.DMA,
            pltpu.VMEM_SHARED((N_NODES, HID_DIM), jnp.float32),
        ],
        compiler_params=pltpu.CompilerParams(use_tc_tiling_on_sc=False),
    )



BLK = 2000
GRID = N_NODES // BLK


def _mmps_body(x_ref, w_ref, deg_ref, hlin_ref, dinv_ref, hp_ref):
    hlin = jnp.dot(x_ref[...], w_ref[...], preferred_element_type=jnp.float32)
    dinv = lax.rsqrt(deg_ref[...] + 1.0)
    hlin_ref[...] = hlin
    dinv_ref[...] = dinv
    hp_ref[...] = hlin * dinv


_mmps = pl.pallas_call(
    _mmps_body,
    grid=(GRID,),
    in_specs=[
        pl.BlockSpec((BLK, IN_DIM), lambda i: (i, 0)),
        pl.BlockSpec((IN_DIM, HID_DIM), lambda i: (0, 0)),
        pl.BlockSpec((BLK, 1), lambda i: (i, 0)),
    ],
    out_specs=[
        pl.BlockSpec((BLK, HID_DIM), lambda i: (i, 0)),
        pl.BlockSpec((BLK, 1), lambda i: (i, 0)),
        pl.BlockSpec((BLK, HID_DIM), lambda i: (i, 0)),
    ],
    out_shape=[
        jax.ShapeDtypeStruct((N_NODES, HID_DIM), jnp.float32),
        jax.ShapeDtypeStruct((N_NODES, 1), jnp.float32),
        jax.ShapeDtypeStruct((N_NODES, HID_DIM), jnp.float32),
    ],
)


def _combine1_body(p_ref, h_ref, dinv_ref, b_ref, w_ref, h2_ref, hp2_ref):
    dinv = dinv_ref[...]
    psum = p_ref[0] + p_ref[1]
    out1 = jnp.maximum(dinv * psum + dinv * dinv * h_ref[...] + b_ref[...],
                       0.0)
    h2 = jnp.dot(out1, w_ref[...], preferred_element_type=jnp.float32)
    h2_ref[...] = h2
    hp2_ref[...] = h2 * dinv


_combine1 = pl.pallas_call(
    _combine1_body,
    grid=(GRID,),
    in_specs=[
        pl.BlockSpec((NC, BLK, HID_DIM), lambda i: (0, i, 0)),
        pl.BlockSpec((BLK, HID_DIM), lambda i: (i, 0)),
        pl.BlockSpec((BLK, 1), lambda i: (i, 0)),
        pl.BlockSpec((1, HID_DIM), lambda i: (0, 0)),
        pl.BlockSpec((HID_DIM, OUT_DIM), lambda i: (0, 0)),
    ],
    out_specs=[
        pl.BlockSpec((BLK, OUT_DIM), lambda i: (i, 0)),
        pl.BlockSpec((BLK, OUT_DIM), lambda i: (i, 0)),
    ],
    out_shape=[
        jax.ShapeDtypeStruct((N_NODES, OUT_DIM), jnp.float32),
        jax.ShapeDtypeStruct((N_NODES, OUT_DIM), jnp.float32),
    ],
)


def _combine2_body(p_ref, h_ref, dinv_ref, b_ref, o_ref):
    dinv = dinv_ref[...]
    psum = p_ref[0] + p_ref[1]
    o_ref[...] = dinv * psum + dinv * dinv * h_ref[...] + b_ref[...]


_combine2 = pl.pallas_call(
    _combine2_body,
    grid=(GRID,),
    in_specs=[
        pl.BlockSpec((NC, BLK, OUT_DIM), lambda i: (0, i, 0)),
        pl.BlockSpec((BLK, OUT_DIM), lambda i: (i, 0)),
        pl.BlockSpec((BLK, 1), lambda i: (i, 0)),
        pl.BlockSpec((1, OUT_DIM), lambda i: (0, 0)),
    ],
    out_specs=pl.BlockSpec((BLK, OUT_DIM), lambda i: (i, 0)),
    out_shape=jax.ShapeDtypeStruct((N_NODES, OUT_DIM), jnp.float32),
)



@jax.jit
def _run(x, edge_index, W1, b1, W2, b2):
    ei = edge_index.astype(jnp.int32)
    row3 = ei[0].reshape(NTILES, NCH, CH)
    col3 = ei[1].reshape(NTILES, NCH, CH)
    col_deg = ei[1].reshape(NS, 2 * NCH, CH)
    zeros2 = jnp.zeros((N_NODES, HID_DIM), jnp.float32)

    deg = _deg_call()(col_deg)
    hlin, dinv, hp = _mmps(x, W1, deg.reshape(N_NODES, 1))
    p1 = _prop_call()(hp, row3, col3, zeros2)
    h2lin, hp2 = _combine1(p1, hlin, dinv, b1.reshape(1, HID_DIM), W2)
    p2 = _prop_call()(hp2, row3, col3, zeros2)
    out = _combine2(p2, h2lin, dinv, b2.reshape(1, OUT_DIM))
    return out


def kernel(x, edge_index, W1, b1, W2, b2):
    return _run(x, edge_index, W1, b1, W2, b2)

# --- scband reference (transcript-rebuilt; emitter-appended) ---
"""Pipeline reference for scband-gcnnet3-15350213116648 (READ-ONLY COPY).

The authoritative reference and input builder live on the scoring server;
editing this copy changes nothing except your own understanding.
"""

import jax, jax.numpy as jnp
import numpy as np

N_NODES = 10000
N_EDGES = 320000
IN_DIM = 128
HID_DIM = 64
OUT_DIM = 64


def gcn_conv(x, edge_index, W, b, num_nodes):
    # PyG GCNConv: linear transform, add self-loops, symmetric normalization, scatter-add
    x = x @ W
    row = edge_index[0]
    col = edge_index[1]
    loop = jnp.arange(num_nodes, dtype=edge_index.dtype)
    row = jnp.concatenate([row, loop])
    col = jnp.concatenate([col, loop])
    ones = jnp.ones(row.shape[0], dtype=x.dtype)
    deg = jax.ops.segment_sum(ones, col, num_segments=num_nodes)
    deg_inv_sqrt = jnp.where(deg > 0, jax.lax.rsqrt(jnp.maximum(deg, 1e-12)), 0.0)
    norm = deg_inv_sqrt[row] * deg_inv_sqrt[col]
    msg = x[row] * norm[:, None]
    out = jax.ops.segment_sum(msg, col, num_segments=num_nodes)
    return out + b


def setup_inputs(seed: int = 0) -> dict:
    key = jax.random.key(seed)
    k1, k2, k3, k4, k5, k6 = jax.random.split(key, 6)
    x = jax.random.normal(k1, (N_NODES, IN_DIM), dtype=jnp.float32)
    edge_index = jax.random.randint(k2, (2, N_EDGES), 0, N_NODES, dtype=jnp.int64)
    s1 = 1.0 / np.sqrt(IN_DIM)
    s2 = 1.0 / np.sqrt(HID_DIM)
    W1 = jax.random.uniform(k3, (IN_DIM, HID_DIM), dtype=jnp.float32, minval=-s1, maxval=s1)
    b1 = jax.random.uniform(k4, (HID_DIM,), dtype=jnp.float32, minval=-s1, maxval=s1)
    W2 = jax.random.uniform(k5, (HID_DIM, OUT_DIM), dtype=jnp.float32, minval=-s2, maxval=s2)
    b2 = jax.random.uniform(k6, (OUT_DIM,), dtype=jnp.float32, minval=-s2, maxval=s2)
    return {"x": x, "edge_index": edge_index, "W1": W1, "b1": b1, "W2": W2, "b2": b2}


def reference(x, edge_index, W1, b1, W2, b2):
    num_nodes = x.shape[0]
    h = gcn_conv(x, edge_index, W1, b1, num_nodes)
    h = jax.nn.relu(h)
    # dropout is identity in eval mode
    out = gcn_conv(h, edge_index, W2, b2, num_nodes)
    return out

if __name__ == "__main__":
    import jax
    _d = setup_inputs()
    print(jax.jit(kernel)(*tuple(_d.values())))

</pallas_src>

<mosaic_0001>
#map = affine_map<(d0, d1) -> (0, 0, 0)>
#map1 = affine_map<(d0, d1) -> (0)>
module attributes {stable_mosaic.version = 14 : i64} {
  func.func @_deg_body(%arg0: i32, %arg1: i32, %arg2: memref<16x160x125xi32, #tpu.memory_space<hbm>>, %arg3: memref<10000xf32, #tpu.memory_space<hbm>>, %arg4: memref<160x125xi32, #tpu.memory_space<vmem>>, %arg5: memref<128xf32, #tpu.memory_space<vmem>>, %arg6: memref<1008xf32, #tpu.memory_space<vmem>>, %arg7: memref<1000xf32, #tpu.memory_space<vmem>>, %arg8: memref<!tpu.dma_semaphore, #tpu.memory_space<semaphore_mem>>, %arg9: memref<10000xf32, #tpu.memory_space<vmem_shared>>) attributes {dimension_semantics = [#tpu.dimension_semantics<core_parallel>, #tpu.dimension_semantics<subcore_parallel>], iteration_bounds = array<i64: 2, 16>, scalar_prefetch = 0 : i64, scratch_operands = 6 : i64, tpu.core_type = #tpu.core_type<sc_vector_subcore>, window_params = [{transform_indices = #map}, {transform_indices = #map1}]} {
    %broadcast_in_dim3A = arith.constant 1.000000e+00 : f32
    %broadcast_in_dim3A_0 = vector.broadcast %broadcast_in_dim3A : f32 to vector<16xf32>
    %swap3A = arith.constant 0 : index
    %swap3A_1 = tpu.vector_load %arg5[%swap3A] {strides = array<i32>} : memref<128xf32, #tpu.memory_space<vmem>>, vector<16xf32>,
    %swap3A_2 = vector.shape_cast %swap3A_1 : vector<16xf32> to vector<16xf32>
    %swap3A_3 = vector.shape_cast %broadcast_in_dim3A_0 : vector<16xf32> to vector<16xf32>
    tpu.vector_store %arg5[%swap3A], %swap3A_3 {strides = array<i32>} : memref<128xf32, #tpu.memory_space<vmem>>, vector<16xf32>,
    %broadcast_in_dim3A_4 = arith.constant 1.000000e+00 : f32
    %broadcast_in_dim3A_5 = vector.broadcast %broadcast_in_dim3A_4 : f32 to vector<16xf32>
    %swap3A_6 = arith.constant 16 : index
    %swap3A_7 = tpu.vector_load %arg5[%swap3A_6] {strides = array<i32>} : memref<128xf32, #tpu.memory_space<vmem>>, vector<16xf32>,
    %swap3A_8 = vector.shape_cast %swap3A_7 : vector<16xf32> to vector<16xf32>
    %swap3A_9 = vector.shape_cast %broadcast_in_dim3A_5 : vector<16xf32> to vector<16xf32>
    tpu.vector_store %arg5[%swap3A_6], %swap3A_9 {strides = array<i32>} : memref<128xf32, #tpu.memory_space<vmem>>, vector<16xf32>,
    %broadcast_in_dim3A_10 = arith.constant 1.000000e+00 : f32
    %broadcast_in_dim3A_11 = vector.broadcast %broadcast_in_dim3A_10 : f32 to vector<16xf32>
    %swap3A_12 = arith.constant 32 : index
    %swap3A_13 = tpu.vector_load %arg5[%swap3A_12] {strides = array<i32>} : memref<128xf32, #tpu.memory_space<vmem>>, vector<16xf32>,
    %swap3A_14 = vector.shape_cast %swap3A_13 : vector<16xf32> to vector<16xf32>
    %swap3A_15 = vector.shape_cast %broadcast_in_dim3A_11 : vector<16xf32> to vector<16xf32>
    tpu.vector_store %arg5[%swap3A_12], %swap3A_15 {strides = array<i32>} : memref<128xf32, #tpu.memory_space<vmem>>, vector<16xf32>,
    %broadcast_in_dim3A_16 = arith.constant 1.000000e+00 : f32
    %broadcast_in_dim3A_17 = vector.broadcast %broadcast_in_dim3A_16 : f32 to vector<16xf32>
    %swap3A_18 = arith.constant 48 : index
    %swap3A_19 = tpu.vector_load %arg5[%swap3A_18] {strides = array<i32>} : memref<128xf32, #tpu.memory_space<vmem>>, vector<16xf32>,
    %swap3A_20 = vector.shape_cast %swap3A_19 : vector<16xf32> to vector<16xf32>
    %swap3A_21 = vector.shape_cast %broadcast_in_dim3A_17 : vector<16xf32> to vector<16xf32>
    tpu.vector_store %arg5[%swap3A_18], %swap3A_21 {strides = array<i32>} : memref<128xf32, #tpu.memory_space<vmem>>, vector<16xf32>,
    %broadcast_in_dim3A_22 = arith.constant 1.000000e+00 : f32
    %broadcast_in_dim3A_23 = vector.broadcast %broadcast_in_dim3A_22 : f32 to vector<16xf32>
    %swap3A_24 = arith.constant 64 : index
    %swap3A_25 = tpu.vector_load %arg5[%swap3A_24] {strides = array<i32>} : memref<128xf32, #tpu.memory_space<vmem>>, vector<16xf32>,
    %swap3A_26 = vector.shape_cast %swap3A_25 : vector<16xf32> to vector<16xf32>
    %swap3A_27 = vector.shape_cast %broadcast_in_dim3A_23 : vector<16xf32> to vector<16xf32>
    tpu.vector_store %arg5[%swap3A_24], %swap3A_27 {strides = array<i32>} : memref<128xf32, #tpu.memory_space<vmem>>, vector<16xf32>,
    %broadcast_in_dim3A_28 = arith.constant 1.000000e+00 : f32
    %broadcast_in_dim3A_29 = vector.broadcast %broadcast_in_dim3A_28 : f32 to vector<16xf32>
    %swap3A_30 = arith.constant 80 : index
    %swap3A_31 = tpu.vector_load %arg5[%swap3A_30] {strides = array<i32>} : memref<128xf32, #tpu.memory_space<vmem>>, vector<16xf32>,
    %swap3A_32 = vector.shape_cast %swap3A_31 : vector<16xf32> to vector<16xf32>
    %swap3A_33 = vector.shape_cast %broadcast_in_dim3A_29 : vector<16xf32> to vector<16xf32>
    tpu.vector_store %arg5[%swap3A_30], %swap3A_33 {strides = array<i32>} : memref<128xf32, #tpu.memory_space<vmem>>, vector<16xf32>,
    %broadcast_in_dim3A_34 = arith.constant 1.000000e+00 : f32
    %broadcast_in_dim3A_35 = vector.broadcast %broadcast_in_dim3A_34 : f32 to vector<16xf32>
    %swap3A_36 = arith.constant 96 : index
    %swap3A_37 = tpu.vector_load %arg5[%swap3A_36] {strides = array<i32>} : memref<128xf32, #tpu.memory_space<vmem>>, vector<16xf32>,
    %swap3A_38 = vector.shape_cast %swap3A_37 : vector<16xf32> to vector<16xf32>
    %swap3A_39 = vector.shape_cast %broadcast_in_dim3A_35 : vector<16xf32> to vector<16xf32>
    tpu.vector_store %arg5[%swap3A_36], %swap3A_39 {strides = array<i32>} : memref<128xf32, #tpu.memory_space<vmem>>, vector<16xf32>,
    %broadcast_in_dim3A_40 = arith.constant 1.000000e+00 : f32
    %broadcast_in_dim3A_41 = vector.broadcast %broadcast_in_dim3A_40 : f32 to vector<16xf32>
    %swap3A_42 = arith.constant 112 : index
    %swap3A_43 = tpu.vector_load %arg5[%swap3A_42] {strides = array<i32>} : memref<128xf32, #tpu.memory_space<vmem>>, vector<16xf32>,
    %swap3A_44 = vector.shape_cast %swap3A_43 : vector<16xf32> to vector<16xf32>
    %swap3A_45 = vector.shape_cast %broadcast_in_dim3A_41 : vector<16xf32> to vector<16xf32>
    tpu.vector_store %arg5[%swap3A_42], %swap3A_45 {strides = array<i32>} : memref<128xf32, #tpu.memory_space<vmem>>, vector<16xf32>,
    %broadcast_in_dim3A_46 = arith.constant 0.000000e+00 : f32
    %broadcast_in_dim3A_47 = vector.broadcast %broadcast_in_dim3A_46 : f32 to vector<16xf32>
    %swap3A_48 = arith.constant 0 : index
    %swap3A_49 = tpu.vector_load %arg6[%swap3A_48] {strides = array<i32>} : memref<1008xf32, #tpu.memory_space<vmem>>, vector<16xf32>,
    %swap3A_50 = vector.shape_cast %swap3A_49 : vector<16xf32> to vector<16xf32>
    %swap3A_51 = vector.shape_cast %broadcast_in_dim3A_47 : vector<16xf32> to vector<16xf32>
    tpu.vector_store %arg6[%swap3A_48], %swap3A_51 {strides = array<i32>} : memref<1008xf32, #tpu.memory_space<vmem>>, vector<16xf32>,
    %broadcast_in_dim3A_52 = arith.constant 0.000000e+00 : f32
    %broadcast_in_dim3A_53 = vector.broadcast %broadcast_in_dim3A_52 : f32 to vector<16xf32>
    %swap3A_54 = arith.constant 16 : index
    %swap3A_55 = tpu.vector_load %arg6[%swap3A_54] {strides = array<i32>} : memref<1008xf32, #tpu.memory_space<vmem>>, vector<16xf32>,
    %swap3A_56 = vector.shape_cast %swap3A_55 : vector<16xf32> to vector<16xf32>
    %swap3A_57 = vector.shape_cast %broadcast_in_dim3A_53 : vector<16xf32> to vector<16xf32>
    tpu.vector_store %arg6[%swap3A_54], %swap3A_57 {strides = array<i32>} : memref<1008xf32, #tpu.memory_space<vmem>>, vector<16xf32>,
    %broadcast_in_dim3A_58 = arith.constant 0.000000e+00 : f32
    %broadcast_in_dim3A_59 = vector.broadcast %broadcast_in_dim3A_58 : f32 to vector<16xf32>
    %swap3A_60 = arith.constant 32 : index
    %swap3A_61 = tpu.vector_load %arg6[%swap3A_60] {strides = array<i32>} : memref<1008xf32, #tpu.memory_space<vmem>>, vector<16xf32>,
    %swap3A_62 = vector.shape_cast %swap3A_61 : vector<16xf32> to vector<16xf32>
    %swap3A_63 = vector.shape_cast %broadcast_in_dim3A_59 : vector<16xf32> to vector<16xf32>
    tpu.vector_store %arg6[%swap3A_60], %swap3A_63 {strides = array<i32>} : memref<1008xf32, #tpu.memory_space<vmem>>, vector<16xf32>,
    %broadcast_in_dim3A_64 = arith.constant 0.000000e+00 : f32
    %broadcast_in_dim3A_65 = vector.broadcast %broadcast_in_dim3A_64 : f32 to vector<16xf32>
    %swap3A_66 = arith.constant 48 : index
    %swap3A_67 = tpu.vector_load %arg6[%swap3A_66] {strides = array<i32>} : memref<1008xf32, #tpu.memory_space<vmem>>, vector<16xf32>,
    %swap3A_68 = vector.shape_cast %swap3A_67 : vector<16xf32> to vector<16xf32>
    %swap3A_69 = vector.shape_cast %broadcast_in_dim3A_65 : vector<16xf32> to vector<16xf32>
    tpu.vector_store %arg6[%swap3A_66], %swap3A_69 {strides = array<i32>} : memref<1008xf32, #tpu.memory_space<vmem>>, vector<16xf32>,
    %broadcast_in_dim3A_70 = arith.constant 0.000000e+00 : f32
    %broadcast_in_dim3A_71 = vector.broadcast %broadcast_in_dim3A_70 : f32 to vector<16xf32>
    %swap3A_72 = arith.constant 64 : index
    %swap3A_73 = tpu.vector_load %arg6[%swap3A_72] {strides = array<i32>} : memref<1008xf32, #tpu.memory_space<vmem>>, vector<16xf32>,
    %swap3A_74 = vector.shape_cast %swap3A_73 : vector<16xf32> to vector<16xf32>
    %swap3A_75 = vector.shape_cast %broadcast_in_dim3A_71 : vector<16xf32> to vector<16xf32>
    tpu.vector_store %arg6[%swap3A_72], %swap3A_75 {strides = array<i32>} : memref<1008xf32, #tpu.memory_space<vmem>>, vector<16xf32>,
    %broadcast_in_dim3A_76 = arith.constant 0.000000e+00 : f32
    %broadcast_in_dim3A_77 = vector.broadcast %broadcast_in_dim3A_76 : f32 to vector<16xf32>
    %swap3A_78 = arith.constant 80 : index
    %swap3A_79 = tpu.vector_load %arg6[%swap3A_78] {strides = array<i32>} : memref<1008xf32, #tpu.memory_space<vmem>>, vector<16xf32>,
    %swap3A_80 = vector.shape_cast %swap3A_79 : vector<16xf32> to vector<16xf32>
    %swap3A_81 = vector.shape_cast %broadcast_in_dim3A_77 : vector<16xf32> to vector<16xf32>
    tpu.vector_store %arg6[%swap3A_78], %swap3A_81 {strides = array<i32>} : memref<1008xf32, #tpu.memory_space<vmem>>, vector<16xf32>,
    %broadcast_in_dim3A_82 = arith.constant 0.000000e+00 : f32
    %broadcast_in_dim3A_83 = vector.broadcast %broadcast_in_dim3A_82 : f32 to vector<16xf32>
    %swap3A_84 = arith.constant 96 : index
    %swap3A_85 = tpu.vector_load %arg6[%swap3A_84] {strides = array<i32>} : memref<1008xf32, #tpu.memory_space<vmem>>, vector<16xf32>,
    %swap3A_86 = vector.shape_cast %swap3A_85 : vector<16xf32> to vector<16xf32>
    %swap3A_87 = vector.shape_cast %broadcast_in_dim3A_83 : vector<16xf32> to vector<16xf32>
    tpu.vector_store %arg6[%swap3A_84], %swap3A_87 {strides = array<i32>} : memref<1008xf32, #tpu.memory_space<vmem>>, vector<16xf32>,
    %broadcast_in_dim3A_88 = arith.constant 0.000000e+00 : f32
    %broadcast_in_dim3A_89 = vector.broadcast %broadcast_in_dim3A_88 : f32 to vector<16xf32>
    %swap3A_90 = arith.constant 112 : index
    %swap3A_91 = tpu.vector_load %arg6[%swap3A_90] {strides = array<i32>} : memref<1008xf32, #tpu.memory_space<vmem>>, vector<16xf32>,
    %swap3A_92 = vector.shape_cast %swap3A_91 : vector<16xf32> to vector<16xf32>
    %swap3A_93 = vector.shape_cast %broadcast_in_dim3A_89 : vector<16xf32> to vector<16xf32>
    tpu.vector_store %arg6[%swap3A_90], %swap3A_93 {strides = array<i32>} : memref<1008xf32, #tpu.memory_space<vmem>>, vector<16xf32>,
    %broadcast_in_dim3A_94 = arith.constant 0.000000e+00 : f32
    %broadcast_in_dim3A_95 = vector.broadcast %broadcast_in_dim3A_94 : f32 to vector<16xf32>
    %swap3A_96 = arith.constant 128 : index
    %swap3A_97 = tpu.vector_load %arg6[%swap3A_96] {strides = array<i32>} : memref<1008xf32, #tpu.memory_space<vmem>>, vector<16xf32>,
    %swap3A_98 = vector.shape_cast %swap3A_97 : vector<16xf32> to vector<16xf32>
    %swap3A_99 = vector.shape_cast %broadcast_in_dim3A_95 : vector<16xf32> to vector<16xf32>
    tpu.vector_store %arg6[%swap3A_96], %swap3A_99 {strides = array<i32>} : memref<1008xf32, #tpu.memory_space<vmem>>, vector<16xf32>,
    %broadcast_in_dim3A_100 = arith.constant 0.000000e+00 : f32
    %broadcast_in_dim3A_101 = vector.broadcast %broadcast_in_dim3A_100 : f32 to vector<16xf32>
    %swap3A_102 = arith.constant 144 : index
    %swap3A_103 = tpu.vector_load %arg6[%swap3A_102] {strides = array<i32>} : memref<1008xf32, #tpu.memory_space<vmem>>, vector<16xf32>,
    %swap3A_104 = vector.shape_cast %swap3A_103 : vector<16xf32> to vector<16xf32>
    %swap3A_105 = vector.shape_cast %broadcast_in_dim3A_101 : vector<16xf32> to vector<16xf32>
    tpu.vector_store %arg6[%swap3A_102], %swap3A_105 {strides = array<i32>} : memref<1008xf32, #tpu.memory_space<vmem>>, vector<16xf32>,
    %broadcast_in_dim3A_106 = arith.constant 0.000000e+00 : f32
    %broadcast_in_dim3A_107 = vector.broadcast %broadcast_in_dim3A_106 : f32 to vector<16xf32>
    %swap3A_108 = arith.constant 160 : index
    %swap3A_109 = tpu.vector_load %arg6[%swap3A_108] {strides = array<i32>} : memref<1008xf32, #tpu.memory_space<vmem>>, vector<16xf32>,
    %swap3A_110 = vector.shape_cast %swap3A_109 : vector<16xf32> to vector<16xf32>
    %swap3A_111 = vector.shape_cast %broadcast_in_dim3A_107 : vector<16xf32> to vector<16xf32>
    tpu.vector_store %arg6[%swap3A_108], %swap3A_111 {strides = array<i32>} : memref<1008xf32, #tpu.memory_space<vmem>>, vector<16xf32>,
    %broadcast_in_dim3A_112 = arith.constant 0.000000e+00 : f32
    %broadcast_in_dim3A_113 = vector.broadcast %broadcast_in_dim3A_112 : f32 to vector<16xf32>
    %swap3A_114 = arith.constant 176 : index
    %swap3A_115 = tpu.vector_load %arg6[%swap3A_114] {strides = array<i32>} : memref<1008xf32, #tpu.memory_space<vmem>>, vector<16xf32>,
    %swap3A_116 = vector.shape_cast %swap3A_115 : vector<16xf32> to vector<16xf32>
    %swap3A_117 = vector.shape_cast %broadcast_in_dim3A_113 : vector<16xf32> to vector<16xf32>
    tpu.vector_store %arg6[%swap3A_114], %swap3A_117 {strides = array<i32>} : memref<1008xf32, #tpu.memory_space<vmem>>, vector<16xf32>,
    %broadcast_in_dim3A_118 = arith.constant 0.000000e+00 : f32
    %broadcast_in_dim3A_119 = vector.broadcast %broadcast_in_dim3A_118 : f32 to vector<16xf32>
    %swap3A_120 = arith.constant 192 : index
    %swap3A_121 = tpu.vector_load %arg6[%swap3A_120] {strides = array<i32>} : memref<1008xf32, #tpu.memory_space<vmem>>, vector<16xf32>,
    %swap3A_122 = vector.shape_cast %swap3A_121 : vector<16xf32> to vector<16xf32>
    %swap3A_123 = vector.shape_cast %broadcast_in_dim3A_119 : vector<16xf32> to vector<16xf32>
    tpu.vector_store %arg6[%swap3A_120], %swap3A_123 {strides = array<i32>} : memref<1008xf32, #tpu.memory_space<vmem>>, vector<16xf32>,
    %broadcast_in_dim3A_124 = arith.constant 0.000000e+00 : f32
    %broadcast_in_dim3A_125 = vector.broadcast %broadcast_in_dim3A_124 : f32 to vector<16xf32>
    %swap3A_126 = arith.constant 208 : index
    %swap3A_127 = tpu.vector_load %arg6[%swap3A_126] {strides = array<i32>} : memref<1008xf32, #tpu.memory_space<vmem>>, vector<16xf32>,
    %swap3A_128 = vector.shape_cast %swap3A_127 : vector<16xf32> to vector<16xf32>
    %swap3A_129 = vector.shape_cast %broadcast_in_dim3A_125 : vector<16xf32> to vector<16xf32>
    tpu.vector_store %arg6[%swap3A_126], %swap3A_129 {strides = array<i32>} : memref<1008xf32, #tpu.memory_space<vmem>>, vector<16xf32>,
    %broadcast_in_dim3A_130 = arith.constant 0.000000e+00 : f32
    %broadcast_in_dim3A_131 = vector.broadcast %broadcast_in_dim3A_130 : f32 to vector<16xf32>
    %swap3A_132 = arith.constant 224 : index
    %swap3A_133 = tpu.vector_load %arg6[%swap3A_132] {strides = array<i32>} : memref<1008xf32, #tpu.memory_space<vmem>>, vector<16xf32>,
    %swap3A_134 = vector.shape_cast %swap3A_133 : vector<16xf32> to vector<16xf32>
    %swap3A_135 = vector.shape_cast %broadcast_in_dim3A_131 : vector<16xf32> to vector<16xf32>
    tpu.vector_store %arg6[%swap3A_132], %swap3A_135 {strides = array<i32>} : memref<1008xf32, #tpu.memory_space<vmem>>, vector<16xf32>,
    %broadcast_in_dim3A_136 = arith.constant 0.000000e+00 : f32
    %broadcast_in_dim3A_137 = vector.broadcast %broadcast_in_dim3A_136 : f32 to vector<16xf32>
    %swap3A_138 = arith.constant 240 : index
    %swap3A_139 = tpu.vector_load %arg6[%swap3A_138] {strides = array<i32>} : memref<1008xf32, #tpu.memory_space<vmem>>, vector<16xf32>,
    %swap3A_140 = vector.shape_cast %swap3A_139 : vector<16xf32> to vector<16xf32>
    %swap3A_141 = vector.shape_cast %broadcast_in_dim3A_137 : vector<16xf32> to vector<16xf32>
    tpu.vector_store %arg6[%swap3A_138], %swap3A_141 {strides = array<i32>} : memref<1008xf32, #tpu.memory_space<vmem>>, vector<16xf32>,
    %broadcast_in_dim3A_142 = arith.constant 0.000000e+00 : f32
    %broadcast_in_dim3A_143 = vector.broadcast %broadcast_in_dim3A_142 : f32 to vector<16xf32>
    %swap3A_144 = arith.constant 256 : index
    %swap3A_145 = tpu.vector_load %arg6[%swap3A_144] {strides = array<i32>} : memref<1008xf32, #tpu.memory_space<vmem>>, vector<16xf32>,
    %swap3A_146 = vector.shape_cast %swap3A_145 : vector<16xf32> to vector<16xf32>
    %swap3A_147 = vector.shape_cast %broadcast_in_dim3A_143 : vector<16xf32> to vector<16xf32>
    tpu.vector_store %arg6[%swap3A_144], %swap3A_147 {strides = array<i32>} : memref<1008xf32, #tpu.memory_space<vmem>>, vector<16xf32>,
    %broadcast_in_dim3A_148 = arith.constant 0.000000e+00 : f32
    %broadcast_in_dim3A_149 = vector.broadcast %broadcast_in_dim3A_148 : f32 to vector<16xf32>
    %swap3A_150 = arith.constant 272 : index
    %swap3A_151 = tpu.vector_load %arg6[%swap3A_150] {strides = array<i32>} : memref<1008xf32, #tpu.memory_space<vmem>>, vector<16xf32>,
    %swap3A_152 = vector.shape_cast %swap3A_151 : vector<16xf32> to vector<16xf32>
    %swap3A_153 = vector.shape_cast %broadcast_in_dim3A_149 : vector<16xf32> to vector<16xf32>
    tpu.vector_store %arg6[%swap3A_150], %swap3A_153 {strides = array<i32>} : memref<1008xf32, #tpu.memory_space<vmem>>, vector<16xf32>,
    %broadcast_in_dim3A_154 = arith.constant 0.000000e+00 : f32
    %broadcast_in_dim3A_155 = vector.broadcast %broadcast_in_dim3A_154 : f32 to vector<16xf32>
    %swap3A_156 = arith.constant 288 : index
    %swap3A_157 = tpu.vector_load %arg6[%swap3A_156] {strides = array<i32>} : memref<1008xf32, #tpu.memory_space<vmem>>, vector<16xf32>,
    %swap3A_158 = vector.shape_cast %swap3A_157 : vector<16xf32> to vector<16xf32>
    %swap3A_159 = vector.shape_cast %broadcast_in_dim3A_155 : vector<16xf32> to vector<16xf32>
    tpu.vector_store %arg6[%swap3A_156], %swap3A_159 {strides = array<i32>} : memref<1008xf32, #tpu.memory_space<vmem>>, vector<16xf32>,
    %broadcast_in_dim3A_160 = arith.constant 0.000000e+00 : f32
    %broadcast_in_dim3A_161 = vector.broadcast %broadcast_in_dim3A_160 : f32 to vector<16xf32>
    %swap3A_162 = arith.constant 304 : index
    %swap3A_163 = tpu.vector_load %arg6[%swap3A_162] {strides = array<i32>} : memref<1008xf32, #tpu.memory_space<vmem>>, vector<16xf32>,
    %swap3A_164 = vector.shape_cast %swap3A_163 : vector<16xf32> to vector<16xf32>
    %swap3A_165 = vector.shape_cast %broadcast_in_dim3A_161 : vector<16xf32> to vector<16xf32>
    tpu.vector_store %arg6[%swap3A_162], %swap3A_165 {strides = array<i32>} : memref<1008xf32, #tpu.memory_space<vmem>>, vector<16xf32>,
    %broadcast_in_dim3A_166 = arith.constant 0.000000e+00 : f32
    %broadcast_in_dim3A_167 = vector.broadcast %broadcast_in_dim3A_166 : f32 to vector<16xf32>
    %swap3A_168 = arith.constant 320 : index
    %swap3A_169 = tpu.vector_load %arg6[%swap3A_168] {strides = array<i32>} : memref<1008xf32, #tpu.memory_space<vmem>>, vector<16xf32>,
    %swap3A_170 = vector.shape_cast %swap3A_169 : vector<16xf32> to vector<16xf32>
    %swap3A_171 = vector.shape_cast %broadcast_in_dim3A_167 : vector<16xf32> to vector<16xf32>
    tpu.vector_store %arg6[%swap3A_168], %swap3A_171 {strides = array<i32>} : memref<1008xf32, #tpu.memory_space<vmem>>, vector<16xf32>,
    %broadcast_in_dim3A_172 = arith.constant 0.000000e+00 : f32
    %broadcast_in_dim3A_173 = vector.broadcast %broadcast_in_dim3A_172 : f32 to vector<16xf32>
    %swap3A_174 = arith.constant 336 : index
    %swap3A_175 = tpu.vector_load %arg6[%swap3A_174] {strides = array<i32>} : memref<1008xf32, #tpu.memory_space<vmem>>, vector<16xf32>,
    %swap3A_176 = vector.shape_cast %swap3A_175 : vector<16xf32> to vector<16xf32>
    %swap3A_177 = vector.shape_cast %broadcast_in_dim3A_173 : vector<16xf32> to vector<16xf32>
    tpu.vector_store %arg6[%swap3A_174], %swap3A_177 {strides = array<i32>} : memref<1008xf32, #tpu.memory_space<vmem>>, vector<16xf32>,
    %broadcast_in_dim3A_178 = arith.constant 0.000000e+00 : f32
    %broadcast_in_dim3A_179 = vector.broadcast %broadcast_in_dim3A_178 : f32 to vector<16xf32>
    %swap3A_180 = arith.constant 352 : index
    %swap3A_181 = tpu.vector_load %arg6[%swap3A_180] {strides = array<i32>} : memref<1008xf32, #tpu.memory_space<vmem>>, vector<16xf32>,
    %swap3A_182 = vector.shape_cast %swap3A_181 : vector<16xf32> to vector<16xf32>
    %swap3A_183 = vector.shape_cast %broadcast_in_dim3A_179 : vector<16xf32> to vector<16xf32>
    tpu.vector_store %arg6[%swap3A_180], %swap3A_183 {strides = array<i32>} : memref<1008xf32, #tpu.memory_space<vmem>>, vector<16xf32>,
    %broadcast_in_dim3A_184 = arith.constant 0.000000e+00 : f32
    %broadcast_in_dim3A_185 = vector.broadcast %broadcast_in_dim3A_184 : f32 to vector<16xf32>
    %swap3A_186 = arith.constant 368 : index
    %swap3A_187 = tpu.vector_load %arg6[%swap3A_186] {strides = array<i32>} : memref<1008xf32, #tpu.memory_space<vmem>>, vector<16xf32>,
    %swap3A_188 = vector.shape_cast %swap3A_187 : vector<16xf32> to vector<16xf32>
    %swap3A_189 = vector.shape_cast %broadcast_in_dim3A_185 : vector<16xf32> to vector<16xf32>
    tpu.vector_store %arg6[%swap3A_186], %swap3A_189 {strides = array<i32>} : memref<1008xf32, #tpu.memory_space<vmem>>, vector<16xf32>,
    %broadcast_in_dim3A_190 = arith.constant 0.000000e+00 : f32
    %broadcast_in_dim3A_191 = vector.broadcast %broadcast_in_dim3A_190 : f32 to vector<16xf32>
    %swap3A_192 = arith.constant 384 : index
    %swap3A_193 = tpu.vector_load %arg6[%swap3A_192] {strides = array<i32>} : memref<1008xf32, #tpu.memory_space<vmem>>, vector<16xf32>,
    %swap3A_194 = vector.shape_cast %swap3A_193 : vector<16xf32> to vector<16xf32>
    %swap3A_195 = vector.shape_cast %broadcast_in_dim3A_191 : vector<16xf32> to vector<16xf32>
    tpu.vector_store %arg6[%swap3A_192], %swap3A_195 {strides = array<i32>} : memref<1008xf32, #tpu.memory_space<vmem>>, vector<16xf32>,
    %broadcast_in_dim3A_196 = arith.constant 0.000000e+00 : f32
    %broadcast_in_dim3A_197 = vector.broadcast %broadcast_in_dim3A_196 : f32 to vector<16xf32>
    %swap3A_198 = arith.constant 400 : index
    %swap3A_199 = tpu.vector_load %arg6[%swap3A_198] {strides = array<i32>} : memref<1008xf32, #tpu.memory_space<vmem>>, vector<16xf32>,
    %swap3A_200 = vector.shape_cast %swap3A_199 : vector<16xf32> to vector<16xf32>
    %swap3A_201 = vector.shape_cast %broadcast_in_dim3A_197 : vector<16xf32> to vector<16xf32>
    tpu.vector_store %arg6[%swap3A_198], %swap3A_201 {strides = array<i32>} : memref<1008xf32, #tpu.memory_space<vmem>>, vector<16xf32>,
    %broadcast_in_dim3A_202 = arith.constant 0.000000e+00 : f32
    %broadcast_in_dim3A_203 = vector.broadcast %broadcast_in_dim3A_202 : f32 to vector<16xf32>
    %swap3A_204 = arith.constant 416 : index
    %swap3A_205 = tpu.vector_load %arg6[%swap3A_204] {strides = array<i32>} : memref<1008xf32, #tpu.memory_space<vmem>>, vector<16xf32>,
    %swap3A_206 = vector.shape_cast %swap3A_205 : vector<16xf32> to vector<16xf32>
    %swap3A_207 = vector.shape_cast %broadcast_in_dim3A_203 : vector<16xf32> to vector<16xf32>
    tpu.vector_store %arg6[%swap3A_204], %swap3A_207 {strides = array<i32>} : memref<1008xf32, #tpu.memory_space<vmem>>, vector<16xf32>,
    %broadcast_in_dim3A_208 = arith.constant 0.000000e+00 : f32
    %broadcast_in_dim3A_209 = vector.broadcast %broadcast_in_dim3A_208 : f32 to vector<16xf32>
    %swap3A_210 = arith.constant 432 : index
    %swap3A_211 = tpu.vector_load %arg6[%swap3A_210] {strides = array<i32>} : memref<1008xf32, #tpu.memory_space<vmem>>, vector<16xf32>,
    %swap3A_212 = vector.shape_cast %swap3A_211 : vector<16xf32> to vector<16xf32>
    %swap3A_213 = vector.shape_cast %broadcast_in_dim3A_209 : vector<16xf32> to vector<16xf32>
    tpu.vector_store %arg6[%swap3A_210], %swap3A_213 {strides = array<i32>} : memref<1008xf32, #tpu.memory_space<vmem>>, vector<16xf32>,
    %broadcast_in_dim3A_214 = arith.constant 0.000000e+00 : f32
    %broadcast_in_dim3A_215 = vector.broadcast %broadcast_in_dim3A_214 : f32 to vector<16xf32>
    %swap3A_216 = arith.constant 448 : index
    %swap3A_217 = tpu.vector_load %arg6[%swap3A_216] {strides = array<i32>} : memref<1008xf32, #tpu.memory_space<vmem>>, vector<16xf32>,
    %swap3A_218 = vector.shape_cast %swap3A_217 : vector<16xf32> to vector<16xf32>
    %swap3A_219 = vector.shape_cast %broadcast_in_dim3A_215 : vector<16xf32> to vector<16xf32>
    tpu.vector_store %arg6[%swap3A_216], %swap3A_219 {strides = array<i32>} : memref<1008xf32, #tpu.memory_space<vmem>>, vector<16xf32>,
    %broadcast_in_dim3A_220 = arith.constant 0.000000e+00 : f32
    %broadcast_in_dim3A_221 = vector.broadcast %broadcast_in_dim3A_220 : f32 to vector<16xf32>
    %swap3A_222 = arith.constant 464 : index
    %swap3A_223 = tpu.vector_load %arg6[%swap3A_222] {strides = array<i32>} : memref<1008xf32, #tpu.memory_space<vmem>>, vector<16xf32>,
    %swap3A_224 = vector.shape_cast %swap3A_223 : vector<16xf32> to vector<16xf32>
    %swap3A_225 = vector.shape_cast %broadcast_in_dim3A_221 : vector<16xf32> to vector<16xf32>
    tpu.vector_store %arg6[%swap3A_222], %swap3A_225 {strides = array<i32>} : memref<1008xf32, #tpu.memory_space<vmem>>, vector<16xf32>,
    %broadcast_in_dim3A_226 = arith.constant 0.000000e+00 : f32
    %broadcast_in_dim3A_227 = vector.broadcast %broadcast_in_dim3A_226 : f32 to vector<16xf32>
    %swap3A_228 = arith.constant 480 : index
    %swap3A_229 = tpu.vector_load %arg6[%swap3A_228] {strides = array<i32>} : memref<1008xf32, #tpu.memory_space<vmem>>, vector<16xf32>,
    %swap3A_230 = vector.shape_cast %swap3A_229 : vector<16xf32> to vector<16xf32>
    %swap3A_231 = vector.shape_cast %broadcast_in_dim3A_227 : vector<16xf32> to vector<16xf32>
    tpu.vector_store %arg6[%swap3A_228], %swap3A_231 {strides = array<i32>} : memref<1008xf32, #tpu.memory_space<vmem>>, vector<16xf32>,
    %broadcast_in_dim3A_232 = arith.constant 0.000000e+00 : f32
    %broadcast_in_dim3A_233 = vector.broadcast %broadcast_in_dim3A_232 : f32 to vector<16xf32>
    %swap3A_234 = arith.constant 496 : index
    %swap3A_235 = tpu.vector_load %arg6[%swap3A_234] {strides = array<i32>} : memref<1008xf32, #tpu.memory_space<vmem>>, vector<16xf32>,
    %swap3A_236 = vector.shape_cast %swap3A_235 : vector<16xf32> to vector<16xf32>
    %swap3A_237 = vector.shape_cast %broadcast_in_dim3A_233 : vector<16xf32> to vector<16xf32>
    tpu.vector_store %arg6[%swap3A_234], %swap3A_237 {strides = array<i32>} : memref<1008xf32, #tpu.memory_space<vmem>>, vector<16xf32>,
    %broadcast_in_dim3A_238 = arith.constant 0.000000e+00 : f32
    %broadcast_in_dim3A_239 = vector.broadcast %broadcast_in_dim3A_238 : f32 to vector<16xf32>
    %swap3A_240 = arith.constant 512 : index
    %swap3A_241 = tpu.vector_load %arg6[%swap3A_240] {strides = array<i32>} : memref<1008xf32, #tpu.memory_space<vmem>>, vector<16xf32>,
    %swap3A_242 = vector.shape_cast %swap3A_241 : vector<16xf32> to vector<16xf32>
    %swap3A_243 = vector.shape_cast %broadcast_in_dim3A_239 : vector<16xf32> to vector<16xf32>
    tpu.vector_store %arg6[%swap3A_240], %swap3A_243 {strides = array<i32>} : memref<1008xf32, #tpu.memory_space<vmem>>, vector<16xf32>,
    %broadcast_in_dim3A_244 = arith.constant 0.000000e+00 : f32
    %broadcast_in_dim3A_245 = vector.broadcast %broadcast_in_dim3A_244 : f32 to vector<16xf32>
    %swap3A_246 = arith.constant 528 : index
    %swap3A_247 = tpu.vector_load %arg6[%swap3A_246] {strides = array<i32>} : memref<1008xf32, #tpu.memory_space<vmem>>, vector<16xf32>,
    %swap3A_248 = vector.shape_cast %swap3A_247 : vector<16xf32> to vector<16xf32>
    %swap3A_249 = vector.shape_cast %broadcast_in_dim3A_245 : vector<16xf32> to vector<16xf32>
    tpu.vector_store %arg6[%swap3A_246], %swap3A_249 {strides = array<i32>} : memref<1008xf32, #tpu.memory_space<vmem>>, vector<16xf32>,
    %broadcast_in_dim3A_250 = arith.constant 0.000000e+00 : f32
    %broadcast_in_dim3A_251 = vector.broadcast %broadcast_in_dim3A_250 : f32 to vector<16xf32>
    %swap3A_252 = arith.constant 544 : index
    %swap3A_253 = tpu.vector_load %arg6[%swap3A_252] {strides = array<i32>} : memref<1008xf32, #tpu.memory_space<vmem>>, vector<16xf32>,
    %swap3A_254 = vector.shape_cast %swap3A_253 : vector<16xf32> to vector<16xf32>
    %swap3A_255 = vector.shape_cast %broadcast_in_dim3A_251 : vector<16xf32> to vector<16xf32>
    tpu.vector_store %arg6[%swap3A_252], %swap3A_255 {strides = array<i32>} : memref<1008xf32, #tpu.memory_space<vmem>>, vector<16xf32>,
    %broadcast_in_dim3A_256 = arith.constant 0.000000e+00 : f32
    %broadcast_in_dim3A_257 = vector.broadcast %broadcast_in_dim3A_256 : f32 to vector<16xf32>
    %swap3A_258 = arith.constant 560 : index
    %swap3A_259 = tpu.vector_load %arg6[%swap3A_258] {strides = array<i32>} : memref<1008xf32, #tpu.memory_space<vmem>>, vector<16xf32>,
    %swap3A_260 = vector.shape_cast %swap3A_259 : vector<16xf32> to vector<16xf32>
    %swap3A_261 = vector.shape_cast %broadcast_in_dim3A_257 : vector<16xf32> to vector<16xf32>
    tpu.vector_store %arg6[%swap3A_258], %swap3A_261 {strides = array<i32>} : memref<1008xf32, #tpu.memory_space<vmem>>, vector<16xf32>,
    %broadcast_in_dim3A_262 = arith.constant 0.000000e+00 : f32
    %broadcast_in_dim3A_263 = vector.broadcast %broadcast_in_dim3A_262 : f32 to vector<16xf32>
    %swap3A_264 = arith.constant 576 : index
    %swap3A_265 = tpu.vector_load %arg6[%swap3A_264] {strides = array<i32>} : memref<1008xf32, #tpu.memory_space<vmem>>, vector<16xf32>,
    %swap3A_266 = vector.shape_cast %swap3A_265 : vector<16xf32> to vector<16xf32>
    %swap3A_267 = vector.shape_cast %broadcast_in_dim3A_263 : vector<16xf32> to vector<16xf32>
    tpu.vector_store %arg6[%swap3A_264], %swap3A_267 {strides = array<i32>} : memref<1008xf32, #tpu.memory_space<vmem>>, vector<16xf32>,
    %broadcast_in_dim3A_268 = arith.constant 0.000000e+00 : f32
    %broadcast_in_dim3A_269 = vector.broadcast %broadcast_in_dim3A_268 : f32 to vector<16xf32>
    %swap3A_270 = arith.constant 592 : index
    %swap3A_271 = tpu.vector_load %arg6[%swap3A_270] {strides = array<i32>} : memref<1008xf32, #tpu.memory_space<vmem>>, vector<16xf32>,
    %swap3A_272 = vector.shape_cast %swap3A_271 : vector<16xf32> to vector<16xf32>
    %swap3A_273 = vector.shape_cast %broadcast_in_dim3A_269 : vector<16xf32> to vector<16xf32>
    tpu.vector_store %arg6[%swap3A_270], %swap3A_273 {strides = array<i32>} : memref<1008xf32, #tpu.memory_space<vmem>>, vector<16xf32>,
    %broadcast_in_dim3A_274 = arith.constant 0.000000e+00 : f32
    %broadcast_in_dim3A_275 = vector.broadcast %broadcast_in_dim3A_274 : f32 to vector<16xf32>
    %swap3A_276 = arith.constant 608 : index
    %swap3A_277 = tpu.vector_load %arg6[%swap3A_276] {strides = array<i32>} : memref<1008xf32, #tpu.memory_space<vmem>>, vector<16xf32>,
    %swap3A_278 = vector.shape_cast %swap3A_277 : vector<16xf32> to vector<16xf32>
    %swap3A_279 = vector.shape_cast %broadcast_in_dim3A_275 : vector<16xf32> to vector<16xf32>
    tpu.vector_store %arg6[%swap3A_276], %swap3A_279 {strides = array<i32>} : memref<1008xf32, #tpu.memory_space<vmem>>, vector<16xf32>,
    %broadcast_in_dim3A_280 = arith.constant 0.000000e+00 : f32
    %broadcast_in_dim3A_281 = vector.broadcast %broadcast_in_dim3A_280 : f32 to vector<16xf32>
    %swap3A_282 = arith.constant 624 : index
    %swap3A_283 = tpu.vector_load %arg6[%swap3A_282] {strides = array<i32>} : memref<1008xf32, #tpu.memory_space<vmem>>, vector<16xf32>,
    %swap3A_284 = vector.shape_cast %swap3A_283 : vector<16xf32> to vector<16xf32>
    %swap3A_285 = vector.shape_cast %broadcast_in_dim3A_281 : vector<16xf32> to vector<16xf32>
    tpu.vector_store %arg6[%swap3A_282], %swap3A_285 {strides = array<i32>} : memref<1008xf32, #tpu.memory_space<vmem>>, vector<16xf32>,
    %broadcast_in_dim3A_286 = arith.constant 0.000000e+00 : f32
    %broadcast_in_dim3A_287 = vector.broadcast %broadcast_in_dim3A_286 : f32 to vector<16xf32>
    %swap3A_288 = arith.constant 640 : index
    %swap3A_289 = tpu.vector_load %arg6[%swap3A_288] {strides = array<i32>} : memref<1008xf32, #tpu.memory_space<vmem>>, vector<16xf32>,
    %swap3A_290 = vector.shape_cast %swap3A_289 : vector<16xf32> to vector<16xf32>
    %swap3A_291 = vector.shape_cast %broadcast_in_dim3A_287 : vector<16xf32> to vector<16xf32>
    tpu.vector_store %arg6[%swap3A_288], %swap3A_291 {strides = array<i32>} : memref<1008xf32, #tpu.memory_space<vmem>>, vector<16xf32>,
    %broadcast_in_dim3A_292 = arith.constant 0.000000e+00 : f32
    %broadcast_in_dim3A_293 = vector.broadcast %broadcast_in_dim3A_292 : f32 to vector<16xf32>
    %swap3A_294 = arith.constant 656 : index
    %swap3A_295 = tpu.vector_load %arg6[%swap3A_294] {strides = array<i32>} : memref<1008xf32, #tpu.memory_space<vmem>>, vector<16xf32>,
    %swap3A_296 = vector.shape_cast %swap3A_295 : vector<16xf32> to vector<16xf32>
    %swap3A_297 = vector.shape_cast %broadcast_in_dim3A_293 : vector<16xf32> to vector<16xf32>
    tpu.vector_store %arg6[%swap3A_294], %swap3A_297 {strides = array<i32>} : memref<1008xf32, #tpu.memory_space<vmem>>, vector<16xf32>,
    %broadcast_in_dim3A_298 = arith.constant 0.000000e+00 : f32
    %broadcast_in_dim3A_299 = vector.broadcast %broadcast_in_dim3A_298 : f32 to vector<16xf32>
    %swap3A_300 = arith.constant 672 : index
    %swap3A_301 = tpu.vector_load %arg6[%swap3A_300] {strides = array<i32>} : memref<1008xf32, #tpu.memory_space<vmem>>, vector<16xf32>,
    %swap3A_302 = vector.shape_cast %swap3A_301 : vector<16xf32> to vector<16xf32>
    %swap3A_303 = vector.shape_cast %broadcast_in_dim3A_299 : vector<16xf32> to vector<16xf32>
    tpu.vector_store %arg6[%swap3A_300], %swap3A_303 {strides = array<i32>} : memref<1008xf32, #tpu.memory_space<vmem>>, vector<16xf32>,
    %broadcast_in_dim3A_304 = arith.constant 0.000000e+00 : f32
    %broadcast_in_dim3A_305 = vector.broadcast %broadcast_in_dim3A_304 : f32 to vector<16xf32>
    %swap3A_306 = arith.constant 688 : index
    %swap3A_307 = tpu.vector_load %arg6[%swap3A_306] {strides = array<i32>} : memref<1008xf32, #tpu.memory_space<vmem>>, vector<16xf32>,
    %swap3A_308 = vector.shape_cast %swap3A_307 : vector<16xf32> to vector<16xf32>
    %swap3A_309 = vector.shape_cast %broadcast_in_dim3A_305 : vector<16xf32> to vector<16xf32>
    tpu.vector_store %arg6[%swap3A_306], %swap3A_309 {strides = array<i32>} : memref<1008xf32, #tpu.memory_space<vmem>>, vector<16xf32>,
    %broadcast_in_dim3A_310 = arith.constant 0.000000e+00 : f32
    %broadcast_in_dim3A_311 = vector.broadcast %broadcast_in_dim3A_310 : f32 to vector<16xf32>
    %swap3A_312 = arith.constant 704 : index
    %swap3A_313 = tpu.vector_load %arg6[%swap3A_312] {strides = array<i32>} : memref<1008xf32, #tpu.memory_space<vmem>>, vector<16xf32>,
    %swap3A_314 = vector.shape_cast %swap3A_313 : vector<16xf32> to vector<16xf32>
    %swap3A_315 = vector.shape_cast %broadcast_in_dim3A_311 : vector<16xf32> to vector<16xf32>
    tpu.vector_store %arg6[%swap3A_312], %swap3A_315 {strides = array<i32>} : memref<1008xf32, #tpu.memory_space<vmem>>, vector<16xf32>,
    %broadcast_in_dim3A_316 = arith.constant 0.000000e+00 : f32
    %broadcast_in_dim3A_317 = vector.broadcast %broadcast_in_dim3A_316 : f32 to vector<16xf32>
    %swap3A_318 = arith.constant 720 : index
    %swap3A_319 = tpu.vector_load %arg6[%swap3A_318] {strides = array<i32>} : memref<1008xf32, #tpu.memory_space<vmem>>, vector<16xf32>,
    %swap3A_320 = vector.shape_cast %swap3A_319 : vector<16xf32> to vector<16xf32>
    %swap3A_321 = vector.shape_cast %broadcast_in_dim3A_317 : vector<16xf32> to vector<16xf32>
    tpu.vector_store %arg6[%swap3A_318], %swap3A_321 {strides = array<i32>} : memref<1008xf32, #tpu.memory_space<vmem>>, vector<16xf32>,
    %broadcast_in_dim3A_322 = arith.constant 0.000000e+00 : f32
    %broadcast_in_dim3A_323 = vector.broadcast %broadcast_in_dim3A_322 : f32 to vector<16xf32>
    %swap3A_324 = arith.constant 736 : index
    %swap3A_325 = tpu.vector_load %arg6[%swap3A_324] {strides = array<i32>} : memref<1008xf32, #tpu.memory_space<vmem>>, vector<16xf32>,
    %swap3A_326 = vector.shape_cast %swap3A_325 : vector<16xf32> to vector<16xf32>
    %swap3A_327 = vector.shape_cast %broadcast_in_dim3A_323 : vector<16xf32> to vector<16xf32>
    tpu.vector_store %arg6[%swap3A_324], %swap3A_327 {strides = array<i32>} : memref<1008xf32, #tpu.memory_space<vmem>>, vector<16xf32>,
    %broadcast_in_dim3A_328 = arith.constant 0.000000e+00 : f32
    %broadcast_in_dim3A_329 = vector.broadcast %broadcast_in_dim3A_328 : f32 to vector<16xf32>
    %swap3A_330 = arith.constant 752 : index
    %swap3A_331 = tpu.vector_load %arg6[%swap3A_330] {strides = array<i32>} : memref<1008xf32, #tpu.memory_space<vmem>>, vector<16xf32>,
    %swap3A_332 = vector.shape_cast %swap3A_331 : vector<16xf32> to vector<16xf32>
    %swap3A_333 = vector.shape_cast %broadcast_in_dim3A_329 : vector<16xf32> to vector<16xf32>
    tpu.vector_store %arg6[%swap3A_330], %swap3A_333 {strides = array<i32>} : memref<1008xf32, #tpu.memory_space<vmem>>, vector<16xf32>,
    %broadcast_in_dim3A_334 = arith.constant 0.000000e+00 : f32
    %broadcast_in_dim3A_335 = vector.broadcast %broadcast_in_dim3A_334 : f32 to vector<16xf32>
    %swap3A_336 = arith.constant 768 : index
    %swap3A_337 = tpu.vector_load %arg6[%swap3A_336] {strides = array<i32>} : memref<1008xf32, #tpu.memory_space<vmem>>, vector<16xf32>,
    %swap3A_338 = vector.shape_cast %swap3A_337 : vector<16xf32> to vector<16xf32>
    %swap3A_339 = vector.shape_cast %broadcast_in_dim3A_335 : vector<16xf32> to vector<16xf32>
    tpu.vector_store %arg6[%swap3A_336], %swap3A_339 {strides = array<i32>} : memref<1008xf32, #tpu.memory_space<vmem>>, vector<16xf32>,
    %broadcast_in_dim3A_340 = arith.constant 0.000000e+00 : f32
    %broadcast_in_dim3A_341 = vector.broadcast %broadcast_in_dim3A_340 : f32 to vector<16xf32>
    %swap3A_342 = arith.constant 784 : index
    %swap3A_343 = tpu.vector_load %arg6[%swap3A_342] {strides = array<i32>} : memref<1008xf32, #tpu.memory_space<vmem>>, vector<16xf32>,
    %swap3A_344 = vector.shape_cast %swap3A_343 : vector<16xf32> to vector<16xf32>
    %swap3A_345 = vector.shape_cast %broadcast_in_dim3A_341 : vector<16xf32> to vector<16xf32>
    tpu.vector_store %arg6[%swap3A_342], %swap3A_345 {strides = array<i32>} : memref<1008xf32, #tpu.memory_space<vmem>>, vector<16xf32>,
    %broadcast_in_dim3A_346 = arith.constant 0.000000e+00 : f32
    %broadcast_in_dim3A_347 = vector.broadcast %broadcast_in_dim3A_346 : f32 to vector<16xf32>
    %swap3A_348 = arith.constant 800 : index
    %swap3A_349 = tpu.vector_load %arg6[%swap3A_348] {strides = array<i32>} : memref<1008xf32, #tpu.memory_space<vmem>>, vector<16xf32>,
    %swap3A_350 = vector.shape_cast %swap3A_349 : vector<16xf32> to vector<16xf32>
    %swap3A_351 = vector.shape_cast %broadcast_in_dim3A_347 : vector<16xf32> to vector<16xf32>
    tpu.vector_store %arg6[%swap3A_348], %swap3A_351 {strides = array<i32>} : memref<1008xf32, #tpu.memory_space<vmem>>, vector<16xf32>,
    %broadcast_in_dim3A_352 = arith.constant 0.000000e+00 : f32
    %broadcast_in_dim3A_353 = vector.broadcast %broadcast_in_dim3A_352 : f32 to vector<16xf32>
    %swap3A_354 = arith.constant 816 : index
    %swap3A_355 = tpu.vector_load %arg6[%swap3A_354] {strides = array<i32>} : memref<1008xf32, #tpu.memory_space<vmem>>, vector<16xf32>,
    %swap3A_356 = vector.shape_cast %swap3A_355 : vector<16xf32> to vector<16xf32>
    %swap3A_357 = vector.shape_cast %broadcast_in_dim3A_353 : vector<16xf32> to vector<16xf32>
    tpu.vector_store %arg6[%swap3A_354], %swap3A_357 {strides = array<i32>} : memref<1008xf32, #tpu.memory_space<vmem>>, vector<16xf32>,
    %broadcast_in_dim3A_358 = arith.constant 0.000000e+00 : f32
    %broadcast_in_dim3A_359 = vector.broadcast %broadcast_in_dim3A_358 : f32 to vector<16xf32>
    %swap3A_360 = arith.constant 832 : index
    %swap3A_361 = tpu.vector_load %arg6[%swap3A_360] {strides = array<i32>} : memref<1008xf32, #tpu.memory_space<vmem>>, vector<16xf32>,
    %swap3A_362 = vector.shape_cast %swap3A_361 : vector<16xf32> to vector<16xf32>
    %swap3A_363 = vector.shape_cast %broadcast_in_dim3A_359 : vector<16xf32> to vector<16xf32>
    tpu.vector_store %arg6[%swap3A_360], %swap3A_363 {strides = array<i32>} : memref<1008xf32, #tpu.memory_space<vmem>>, vector<16xf32>,
    %broadcast_in_dim3A_364 = arith.constant 0.000000e+00 : f32
    %broadcast_in_dim3A_365 = vector.broadcast %broadcast_in_dim3A_364 : f32 to vector<16xf32>
    %swap3A_366 = arith.constant 848 : index
    %swap3A_367 = tpu.vector_load %arg6[%swap3A_366] {strides = array<i32>} : memref<1008xf32, #tpu.memory_space<vmem>>, vector<16xf32>,
    %swap3A_368 = vector.shape_cast %swap3A_367 : vector<16xf32> to vector<16xf32>
    %swap3A_369 = vector.shape_cast %broadcast_in_dim3A_365 : vector<16xf32> to vector<16xf32>
    tpu.vector_store %arg6[%swap3A_366], %swap3A_369 {strides = array<i32>} : memref<1008xf32, #tpu.memory_space<vmem>>, vector<16xf32>,
    %broadcast_in_dim3A_370 = arith.constant 0.000000e+00 : f32
    %broadcast_in_dim3A_371 = vector.broadcast %broadcast_in_dim3A_370 : f32 to vector<16xf32>
    %swap3A_372 = arith.constant 864 : index
    %swap3A_373 = tpu.vector_load %arg6[%swap3A_372] {strides = array<i32>} : memref<1008xf32, #tpu.memory_space<vmem>>, vector<16xf32>,
    %swap3A_374 = vector.shape_cast %swap3A_373 : vector<16xf32> to vector<16xf32>
    %swap3A_375 = vector.shape_cast %broadcast_in_dim3A_371 : vector<16xf32> to vector<16xf32>
    tpu.vector_store %arg6[%swap3A_372], %swap3A_375 {strides = array<i32>} : memref<1008xf32, #tpu.memory_space<vmem>>, vector<16xf32>,
    %broadcast_in_dim3A_376 = arith.constant 0.000000e+00 : f32
    %broadcast_in_dim3A_377 = vector.broadcast %broadcast_in_dim3A_376 : f32 to vector<16xf32>
    %swap3A_378 = arith.constant 880 : index
    %swap3A_379 = tpu.vector_load %arg6[%swap3A_378] {strides = array<i32>} : memref<1008xf32, #tpu.memory_space<vmem>>, vector<16xf32>,
    %swap3A_380 = vector.shape_cast %swap3A_379 : vector<16xf32> to vector<16xf32>
    %swap3A_381 = vector.shape_cast %broadcast_in_dim3A_377 : vector<16xf32> to vector<16xf32>
    tpu.vector_store %arg6[%swap3A_378], %swap3A_381 {strides = array<i32>} : memref<1008xf32, #tpu.memory_space<vmem>>, vector<16xf32>,
    %broadcast_in_dim3A_382 = arith.constant 0.000000e+00 : f32
    %broadcast_in_dim3A_383 = vector.broadcast %broadcast_in_dim3A_382 : f32 to vector<16xf32>
    %swap3A_384 = arith.constant 896 : index
    %swap3A_385 = tpu.vector_load %arg6[%swap3A_384] {strides = array<i32>} : memref<1008xf32, #tpu.memory_space<vmem>>, vector<16xf32>,
    %swap3A_386 = vector.shape_cast %swap3A_385 : vector<16xf32> to vector<16xf32>
    %swap3A_387 = vector.shape_cast %broadcast_in_dim3A_383 : vector<16xf32> to vector<16xf32>
    tpu.vector_store %arg6[%swap3A_384], %swap3A_387 {strides = array<i32>} : memref<1008xf32, #tpu.memory_space<vmem>>, vector<16xf32>,
    %broadcast_in_dim3A_388 = arith.constant 0.000000e+00 : f32
    %broadcast_in_dim3A_389 = vector.broadcast %broadcast_in_dim3A_388 : f32 to vector<16xf32>
    %swap3A_390 = arith.constant 912 : index
    %swap3A_391 = tpu.vector_load %arg6[%swap3A_390] {strides = array<i32>} : memref<1008xf32, #tpu.memory_space<vmem>>, vector<16xf32>,
    %swap3A_392 = vector.shape_cast %swap3A_391 : vector<16xf32> to vector<16xf32>
    %swap3A_393 = vector.shape_cast %broadcast_in_dim3A_389 : vector<16xf32> to vector<16xf32>
    tpu.vector_store %arg6[%swap3A_390], %swap3A_393 {strides = array<i32>} : memref<1008xf32, #tpu.memory_space<vmem>>, vector<16xf32>,
    %broadcast_in_dim3A_394 = arith.constant 0.000000e+00 : f32
    %broadcast_in_dim3A_395 = vector.broadcast %broadcast_in_dim3A_394 : f32 to vector<16xf32>
    %swap3A_396 = arith.constant 928 : index
    %swap3A_397 = tpu.vector_load %arg6[%swap3A_396] {strides = array<i32>} : memref<1008xf32, #tpu.memory_space<vmem>>, vector<16xf32>,
    %swap3A_398 = vector.shape_cast %swap3A_397 : vector<16xf32> to vector<16xf32>
    %swap3A_399 = vector.shape_cast %broadcast_in_dim3A_395 : vector<16xf32> to vector<16xf32>
    tpu.vector_store %arg6[%swap3A_396], %swap3A_399 {strides = array<i32>} : memref<1008xf32, #tpu.memory_space<vmem>>, vector<16xf32>,
    %broadcast_in_dim3A_400 = arith.constant 0.000000e+00 : f32
    %broadcast_in_dim3A_401 = vector.broadcast %broadcast_in_dim3A_400 : f32 to vector<16xf32>
    %swap3A_402 = arith.constant 944 : index
    %swap3A_403 = tpu.vector_load %arg6[%swap3A_402] {strides = array<i32>} : memref<1008xf32, #tpu.memory_space<vmem>>, vector<16xf32>,
    %swap3A_404 = vector.shape_cast %swap3A_403 : vector<16xf32> to vector<16xf32>
    %swap3A_405 = vector.shape_cast %broadcast_in_dim3A_401 : vector<16xf32> to vector<16xf32>
    tpu.vector_store %arg6[%swap3A_402], %swap3A_405 {strides = array<i32>} : memref<1008xf32, #tpu.memory_space<vmem>>, vector<16xf32>,
    %broadcast_in_dim3A_406 = arith.constant 0.000000e+00 : f32
    %broadcast_in_dim3A_407 = vector.broadcast %broadcast_in_dim3A_406 : f32 to vector<16xf32>
    %swap3A_408 = arith.constant 960 : index
    %swap3A_409 = tpu.vector_load %arg6[%swap3A_408] {strides = array<i32>} : memref<1008xf32, #tpu.memory_space<vmem>>, vector<16xf32>,
    %swap3A_410 = vector.shape_cast %swap3A_409 : vector<16xf32> to vector<16xf32>
    %swap3A_411 = vector.shape_cast %broadcast_in_dim3A_407 : vector<16xf32> to vector<16xf32>
    tpu.vector_store %arg6[%swap3A_408], %swap3A_411 {strides = array<i32>} : memref<1008xf32, #tpu.memory_space<vmem>>, vector<16xf32>,
    %broadcast_in_dim3A_412 = arith.constant 0.000000e+00 : f32
    %broadcast_in_dim3A_413 = vector.broadcast %broadcast_in_dim3A_412 : f32 to vector<16xf32>
    %swap3A_414 = arith.constant 976 : index
    %swap3A_415 = tpu.vector_load %arg6[%swap3A_414] {strides = array<i32>} : memref<1008xf32, #tpu.memory_space<vmem>>, vector<16xf32>,
    %swap3A_416 = vector.shape_cast %swap3A_415 : vector<16xf32> to vector<16xf32>
    %swap3A_417 = vector.shape_cast %broadcast_in_dim3A_413 : vector<16xf32> to vector<16xf32>
    tpu.vector_store %arg6[%swap3A_414], %swap3A_417 {strides = array<i32>} : memref<1008xf32, #tpu.memory_space<vmem>>, vector<16xf32>,
    %broadcast_in_dim3A_418 = arith.constant 0.000000e+00 : f32
    %broadcast_in_dim3A_419 = vector.broadcast %broadcast_in_dim3A_418 : f32 to vector<16xf32>
    %swap3A_420 = arith.constant 992 : index
    %swap3A_421 = tpu.vector_load %arg6[%swap3A_420] {strides = array<i32>} : memref<1008xf32, #tpu.memory_space<vmem>>, vector<16xf32>,
    %swap3A_422 = vector.shape_cast %swap3A_421 : vector<16xf32> to vector<16xf32>
    %swap3A_423 = vector.shape_cast %broadcast_in_dim3A_419 : vector<16xf32> to vector<16xf32>
    tpu.vector_store %arg6[%swap3A_420], %swap3A_423 {strides = array<i32>} : memref<1008xf32, #tpu.memory_space<vmem>>, vector<16xf32>,
    %lt3A = arith.constant 10 : i32
    %lt3A_424 = arith.cmpi slt, %arg1, %lt3A : i32
    %convert_element_type3A = arith.extui %lt3A_424 : i1 to i32
    %cond3A = arith.constant 0 : i32
    %cond3A_425 = arith.cmpi ne, %convert_element_type3A, %cond3A : i32
    scf.if %cond3A_425 {
      %mul3A = arith.constant 1000 : i32
      %mul3A_500 = arith.muli %arg1, %mul3A : i32
      "tpu.region"() ({
        %run_scoped3A = tpu.sem_alloc : memref<!tpu.dma_semaphore, #tpu.memory_space<semaphore_mem>>
        %dma_start3A = arith.constant 0 : i32
        %dma_start3A_501 = tpu.memref_slice %arg6[%dma_start3A] : memref<1008xf32, #tpu.memory_space<vmem>> -> memref<1000xf32, #tpu.memory_space<vmem>>
        %dma_start3A_502 = tpu.memref_slice %arg9[%mul3A_500] : memref<10000xf32, #tpu.memory_space<vmem_shared>> -> memref<1000xf32, #tpu.memory_space<vmem_shared>>
        %dma_start3A_503 = tpu.memref_slice %arg9[%mul3A_500] : memref<10000xf32, #tpu.memory_space<vmem_shared>> -> memref<1000xf32, #tpu.memory_space<vmem_shared>>
        %dma_start3A_504 = arith.constant 0 : i32
        %dma_start3A_505 = tpu.memref_slice %arg6[%dma_start3A_504] : memref<1008xf32, #tpu.memory_space<vmem>> -> memref<1000xf32, #tpu.memory_space<vmem>>
        tpu.enqueue_dma source(%dma_start3A_505 : memref<1000xf32, #tpu.memory_space<vmem>>) target(%dma_start3A_503 : memref<1000xf32, #tpu.memory_space<vmem_shared>>) target_semaphore(%run_scoped3A : memref<!tpu.dma_semaphore, #tpu.memory_space<semaphore_mem>>)
        %dma_wait3A_506 = arith.constant 0 : i32
        %dma_wait3A_507 = tpu.memref_slice %arg6[%dma_wait3A_506] : memref<1008xf32, #tpu.memory_space<vmem>> -> memref<1000xf32, #tpu.memory_space<vmem>>
        %dma_wait3A_508 = tpu.memref_slice %arg9[%mul3A_500] : memref<10000xf32, #tpu.memory_space<vmem_shared>> -> memref<1000xf32, #tpu.memory_space<vmem_shared>>
        %dma_wait3A_509 = tpu.memref_slice %arg9[%mul3A_500] : memref<10000xf32, #tpu.memory_space<vmem_shared>> -> memref<1000xf32, #tpu.memory_space<vmem_shared>>
        %dma_wait3A_510 = arith.constant 0 : i32
        %dma_wait3A_511 = tpu.memref_slice %arg6[%dma_wait3A_510] : memref<1008xf32, #tpu.memory_space<vmem>> -> memref<1000xf32, #tpu.memory_space<vmem>>
        tpu.wait_dma2 semaphore(%run_scoped3A : memref<!tpu.dma_semaphore, #tpu.memory_space<semaphore_mem>>) src(%dma_wait3A_511 : memref<1000xf32, #tpu.memory_space<vmem>>) dst(%dma_wait3A_509 : memref<1000xf32, #tpu.memory_space<vmem_shared>>)
        tpu.yield
      }) : () -> ()
    } else {
    }
    "tpu.region"() ({
      %run_scoped3A = tpu.sem_alloc : memref<!tpu.dma_semaphore, #tpu.memory_space<semaphore_mem>>
      %dma_start3A = arith.constant 0 : i32
      %dma_start3A_500 = arith.constant 0 : i32
      %dma_start3A_501 = tpu.memref_slice %arg2[%arg1, %dma_start3A, %dma_start3A_500] : memref<16x160x125xi32, #tpu.memory_space<hbm>> -> memref<1x160x125xi32, #tpu.memory_space<hbm>>
      %dma_start3A_502 = tpu.memref_squeeze %dma_start3A_501 : memref<1x160x125xi32, #tpu.memory_space<hbm>> -> memref<160x125xi32, #tpu.memory_space<hbm>>
      %dma_start3A_503 = arith.constant 0 : i32
      %dma_start3A_504 = arith.constant 0 : i32
      %dma_start3A_505 = tpu.memref_slice %arg2[%arg1, %dma_start3A_503, %dma_start3A_504] : memref<16x160x125xi32, #tpu.memory_space<hbm>> -> memref<1x160x125xi32, #tpu.memory_space<hbm>>
      %dma_start3A_506 = tpu.memref_squeeze %dma_start3A_505 : memref<1x160x125xi32, #tpu.memory_space<hbm>> -> memref<160x125xi32, #tpu.memory_space<hbm>>
      tpu.enqueue_dma source(%dma_start3A_506 : memref<160x125xi32, #tpu.memory_space<hbm>>) target(%arg4 : memref<160x125xi32, #tpu.memory_space<vmem>>) target_semaphore(%run_scoped3A : memref<!tpu.dma_semaphore, #tpu.memory_space<semaphore_mem>>)
      %dma_wait3A_507 = arith.constant 0 : i32
      %dma_wait3A_508 = arith.constant 0 : i32
      %dma_wait3A_509 = tpu.memref_slice %arg2[%arg1, %dma_wait3A_507, %dma_wait3A_508] : memref<16x160x125xi32, #tpu.memory_space<hbm>> -> memref<1x160x125xi32, #tpu.memory_space<hbm>>
      %dma_wait3A_510 = tpu.memref_squeeze %dma_wait3A_509 : memref<1x160x125xi32, #tpu.memory_space<hbm>> -> memref<160x125xi32, #tpu.memory_space<hbm>>
      %dma_wait3A_511 = arith.constant 0 : i32
      %dma_wait3A_512 = arith.constant 0 : i32
      %dma_wait3A_513 = tpu.memref_slice %arg2[%arg1, %dma_wait3A_511, %dma_wait3A_512] : memref<16x160x125xi32, #tpu.memory_space<hbm>> -> memref<1x160x125xi32, #tpu.memory_space<hbm>>
      %dma_wait3A_514 = tpu.memref_squeeze %dma_wait3A_513 : memref<1x160x125xi32, #tpu.memory_space<hbm>> -> memref<160x125xi32, #tpu.memory_space<hbm>>
      tpu.wait_dma2 semaphore(%run_scoped3A : memref<!tpu.dma_semaphore, #tpu.memory_space<semaphore_mem>>) src(%dma_wait3A_514 : memref<160x125xi32, #tpu.memory_space<hbm>>) dst(%arg4 : memref<160x125xi32, #tpu.memory_space<vmem>>)
      tpu.yield
    }) : () -> ()
    %barrier3A = arith.constant 0 : index
    tpu.barrier barrier_id(%barrier3A)
    %scan3A = arith.constant 0 : i32
    %scan3A_426 = arith.constant 0 : i32
    %scan3A_427 = arith.constant 160 : i32
    %scan3A_428 = arith.addi %scan3A_426, %scan3A_427 : i32
    %scan3A_429 = arith.constant 1 : i32
    scf.for %scan3A_500 = %scan3A_426 to %scan3A_428 step %scan3A_429  : i32 {
      %ge3A = arith.constant 8 : i32
      %ge3A_501 = arith.cmpi sge, %scan3A_500, %ge3A : i32
      %convert_element_type3A_502 = arith.extui %ge3A_501 : i1 to i32
      %cond3A_503 = arith.constant 0 : i32
      %cond3A_504 = arith.cmpi ne, %convert_element_type3A_502, %cond3A_503 : i32
      scf.if %cond3A_504 {
        %dma_wait3A_511 = arith.constant 0 : i32
        %dma_wait3A_512 = arith.constant 0 : i32
        %dma_wait3A_513 = tpu.memref_slice %arg5[%dma_wait3A_512] : memref<128xf32, #tpu.memory_space<vmem>> -> memref<125xf32, #tpu.memory_space<vmem>>
        %dma_wait3A_514 = arith.constant 0 : i32
        %dma_wait3A_515 = tpu.memref_slice %arg4[%dma_wait3A_511, %dma_wait3A_514] : memref<160x125xi32, #tpu.memory_space<vmem>> -> memref<1x125xi32, #tpu.memory_space<vmem>>
        %dma_wait3A_516 = tpu.memref_squeeze %dma_wait3A_515 : memref<1x125xi32, #tpu.memory_space<vmem>> -> memref<125xi32, #tpu.memory_space<vmem>>
        %dma_wait3A_517 = arith.constant 0 : i32
        %dma_wait3A_518 = tpu.memref_slice %arg9[%dma_wait3A_517] : memref<10000xf32, #tpu.memory_space<vmem_shared>> -> memref<10000xf32, #tpu.memory_space<vmem_shared>>
        tpu.wait_indirect_dma semaphore(%arg8 : memref<!tpu.dma_semaphore, #tpu.memory_space<semaphore_mem>>) src(%dma_wait3A_513 : memref<125xf32, #tpu.memory_space<vmem>>) dst(%dma_wait3A_518 : memref<10000xf32, #tpu.memory_space<vmem_shared>>)
      } else {
      }
      %dma_start3A = arith.constant 0 : i32
      %dma_start3A_505 = tpu.memref_slice %arg5[%dma_start3A] : memref<128xf32, #tpu.memory_space<vmem>> -> memref<125xf32, #tpu.memory_space<vmem>>
      %dma_start3A_506 = arith.constant 0 : i32
      %dma_start3A_507 = tpu.memref_slice %arg4[%scan3A_500, %dma_start3A_506] : memref<160x125xi32, #tpu.memory_space<vmem>> -> memref<1x125xi32, #tpu.memory_space<vmem>>
      %dma_start3A_508 = tpu.memref_squeeze %dma_start3A_507 : memref<1x125xi32, #tpu.memory_space<vmem>> -> memref<125xi32, #tpu.memory_space<vmem>>
      %dma_start3A_509 = arith.constant 0 : i32
      %dma_start3A_510 = tpu.memref_slice %arg9[%dma_start3A_509] : memref<10000xf32, #tpu.memory_space<vmem_shared>> -> memref<10000xf32, #tpu.memory_space<vmem_shared>>
      tpu.enqueue_indirect_dma source(%dma_start3A_505 : memref<125xf32, #tpu.memory_space<vmem>>) target(%dma_start3A_510 : memref<10000xf32, #tpu.memory_space<vmem_shared>>) offsets(%dma_start3A_508 : memref<125xi32, #tpu.memory_space<vmem>>) semaphore(%arg8 : memref<!tpu.dma_semaphore, #tpu.memory_space<semaphore_mem>>) {add = true}
    }
    %scan3A_430 = arith.constant 160 : i32
    %dma_wait3A = arith.constant 0 : i32
    %dma_wait3A_431 = arith.constant 0 : i32
    %dma_wait3A_432 = tpu.memref_slice %arg5[%dma_wait3A_431] : memref<128xf32, #tpu.memory_space<vmem>> -> memref<125xf32, #tpu.memory_space<vmem>>
    %dma_wait3A_433 = arith.constant 0 : i32
    %dma_wait3A_434 = tpu.memref_slice %arg4[%dma_wait3A, %dma_wait3A_433] : memref<160x125xi32, #tpu.memory_space<vmem>> -> memref<1x125xi32, #tpu.memory_space<vmem>>
    %dma_wait3A_435 = tpu.memref_squeeze %dma_wait3A_434 : memref<1x125xi32, #tpu.memory_space<vmem>> -> memref<125xi32, #tpu.memory_space<vmem>>
    %dma_wait3A_436 = arith.constant 0 : i32
    %dma_wait3A_437 = tpu.memref_slice %arg9[%dma_wait3A_436] : memref<10000xf32, #tpu.memory_space<vmem_shared>> -> memref<10000xf32, #tpu.memory_space<vmem_shared>>
    tpu.wait_indirect_dma semaphore(%arg8 : memref<!tpu.dma_semaphore, #tpu.memory_space<semaphore_mem>>) src(%dma_wait3A_432 : memref<125xf32, #tpu.memory_space<vmem>>) dst(%dma_wait3A_437 : memref<10000xf32, #tpu.memory_space<vmem_shared>>)
    %dma_wait3A_438 = arith.constant 0 : i32
    %dma_wait3A_439 = arith.constant 0 : i32
    %dma_wait3A_440 = tpu.memref_slice %arg5[%dma_wait3A_439] : memref<128xf32, #tpu.memory_space<vmem>> -> memref<125xf32, #tpu.memory_space<vmem>>
    %dma_wait3A_441 = arith.constant 0 : i32
    %dma_wait3A_442 = tpu.memref_slice %arg4[%dma_wait3A_438, %dma_wait3A_441] : memref<160x125xi32, #tpu.memory_space<vmem>> -> memref<1x125xi32, #tpu.memory_space<vmem>>
    %dma_wait3A_443 = tpu.memref_squeeze %dma_wait3A_442 : memref<1x125xi32, #tpu.memory_space<vmem>> -> memref<125xi32, #tpu.memory_space<vmem>>
    %dma_wait3A_444 = arith.constant 0 : i32
    %dma_wait3A_445 = tpu.memref_slice %arg9[%dma_wait3A_444] : memref<10000xf32, #tpu.memory_space<vmem_shared>> -> memref<10000xf32, #tpu.memory_space<vmem_shared>>
    tpu.wait_indirect_dma semaphore(%arg8 : memref<!tpu.dma_semaphore, #tpu.memory_space<semaphore_mem>>) src(%dma_wait3A_440 : memref<125xf32, #tpu.memory_space<vmem>>) dst(%dma_wait3A_445 : memref<10000xf32, #tpu.memory_space<vmem_shared>>)
    %dma_wait3A_446 = arith.constant 0 : i32
    %dma_wait3A_447 = arith.constant 0 : i32
    %dma_wait3A_448 = tpu.memref_slice %arg5[%dma_wait3A_447] : memref<128xf32, #tpu.memory_space<vmem>> -> memref<125xf32, #tpu.memory_space<vmem>>
    %dma_wait3A_449 = arith.constant 0 : i32
    %dma_wait3A_450 = tpu.memref_slice %arg4[%dma_wait3A_446, %dma_wait3A_449] : memref<160x125xi32, #tpu.memory_space<vmem>> -> memref<1x125xi32, #tpu.memory_space<vmem>>
    %dma_wait3A_451 = tpu.memref_squeeze %dma_wait3A_450 : memref<1x125xi32, #tpu.memory_space<vmem>> -> memref<125xi32, #tpu.memory_space<vmem>>
    %dma_wait3A_452 = arith.constant 0 : i32
    %dma_wait3A_453 = tpu.memref_slice %arg9[%dma_wait3A_452] : memref<10000xf32, #tpu.memory_space<vmem_shared>> -> memref<10000xf32, #tpu.memory_space<vmem_shared>>
    tpu.wait_indirect_dma semaphore(%arg8 : memref<!tpu.dma_semaphore, #tpu.memory_space<semaphore_mem>>) src(%dma_wait3A_448 : memref<125xf32, #tpu.memory_space<vmem>>) dst(%dma_wait3A_453 : memref<10000xf32, #tpu.memory_space<vmem_shared>>)
    %dma_wait3A_454 = arith.constant 0 : i32
    %dma_wait3A_455 = arith.constant 0 : i32
    %dma_wait3A_456 = tpu.memref_slice %arg5[%dma_wait3A_455] : memref<128xf32, #tpu.memory_space<vmem>> -> memref<125xf32, #tpu.memory_space<vmem>>
    %dma_wait3A_457 = arith.constant 0 : i32
    %dma_wait3A_458 = tpu.memref_slice %arg4[%dma_wait3A_454, %dma_wait3A_457] : memref<160x125xi32, #tpu.memory_space<vmem>> -> memref<1x125xi32, #tpu.memory_space<vmem>>
    %dma_wait3A_459 = tpu.memref_squeeze %dma_wait3A_458 : memref<1x125xi32, #tpu.memory_space<vmem>> -> memref<125xi32, #tpu.memory_space<vmem>>
    %dma_wait3A_460 = arith.constant 0 : i32
    %dma_wait3A_461 = tpu.memref_slice %arg9[%dma_wait3A_460] : memref<10000xf32, #tpu.memory_space<vmem_shared>> -> memref<10000xf32, #tpu.memory_space<vmem_shared>>
    tpu.wait_indirect_dma semaphore(%arg8 : memref<!tpu.dma_semaphore, #tpu.memory_space<semaphore_mem>>) src(%dma_wait3A_456 : memref<125xf32, #tpu.memory_space<vmem>>) dst(%dma_wait3A_461 : memref<10000xf32, #tpu.memory_space<vmem_shared>>)
    %dma_wait3A_462 = arith.constant 0 : i32
    %dma_wait3A_463 = arith.constant 0 : i32
    %dma_wait3A_464 = tpu.memref_slice %arg5[%dma_wait3A_463] : memref<128xf32, #tpu.memory_space<vmem>> -> memref<125xf32, #tpu.memory_space<vmem>>
    %dma_wait3A_465 = arith.constant 0 : i32
    %dma_wait3A_466 = tpu.memref_slice %arg4[%dma_wait3A_462, %dma_wait3A_465] : memref<160x125xi32, #tpu.memory_space<vmem>> -> memref<1x125xi32, #tpu.memory_space<vmem>>
    %dma_wait3A_467 = tpu.memref_squeeze %dma_wait3A_466 : memref<1x125xi32, #tpu.memory_space<vmem>> -> memref<125xi32, #tpu.memory_space<vmem>>
    %dma_wait3A_468 = arith.constant 0 : i32
    %dma_wait3A_469 = tpu.memref_slice %arg9[%dma_wait3A_468] : memref<10000xf32, #tpu.memory_space<vmem_shared>> -> memref<10000xf32, #tpu.memory_space<vmem_shared>>
    tpu.wait_indirect_dma semaphore(%arg8 : memref<!tpu.dma_semaphore, #tpu.memory_space<semaphore_mem>>) src(%dma_wait3A_464 : memref<125xf32, #tpu.memory_space<vmem>>) dst(%dma_wait3A_469 : memref<10000xf32, #tpu.memory_space<vmem_shared>>)
    %dma_wait3A_470 = arith.constant 0 : i32
    %dma_wait3A_471 = arith.constant 0 : i32
    %dma_wait3A_472 = tpu.memref_slice %arg5[%dma_wait3A_471] : memref<128xf32, #tpu.memory_space<vmem>> -> memref<125xf32, #tpu.memory_space<vmem>>
    %dma_wait3A_473 = arith.constant 0 : i32
    %dma_wait3A_474 = tpu.memref_slice %arg4[%dma_wait3A_470, %dma_wait3A_473] : memref<160x125xi32, #tpu.memory_space<vmem>> -> memref<1x125xi32, #tpu.memory_space<vmem>>
    %dma_wait3A_475 = tpu.memref_squeeze %dma_wait3A_474 : memref<1x125xi32, #tpu.memory_space<vmem>> -> memref<125xi32, #tpu.memory_space<vmem>>
    %dma_wait3A_476 = arith.constant 0 : i32
    %dma_wait3A_477 = tpu.memref_slice %arg9[%dma_wait3A_476] : memref<10000xf32, #tpu.memory_space<vmem_shared>> -> memref<10000xf32, #tpu.memory_space<vmem_shared>>
    tpu.wait_indirect_dma semaphore(%arg8 : memref<!tpu.dma_semaphore, #tpu.memory_space<semaphore_mem>>) src(%dma_wait3A_472 : memref<125xf32, #tpu.memory_space<vmem>>) dst(%dma_wait3A_477 : memref<10000xf32, #tpu.memory_space<vmem_shared>>)
    %dma_wait3A_478 = arith.constant 0 : i32
    %dma_wait3A_479 = arith.constant 0 : i32
    %dma_wait3A_480 = tpu.memref_slice %arg5[%dma_wait3A_479] : memref<128xf32, #tpu.memory_space<vmem>> -> memref<125xf32, #tpu.memory_space<vmem>>
    %dma_wait3A_481 = arith.constant 0 : i32
    %dma_wait3A_482 = tpu.memref_slice %arg4[%dma_wait3A_478, %dma_wait3A_481] : memref<160x125xi32, #tpu.memory_space<vmem>> -> memref<1x125xi32, #tpu.memory_space<vmem>>
    %dma_wait3A_483 = tpu.memref_squeeze %dma_wait3A_482 : memref<1x125xi32, #tpu.memory_space<vmem>> -> memref<125xi32, #tpu.memory_space<vmem>>
    %dma_wait3A_484 = arith.constant 0 : i32
    %dma_wait3A_485 = tpu.memref_slice %arg9[%dma_wait3A_484] : memref<10000xf32, #tpu.memory_space<vmem_shared>> -> memref<10000xf32, #tpu.memory_space<vmem_shared>>
    tpu.wait_indirect_dma semaphore(%arg8 : memref<!tpu.dma_semaphore, #tpu.memory_space<semaphore_mem>>) src(%dma_wait3A_480 : memref<125xf32, #tpu.memory_space<vmem>>) dst(%dma_wait3A_485 : memref<10000xf32, #tpu.memory_space<vmem_shared>>)
    %dma_wait3A_486 = arith.constant 0 : i32
    %dma_wait3A_487 = arith.constant 0 : i32
    %dma_wait3A_488 = tpu.memref_slice %arg5[%dma_wait3A_487] : memref<128xf32, #tpu.memory_space<vmem>> -> memref<125xf32, #tpu.memory_space<vmem>>
    %dma_wait3A_489 = arith.constant 0 : i32
    %dma_wait3A_490 = tpu.memref_slice %arg4[%dma_wait3A_486, %dma_wait3A_489] : memref<160x125xi32, #tpu.memory_space<vmem>> -> memref<1x125xi32, #tpu.memory_space<vmem>>
    %dma_wait3A_491 = tpu.memref_squeeze %dma_wait3A_490 : memref<1x125xi32, #tpu.memory_space<vmem>> -> memref<125xi32, #tpu.memory_space<vmem>>
    %dma_wait3A_492 = arith.constant 0 : i32
    %dma_wait3A_493 = tpu.memref_slice %arg9[%dma_wait3A_492] : memref<10000xf32, #tpu.memory_space<vmem_shared>> -> memref<10000xf32, #tpu.memory_space<vmem_shared>>
    tpu.wait_indirect_dma semaphore(%arg8 : memref<!tpu.dma_semaphore, #tpu.memory_space<semaphore_mem>>) src(%dma_wait3A_488 : memref<125xf32, #tpu.memory_space<vmem>>) dst(%dma_wait3A_493 : memref<10000xf32, #tpu.memory_space<vmem_shared>>)
    %barrier3A_494 = arith.constant 0 : index
    tpu.barrier barrier_id(%barrier3A_494)
    %lt3A_495 = arith.constant 5 : i32
    %lt3A_496 = arith.cmpi slt, %arg1, %lt3A_495 : i32
    %convert_element_type3A_497 = arith.extui %lt3A_496 : i1 to i32
    %cond3A_498 = arith.constant 0 : i32
    %cond3A_499 = arith.cmpi ne, %convert_element_type3A_497, %cond3A_498 : i32
    scf.if %cond3A_499 {
      %mul3A = arith.constant 5000 : i32
      %mul3A_500 = arith.muli %arg0, %mul3A : i32
      %mul3A_501 = arith.constant 1000 : i32
      %mul3A_502 = arith.muli %arg1, %mul3A_501 : i32
      %add3A = arith.addi %mul3A_500, %mul3A_502 : i32
      "tpu.region"() ({
        %run_scoped3A = tpu.sem_alloc : memref<!tpu.dma_semaphore, #tpu.memory_space<semaphore_mem>>
        %dma_start3A = tpu.memref_slice %arg9[%add3A] : memref<10000xf32, #tpu.memory_space<vmem_shared>> -> memref<1000xf32, #tpu.memory_space<vmem_shared>>
        %dma_start3A_503 = tpu.memref_slice %arg9[%add3A] : memref<10000xf32, #tpu.memory_space<vmem_shared>> -> memref<1000xf32, #tpu.memory_space<vmem_shared>>
        tpu.enqueue_dma source(%dma_start3A_503 : memref<1000xf32, #tpu.memory_space<vmem_shared>>) target(%arg7 : memref<1000xf32, #tpu.memory_space<vmem>>) target_semaphore(%run_scoped3A : memref<!tpu.dma_semaphore, #tpu.memory_space<semaphore_mem>>)
        %dma_wait3A_504 = tpu.memref_slice %arg9[%add3A] : memref<10000xf32, #tpu.memory_space<vmem_shared>> -> memref<1000xf32, #tpu.memory_space<vmem_shared>>
        %dma_wait3A_505 = tpu.memref_slice %arg9[%add3A] : memref<10000xf32, #tpu.memory_space<vmem_shared>> -> memref<1000xf32, #tpu.memory_space<vmem_shared>>
        tpu.wait_dma2 semaphore(%run_scoped3A : memref<!tpu.dma_semaphore, #tpu.memory_space<semaphore_mem>>) src(%dma_wait3A_505 : memref<1000xf32, #tpu.memory_space<vmem_shared>>) dst(%arg7 : memref<1000xf32, #tpu.memory_space<vmem>>)
        tpu.yield
      }) : () -> ()
      "tpu.region"() ({
        %run_scoped3A = tpu.sem_alloc : memref<!tpu.dma_semaphore, #tpu.memory_space<semaphore_mem>>
        %dma_start3A = tpu.memref_slice %arg3[%add3A] : memref<10000xf32, #tpu.memory_space<hbm>> -> memref<1000xf32, #tpu.memory_space<hbm>>
        %dma_start3A_503 = tpu.memref_slice %arg3[%add3A] : memref<10000xf32, #tpu.memory_space<hbm>> -> memref<1000xf32, #tpu.memory_space<hbm>>
        tpu.enqueue_dma source(%arg7 : memref<1000xf32, #tpu.memory_space<vmem>>) target(%dma_start3A_503 : memref<1000xf32, #tpu.memory_space<hbm>>) target_semaphore(%run_scoped3A : memref<!tpu.dma_semaphore, #tpu.memory_space<semaphore_mem>>)
        %dma_wait3A_504 = tpu.memref_slice %arg3[%add3A] : memref<10000xf32, #tpu.memory_space<hbm>> -> memref<1000xf32, #tpu.memory_space<hbm>>
        %dma_wait3A_505 = tpu.memref_slice %arg3[%add3A] : memref<10000xf32, #tpu.memory_space<hbm>> -> memref<1000xf32, #tpu.memory_space<hbm>>
        tpu.wait_dma2 semaphore(%run_scoped3A : memref<!tpu.dma_semaphore, #tpu.memory_space<semaphore_mem>>) src(%arg7 : memref<1000xf32, #tpu.memory_space<vmem>>) dst(%dma_wait3A_505 : memref<1000xf32, #tpu.memory_space<hbm>>)
        tpu.yield
      }) : () -> ()
    } else {
    }
    return
  }
}

#map = affine_map<(d0, d1) -> (0, 0)>
#map1 = affine_map<(d0, d1) -> (0, 0, 0)>
module attributes {stable_mosaic.version = 14 : i64} {
  func.func @_prop_body(%arg0: i32, %arg1: i32, %arg2: memref<10000x64xf32, #tpu.memory_space<hbm>>, %arg3: memref<32x80x125xi32, #tpu.memory_space<hbm>>, %arg4: memref<32x80x125xi32, #tpu.memory_space<hbm>>, %arg5: memref<10000x64xf32, #tpu.memory_space<hbm>>, %arg6: memref<2x10000x64xf32, #tpu.memory_space<hbm>>, %arg7: memref<80x125xi32, #tpu.memory_space<vmem>>, %arg8: memref<80x125xi32, #tpu.memory_space<vmem>>, %arg9: memref<125x64xf32, #tpu.memory_space<vmem>>, %arg10: memref<125x64xf32, #tpu.memory_space<vmem>>, %arg11: memref<125x64xf32, #tpu.memory_space<vmem>>, %arg12: memref<125x64xf32, #tpu.memory_space<vmem>>, %arg13: memref<!tpu.dma_semaphore, #tpu.memory_space<semaphore_mem>>, %arg14: memref<10000x64xf32, #tpu.memory_space<vmem_shared>>) attributes {dimension_semantics = [#tpu.dimension_semantics<core_parallel>, #tpu.dimension_semantics<subcore_parallel>], iteration_bounds = array<i64: 2, 16>, scalar_prefetch = 0 : i64, scratch_operands = 8 : i64, tpu.core_type = #tpu.core_type<sc_vector_subcore>, window_params = [{transform_indices = #map}, {transform_indices = #map1}, {transform_indices = #map1}, {transform_indices = #map}, {transform_indices = #map1}]} {
    %mul3A = arith.constant 16 : i32
    %mul3A_0 = arith.muli %arg0, %mul3A : i32
    %add3A = arith.addi %mul3A_0, %arg1 : i32
    %mul3A_1 = arith.constant 624 : i32
    %mul3A_2 = arith.muli %arg1, %mul3A_1 : i32
    %lt3A = arith.constant 15 : i32
    %lt3A_3 = arith.cmpi slt, %arg1, %lt3A : i32
    %convert_element_type3A = arith.extui %lt3A_3 : i1 to i32
    %cond3A = arith.constant 0 : i32
    %cond3A_4 = arith.cmpi ne, %convert_element_type3A, %cond3A : i32
    scf.if %cond3A_4 {
      "tpu.region"() ({
        %run_scoped3A = tpu.sem_alloc : memref<!tpu.dma_semaphore, #tpu.memory_space<semaphore_mem>>
        %dma_start3A_52 = arith.constant 0 : i32
        %dma_start3A_53 = tpu.memref_slice %arg14[%mul3A_2, %dma_start3A_52] : memref<10000x64xf32, #tpu.memory_space<vmem_shared>> -> memref<624x64xf32, #tpu.memory_space<vmem_shared>>
        %dma_start3A_54 = arith.constant 0 : i32
        %dma_start3A_55 = tpu.memref_slice %arg5[%mul3A_2, %dma_start3A_54] : memref<10000x64xf32, #tpu.memory_space<hbm>> -> memref<624x64xf32, #tpu.memory_space<hbm>>
        tpu.enqueue_dma source(%dma_start3A_55 : memref<624x64xf32, #tpu.memory_space<hbm>>) target(%dma_start3A_53 : memref<624x64xf32, #tpu.memory_space<vmem_shared>>) target_semaphore(%run_scoped3A : memref<!tpu.dma_semaphore, #tpu.memory_space<semaphore_mem>>)
        %dma_wait3A = arith.constant 0 : i32
        %dma_wait3A_56 = tpu.memref_slice %arg14[%mul3A_2, %dma_wait3A] : memref<10000x64xf32, #tpu.memory_space<vmem_shared>> -> memref<624x64xf32, #tpu.memory_space<vmem_shared>>
        %dma_wait3A_57 = arith.constant 0 : i32
        %dma_wait3A_58 = tpu.memref_slice %arg5[%mul3A_2, %dma_wait3A_57] : memref<10000x64xf32, #tpu.memory_space<hbm>> -> memref<624x64xf32, #tpu.memory_space<hbm>>
        tpu.wait_dma2 semaphore(%run_scoped3A : memref<!tpu.dma_semaphore, #tpu.memory_space<semaphore_mem>>) src(%dma_wait3A_58 : memref<624x64xf32, #tpu.memory_space<hbm>>) dst(%dma_wait3A_56 : memref<624x64xf32, #tpu.memory_space<vmem_shared>>)
        tpu.yield
      }) : () -> ()
    } else {
    }
    %eq3A = arith.constant 15 : i32
    %eq3A_5 = arith.cmpi eq, %arg1, %eq3A : i32
    %convert_element_type3A_6 = arith.extui %eq3A_5 : i1 to i32
    %cond3A_7 = arith.constant 0 : i32
    %cond3A_8 = arith.cmpi ne, %convert_element_type3A_6, %cond3A_7 : i32
    scf.if %cond3A_8 {
      "tpu.region"() ({
        %run_scoped3A = tpu.sem_alloc : memref<!tpu.dma_semaphore, #tpu.memory_space<semaphore_mem>>
        %dma_start3A_52 = arith.constant 9360 : i32
        %dma_start3A_53 = arith.constant 0 : i32
        %dma_start3A_54 = tpu.memref_slice %arg14[%dma_start3A_52, %dma_start3A_53] : memref<10000x64xf32, #tpu.memory_space<vmem_shared>> -> memref<640x64xf32, #tpu.memory_space<vmem_shared>>
        %dma_start3A_55 = arith.constant 9360 : i32
        %dma_start3A_56 = arith.constant 0 : i32
        %dma_start3A_57 = tpu.memref_slice %arg5[%dma_start3A_55, %dma_start3A_56] : memref<10000x64xf32, #tpu.memory_space<hbm>> -> memref<640x64xf32, #tpu.memory_space<hbm>>
        tpu.enqueue_dma source(%dma_start3A_57 : memref<640x64xf32, #tpu.memory_space<hbm>>) target(%dma_start3A_54 : memref<640x64xf32, #tpu.memory_space<vmem_shared>>) target_semaphore(%run_scoped3A : memref<!tpu.dma_semaphore, #tpu.memory_space<semaphore_mem>>)
        %dma_wait3A = arith.constant 9360 : i32
        %dma_wait3A_58 = arith.constant 0 : i32
        %dma_wait3A_59 = tpu.memref_slice %arg14[%dma_wait3A, %dma_wait3A_58] : memref<10000x64xf32, #tpu.memory_space<vmem_shared>> -> memref<640x64xf32, #tpu.memory_space<vmem_shared>>
        %dma_wait3A_60 = arith.constant 9360 : i32
        %dma_wait3A_61 = arith.constant 0 : i32
        %dma_wait3A_62 = tpu.memref_slice %arg5[%dma_wait3A_60, %dma_wait3A_61] : memref<10000x64xf32, #tpu.memory_space<hbm>> -> memref<640x64xf32, #tpu.memory_space<hbm>>
        tpu.wait_dma2 semaphore(%run_scoped3A : memref<!tpu.dma_semaphore, #tpu.memory_space<semaphore_mem>>) src(%dma_wait3A_62 : memref<640x64xf32, #tpu.memory_space<hbm>>) dst(%dma_wait3A_59 : memref<640x64xf32, #tpu.memory_space<vmem_shared>>)
        tpu.yield
      }) : () -> ()
    } else {
    }
    "tpu.region"() ({
      %run_scoped3A = tpu.sem_alloc : memref<!tpu.dma_semaphore, #tpu.memory_space<semaphore_mem>>
      %dma_start3A_52 = arith.constant 0 : i32
      %dma_start3A_53 = arith.constant 0 : i32
      %dma_start3A_54 = tpu.memref_slice %arg3[%add3A, %dma_start3A_52, %dma_start3A_53] : memref<32x80x125xi32, #tpu.memory_space<hbm>> -> memref<1x80x125xi32, #tpu.memory_space<hbm>>
      %dma_start3A_55 = tpu.memref_squeeze %dma_start3A_54 : memref<1x80x125xi32, #tpu.memory_space<hbm>> -> memref<80x125xi32, #tpu.memory_space<hbm>>
      %dma_start3A_56 = arith.constant 0 : i32
      %dma_start3A_57 = arith.constant 0 : i32
      %dma_start3A_58 = tpu.memref_slice %arg3[%add3A, %dma_start3A_56, %dma_start3A_57] : memref<32x80x125xi32, #tpu.memory_space<hbm>> -> memref<1x80x125xi32, #tpu.memory_space<hbm>>
      %dma_start3A_59 = tpu.memref_squeeze %dma_start3A_58 : memref<1x80x125xi32, #tpu.memory_space<hbm>> -> memref<80x125xi32, #tpu.memory_space<hbm>>
      tpu.enqueue_dma source(%dma_start3A_59 : memref<80x125xi32, #tpu.memory_space<hbm>>) target(%arg7 : memref<80x125xi32, #tpu.memory_space<vmem>>) target_semaphore(%run_scoped3A : memref<!tpu.dma_semaphore, #tpu.memory_space<semaphore_mem>>)
      %dma_wait3A = arith.constant 0 : i32
      %dma_wait3A_60 = arith.constant 0 : i32
      %dma_wait3A_61 = tpu.memref_slice %arg3[%add3A, %dma_wait3A, %dma_wait3A_60] : memref<32x80x125xi32, #tpu.memory_space<hbm>> -> memref<1x80x125xi32, #tpu.memory_space<hbm>>
      %dma_wait3A_62 = tpu.memref_squeeze %dma_wait3A_61 : memref<1x80x125xi32, #tpu.memory_space<hbm>> -> memref<80x125xi32, #tpu.memory_space<hbm>>
      %dma_wait3A_63 = arith.constant 0 : i32
      %dma_wait3A_64 = arith.constant 0 : i32
      %dma_wait3A_65 = tpu.memref_slice %arg3[%add3A, %dma_wait3A_63, %dma_wait3A_64] : memref<32x80x125xi32, #tpu.memory_space<hbm>> -> memref<1x80x125xi32, #tpu.memory_space<hbm>>
      %dma_wait3A_66 = tpu.memref_squeeze %dma_wait3A_65 : memref<1x80x125xi32, #tpu.memory_space<hbm>> -> memref<80x125xi32, #tpu.memory_space<hbm>>
      tpu.wait_dma2 semaphore(%run_scoped3A : memref<!tpu.dma_semaphore, #tpu.memory_space<semaphore_mem>>) src(%dma_wait3A_66 : memref<80x125xi32, #tpu.memory_space<hbm>>) dst(%arg7 : memref<80x125xi32, #tpu.memory_space<vmem>>)
      tpu.yield
    }) : () -> ()
    "tpu.region"() ({
      %run_scoped3A = tpu.sem_alloc : memref<!tpu.dma_semaphore, #tpu.memory_space<semaphore_mem>>
      %dma_start3A_52 = arith.constant 0 : i32
      %dma_start3A_53 = arith.constant 0 : i32
      %dma_start3A_54 = tpu.memref_slice %arg4[%add3A, %dma_start3A_52, %dma_start3A_53] : memref<32x80x125xi32, #tpu.memory_space<hbm>> -> memref<1x80x125xi32, #tpu.memory_space<hbm>>
      %dma_start3A_55 = tpu.memref_squeeze %dma_start3A_54 : memref<1x80x125xi32, #tpu.memory_space<hbm>> -> memref<80x125xi32, #tpu.memory_space<hbm>>
      %dma_start3A_56 = arith.constant 0 : i32
      %dma_start3A_57 = arith.constant 0 : i32
      %dma_start3A_58 = tpu.memref_slice %arg4[%add3A, %dma_start3A_56, %dma_start3A_57] : memref<32x80x125xi32, #tpu.memory_space<hbm>> -> memref<1x80x125xi32, #tpu.memory_space<hbm>>
      %dma_start3A_59 = tpu.memref_squeeze %dma_start3A_58 : memref<1x80x125xi32, #tpu.memory_space<hbm>> -> memref<80x125xi32, #tpu.memory_space<hbm>>
      tpu.enqueue_dma source(%dma_start3A_59 : memref<80x125xi32, #tpu.memory_space<hbm>>) target(%arg8 : memref<80x125xi32, #tpu.memory_space<vmem>>) target_semaphore(%run_scoped3A : memref<!tpu.dma_semaphore, #tpu.memory_space<semaphore_mem>>)
      %dma_wait3A = arith.constant 0 : i32
      %dma_wait3A_60 = arith.constant 0 : i32
      %dma_wait3A_61 = tpu.memref_slice %arg4[%add3A, %dma_wait3A, %dma_wait3A_60] : memref<32x80x125xi32, #tpu.memory_space<hbm>> -> memref<1x80x125xi32, #tpu.memory_space<hbm>>
      %dma_wait3A_62 = tpu.memref_squeeze %dma_wait3A_61 : memref<1x80x125xi32, #tpu.memory_space<hbm>> -> memref<80x125xi32, #tpu.memory_space<hbm>>
      %dma_wait3A_63 = arith.constant 0 : i32
      %dma_wait3A_64 = arith.constant 0 : i32
      %dma_wait3A_65 = tpu.memref_slice %arg4[%add3A, %dma_wait3A_63, %dma_wait3A_64] : memref<32x80x125xi32, #tpu.memory_space<hbm>> -> memref<1x80x125xi32, #tpu.memory_space<hbm>>
      %dma_wait3A_66 = tpu.memref_squeeze %dma_wait3A_65 : memref<1x80x125xi32, #tpu.memory_space<hbm>> -> memref<80x125xi32, #tpu.memory_space<hbm>>
      tpu.wait_dma2 semaphore(%run_scoped3A : memref<!tpu.dma_semaphore, #tpu.memory_space<semaphore_mem>>) src(%dma_wait3A_66 : memref<80x125xi32, #tpu.memory_space<hbm>>) dst(%arg8 : memref<80x125xi32, #tpu.memory_space<vmem>>)
      tpu.yield
    }) : () -> ()
    %barrier3A = arith.constant 0 : index
    tpu.barrier barrier_id(%barrier3A)
    %dma_start3A = arith.constant 0 : i32
    %dma_start3A_9 = arith.constant 0 : i32
    %dma_start3A_10 = tpu.memref_slice %arg7[%dma_start3A, %dma_start3A_9] : memref<80x125xi32, #tpu.memory_space<vmem>> -> memref<1x125xi32, #tpu.memory_space<vmem>>
    %dma_start3A_11 = tpu.memref_squeeze %dma_start3A_10 : memref<1x125xi32, #tpu.memory_space<vmem>> -> memref<125xi32, #tpu.memory_space<vmem>>
    %dma_start3A_12 = arith.constant 0 : i32
    %dma_start3A_13 = arith.constant 0 : i32
    %dma_start3A_14 = tpu.memref_slice %arg2[%dma_start3A_12, %dma_start3A_13] : memref<10000x64xf32, #tpu.memory_space<hbm>> -> memref<10000x64xf32, #tpu.memory_space<hbm>>
    tpu.enqueue_indirect_dma source(%dma_start3A_14 : memref<10000x64xf32, #tpu.memory_space<hbm>>) target(%arg9 : memref<125x64xf32, #tpu.memory_space<vmem>>) offsets(%dma_start3A_11 : memref<125xi32, #tpu.memory_space<vmem>>) semaphore(%arg13 : memref<!tpu.dma_semaphore, #tpu.memory_space<semaphore_mem>>)
    %dma_start3A_15 = arith.constant 1 : i32
    %dma_start3A_16 = arith.constant 0 : i32
    %dma_start3A_17 = tpu.memref_slice %arg7[%dma_start3A_15, %dma_start3A_16] : memref<80x125xi32, #tpu.memory_space<vmem>> -> memref<1x125xi32, #tpu.memory_space<vmem>>
    %dma_start3A_18 = tpu.memref_squeeze %dma_start3A_17 : memref<1x125xi32, #tpu.memory_space<vmem>> -> memref<125xi32, #tpu.memory_space<vmem>>
    %dma_start3A_19 = arith.constant 0 : i32
    %dma_start3A_20 = arith.constant 0 : i32
    %dma_start3A_21 = tpu.memref_slice %arg2[%dma_start3A_19, %dma_start3A_20] : memref<10000x64xf32, #tpu.memory_space<hbm>> -> memref<10000x64xf32, #tpu.memory_space<hbm>>
    tpu.enqueue_indirect_dma source(%dma_start3A_21 : memref<10000x64xf32, #tpu.memory_space<hbm>>) target(%arg10 : memref<125x64xf32, #tpu.memory_space<vmem>>) offsets(%dma_start3A_18 : memref<125xi32, #tpu.memory_space<vmem>>) semaphore(%arg13 : memref<!tpu.dma_semaphore, #tpu.memory_space<semaphore_mem>>)
    %dma_start3A_22 = arith.constant 2 : i32
    %dma_start3A_23 = arith.constant 0 : i32
    %dma_start3A_24 = tpu.memref_slice %arg7[%dma_start3A_22, %dma_start3A_23] : memref<80x125xi32, #tpu.memory_space<vmem>> -> memref<1x125xi32, #tpu.memory_space<vmem>>
    %dma_start3A_25 = tpu.memref_squeeze %dma_start3A_24 : memref<1x125xi32, #tpu.memory_space<vmem>> -> memref<125xi32, #tpu.memory_space<vmem>>
    %dma_start3A_26 = arith.constant 0 : i32
    %dma_start3A_27 = arith.constant 0 : i32
    %dma_start3A_28 = tpu.memref_slice %arg2[%dma_start3A_26, %dma_start3A_27] : memref<10000x64xf32, #tpu.memory_space<hbm>> -> memref<10000x64xf32, #tpu.memory_space<hbm>>
    tpu.enqueue_indirect_dma source(%dma_start3A_28 : memref<10000x64xf32, #tpu.memory_space<hbm>>) target(%arg11 : memref<125x64xf32, #tpu.memory_space<vmem>>) offsets(%dma_start3A_25 : memref<125xi32, #tpu.memory_space<vmem>>) semaphore(%arg13 : memref<!tpu.dma_semaphore, #tpu.memory_space<semaphore_mem>>)
    %dma_start3A_29 = arith.constant 3 : i32
    %dma_start3A_30 = arith.constant 0 : i32
    %dma_start3A_31 = tpu.memref_slice %arg7[%dma_start3A_29, %dma_start3A_30] : memref<80x125xi32, #tpu.memory_space<vmem>> -> memref<1x125xi32, #tpu.memory_space<vmem>>
    %dma_start3A_32 = tpu.memref_squeeze %dma_start3A_31 : memref<1x125xi32, #tpu.memory_space<vmem>> -> memref<125xi32, #tpu.memory_space<vmem>>
    %dma_start3A_33 = arith.constant 0 : i32
    %dma_start3A_34 = arith.constant 0 : i32
    %dma_start3A_35 = tpu.memref_slice %arg2[%dma_start3A_33, %dma_start3A_34] : memref<10000x64xf32, #tpu.memory_space<hbm>> -> memref<10000x64xf32, #tpu.memory_space<hbm>>
    tpu.enqueue_indirect_dma source(%dma_start3A_35 : memref<10000x64xf32, #tpu.memory_space<hbm>>) target(%arg12 : memref<125x64xf32, #tpu.memory_space<vmem>>) offsets(%dma_start3A_32 : memref<125xi32, #tpu.memory_space<vmem>>) semaphore(%arg13 : memref<!tpu.dma_semaphore, #tpu.memory_space<semaphore_mem>>)
    %scan3A = arith.constant 0 : i32
    %scan3A_36 = arith.constant 0 : i32
    %scan3A_37 = arith.constant 20 : i32
    %scan3A_38 = arith.addi %scan3A_36, %scan3A_37 : i32
    %scan3A_39 = arith.constant 1 : i32
    scf.for %scan3A_52 = %scan3A_36 to %scan3A_38 step %scan3A_39  : i32 {
      %mul3A_53 = arith.constant 4 : i32
      %mul3A_54 = arith.muli %mul3A_53, %scan3A_52 : i32
      %add3A_55 = arith.constant 0 : i32
      %add3A_56 = arith.addi %mul3A_54, %add3A_55 : i32
      %dma_wait3A = arith.constant 0 : i32
      %dma_wait3A_57 = tpu.memref_slice %arg7[%add3A_56, %dma_wait3A] : memref<80x125xi32, #tpu.memory_space<vmem>> -> memref<1x125xi32, #tpu.memory_space<vmem>>
      %dma_wait3A_58 = tpu.memref_squeeze %dma_wait3A_57 : memref<1x125xi32, #tpu.memory_space<vmem>> -> memref<125xi32, #tpu.memory_space<vmem>>
      %dma_wait3A_59 = arith.constant 0 : i32
      %dma_wait3A_60 = arith.constant 0 : i32
      %dma_wait3A_61 = tpu.memref_slice %arg2[%dma_wait3A_59, %dma_wait3A_60] : memref<10000x64xf32, #tpu.memory_space<hbm>> -> memref<10000x64xf32, #tpu.memory_space<hbm>>
      tpu.wait_indirect_dma semaphore(%arg13 : memref<!tpu.dma_semaphore, #tpu.memory_space<semaphore_mem>>) src(%dma_wait3A_61 : memref<10000x64xf32, #tpu.memory_space<hbm>>) dst(%arg9 : memref<125x64xf32, #tpu.memory_space<vmem>>)
      "tpu.region"() ({
        %run_scoped3A = tpu.sem_alloc : memref<!tpu.dma_semaphore, #tpu.memory_space<semaphore_mem>>
        %dma_start3A_120 = arith.constant 0 : i32
        %dma_start3A_121 = tpu.memref_slice %arg8[%add3A_56, %dma_start3A_120] : memref<80x125xi32, #tpu.memory_space<vmem>> -> memref<1x125xi32, #tpu.memory_space<vmem>>
        %dma_start3A_122 = tpu.memref_squeeze %dma_start3A_121 : memref<1x125xi32, #tpu.memory_space<vmem>> -> memref<125xi32, #tpu.memory_space<vmem>>
        %dma_start3A_123 = arith.constant 0 : i32
        %dma_start3A_124 = arith.constant 0 : i32
        %dma_start3A_125 = tpu.memref_slice %arg14[%dma_start3A_123, %dma_start3A_124] : memref<10000x64xf32, #tpu.memory_space<vmem_shared>> -> memref<10000x64xf32, #tpu.memory_space<vmem_shared>>
        tpu.enqueue_indirect_dma source(%arg9 : memref<125x64xf32, #tpu.memory_space<vmem>>) target(%dma_start3A_125 : memref<10000x64xf32, #tpu.memory_space<vmem_shared>>) offsets(%dma_start3A_122 : memref<125xi32, #tpu.memory_space<vmem>>) semaphore(%run_scoped3A : memref<!tpu.dma_semaphore, #tpu.memory_space<semaphore_mem>>) {add = true}
        %dma_wait3A_126 = arith.constant 0 : i32
        %dma_wait3A_127 = tpu.memref_slice %arg8[%add3A_56, %dma_wait3A_126] : memref<80x125xi32, #tpu.memory_space<vmem>> -> memref<1x125xi32, #tpu.memory_space<vmem>>
        %dma_wait3A_128 = tpu.memref_squeeze %dma_wait3A_127 : memref<1x125xi32, #tpu.memory_space<vmem>> -> memref<125xi32, #tpu.memory_space<vmem>>
        %dma_wait3A_129 = arith.constant 0 : i32
        %dma_wait3A_130 = arith.constant 0 : i32
        %dma_wait3A_131 = tpu.memref_slice %arg14[%dma_wait3A_129, %dma_wait3A_130] : memref<10000x64xf32, #tpu.memory_space<vmem_shared>> -> memref<10000x64xf32, #tpu.memory_space<vmem_shared>>
        tpu.wait_indirect_dma semaphore(%run_scoped3A : memref<!tpu.dma_semaphore, #tpu.memory_space<semaphore_mem>>) src(%arg9 : memref<125x64xf32, #tpu.memory_space<vmem>>) dst(%dma_wait3A_131 : memref<10000x64xf32, #tpu.memory_space<vmem_shared>>)
        tpu.yield
      }) : () -> ()
      %add3A_62 = arith.constant 4 : i32
      %add3A_63 = arith.addi %add3A_56, %add3A_62 : i32
      %lt3A_64 = arith.constant 80 : i32
      %lt3A_65 = arith.cmpi slt, %add3A_63, %lt3A_64 : i32
      %convert_element_type3A_66 = arith.extui %lt3A_65 : i1 to i32
      %cond3A_67 = arith.constant 0 : i32
      %cond3A_68 = arith.cmpi ne, %convert_element_type3A_66, %cond3A_67 : i32
      scf.if %cond3A_68 {
        %add3A_120 = arith.constant 4 : i32
        %add3A_121 = arith.addi %add3A_56, %add3A_120 : i32
        %dma_start3A_122 = arith.constant 0 : i32
        %dma_start3A_123 = tpu.memref_slice %arg7[%add3A_121, %dma_start3A_122] : memref<80x125xi32, #tpu.memory_space<vmem>> -> memref<1x125xi32, #tpu.memory_space<vmem>>
        %dma_start3A_124 = tpu.memref_squeeze %dma_start3A_123 : memref<1x125xi32, #tpu.memory_space<vmem>> -> memref<125xi32, #tpu.memory_space<vmem>>
        %dma_start3A_125 = arith.constant 0 : i32
        %dma_start3A_126 = arith.constant 0 : i32
        %dma_start3A_127 = tpu.memref_slice %arg2[%dma_start3A_125, %dma_start3A_126] : memref<10000x64xf32, #tpu.memory_space<hbm>> -> memref<10000x64xf32, #tpu.memory_space<hbm>>
        tpu.enqueue_indirect_dma source(%dma_start3A_127 : memref<10000x64xf32, #tpu.memory_space<hbm>>) target(%arg9 : memref<125x64xf32, #tpu.memory_space<vmem>>) offsets(%dma_start3A_124 : memref<125xi32, #tpu.memory_space<vmem>>) semaphore(%arg13 : memref<!tpu.dma_semaphore, #tpu.memory_space<semaphore_mem>>)
      } else {
      }
      %mul3A_69 = arith.constant 4 : i32
      %mul3A_70 = arith.muli %mul3A_69, %scan3A_52 : i32
      %add3A_71 = arith.constant 1 : i32
      %add3A_72 = arith.addi %mul3A_70, %add3A_71 : i32
      %dma_wait3A_73 = arith.constant 0 : i32
      %dma_wait3A_74 = tpu.memref_slice %arg7[%add3A_72, %dma_wait3A_73] : memref<80x125xi32, #tpu.memory_space<vmem>> -> memref<1x125xi32, #tpu.memory_space<vmem>>
      %dma_wait3A_75 = tpu.memref_squeeze %dma_wait3A_74 : memref<1x125xi32, #tpu.memory_space<vmem>> -> memref<125xi32, #tpu.memory_space<vmem>>
      %dma_wait3A_76 = arith.constant 0 : i32
      %dma_wait3A_77 = arith.constant 0 : i32
      %dma_wait3A_78 = tpu.memref_slice %arg2[%dma_wait3A_76, %dma_wait3A_77] : memref<10000x64xf32, #tpu.memory_space<hbm>> -> memref<10000x64xf32, #tpu.memory_space<hbm>>
      tpu.wait_indirect_dma semaphore(%arg13 : memref<!tpu.dma_semaphore, #tpu.memory_space<semaphore_mem>>) src(%dma_wait3A_78 : memref<10000x64xf32, #tpu.memory_space<hbm>>) dst(%arg10 : memref<125x64xf32, #tpu.memory_space<vmem>>)
      "tpu.region"() ({
        %run_scoped3A = tpu.sem_alloc : memref<!tpu.dma_semaphore, #tpu.memory_space<semaphore_mem>>
        %dma_start3A_120 = arith.constant 0 : i32
        %dma_start3A_121 = tpu.memref_slice %arg8[%add3A_72, %dma_start3A_120] : memref<80x125xi32, #tpu.memory_space<vmem>> -> memref<1x125xi32, #tpu.memory_space<vmem>>
        %dma_start3A_122 = tpu.memref_squeeze %dma_start3A_121 : memref<1x125xi32, #tpu.memory_space<vmem>> -> memref<125xi32, #tpu.memory_space<vmem>>
        %dma_start3A_123 = arith.constant 0 : i32
        %dma_start3A_124 = arith.constant 0 : i32
        %dma_start3A_125 = tpu.memref_slice %arg14[%dma_start3A_123, %dma_start3A_124] : memref<10000x64xf32, #tpu.memory_space<vmem_shared>> -> memref<10000x64xf32, #tpu.memory_space<vmem_shared>>
        tpu.enqueue_indirect_dma source(%arg10 : memref<125x64xf32, #tpu.memory_space<vmem>>) target(%dma_start3A_125 : memref<10000x64xf32, #tpu.memory_space<vmem_shared>>) offsets(%dma_start3A_122 : memref<125xi32, #tpu.memory_space<vmem>>) semaphore(%run_scoped3A : memref<!tpu.dma_semaphore, #tpu.memory_space<semaphore_mem>>) {add = true}
        %dma_wait3A_126 = arith.constant 0 : i32
        %dma_wait3A_127 = tpu.memref_slice %arg8[%add3A_72, %dma_wait3A_126] : memref<80x125xi32, #tpu.memory_space<vmem>> -> memref<1x125xi32, #tpu.memory_space<vmem>>
        %dma_wait3A_128 = tpu.memref_squeeze %dma_wait3A_127 : memref<1x125xi32, #tpu.memory_space<vmem>> -> memref<125xi32, #tpu.memory_space<vmem>>
        %dma_wait3A_129 = arith.constant 0 : i32
        %dma_wait3A_130 = arith.constant 0 : i32
        %dma_wait3A_131 = tpu.memref_slice %arg14[%dma_wait3A_129, %dma_wait3A_130] : memref<10000x64xf32, #tpu.memory_space<vmem_shared>> -> memref<10000x64xf32, #tpu.memory_space<vmem_shared>>
        tpu.wait_indirect_dma semaphore(%run_scoped3A : memref<!tpu.dma_semaphore, #tpu.memory_space<semaphore_mem>>) src(%arg10 : memref<125x64xf32, #tpu.memory_space<vmem>>) dst(%dma_wait3A_131 : memref<10000x64xf32, #tpu.memory_space<vmem_shared>>)
        tpu.yield
      }) : () -> ()
      %add3A_79 = arith.constant 4 : i32
      %add3A_80 = arith.addi %add3A_72, %add3A_79 : i32
      %lt3A_81 = arith.constant 80 : i32
      %lt3A_82 = arith.cmpi slt, %add3A_80, %lt3A_81 : i32
      %convert_element_type3A_83 = arith.extui %lt3A_82 : i1 to i32
      %cond3A_84 = arith.constant 0 : i32
      %cond3A_85 = arith.cmpi ne, %convert_element_type3A_83, %cond3A_84 : i32
      scf.if %cond3A_85 {
        %add3A_120 = arith.constant 4 : i32
        %add3A_121 = arith.addi %add3A_72, %add3A_120 : i32
        %dma_start3A_122 = arith.constant 0 : i32
        %dma_start3A_123 = tpu.memref_slice %arg7[%add3A_121, %dma_start3A_122] : memref<80x125xi32, #tpu.memory_space<vmem>> -> memref<1x125xi32, #tpu.memory_space<vmem>>
        %dma_start3A_124 = tpu.memref_squeeze %dma_start3A_123 : memref<1x125xi32, #tpu.memory_space<vmem>> -> memref<125xi32, #tpu.memory_space<vmem>>
        %dma_start3A_125 = arith.constant 0 : i32
        %dma_start3A_126 = arith.constant 0 : i32
        %dma_start3A_127 = tpu.memref_slice %arg2[%dma_start3A_125, %dma_start3A_126] : memref<10000x64xf32, #tpu.memory_space<hbm>> -> memref<10000x64xf32, #tpu.memory_space<hbm>>
        tpu.enqueue_indirect_dma source(%dma_start3A_127 : memref<10000x64xf32, #tpu.memory_space<hbm>>) target(%arg10 : memref<125x64xf32, #tpu.memory_space<vmem>>) offsets(%dma_start3A_124 : memref<125xi32, #tpu.memory_space<vmem>>) semaphore(%arg13 : memref<!tpu.dma_semaphore, #tpu.memory_space<semaphore_mem>>)
      } else {
      }
      %mul3A_86 = arith.constant 4 : i32
      %mul3A_87 = arith.muli %mul3A_86, %scan3A_52 : i32
      %add3A_88 = arith.constant 2 : i32
      %add3A_89 = arith.addi %mul3A_87, %add3A_88 : i32
      %dma_wait3A_90 = arith.constant 0 : i32
      %dma_wait3A_91 = tpu.memref_slice %arg7[%add3A_89, %dma_wait3A_90] : memref<80x125xi32, #tpu.memory_space<vmem>> -> memref<1x125xi32, #tpu.memory_space<vmem>>
      %dma_wait3A_92 = tpu.memref_squeeze %dma_wait3A_91 : memref<1x125xi32, #tpu.memory_space<vmem>> -> memref<125xi32, #tpu.memory_space<vmem>>
      %dma_wait3A_93 = arith.constant 0 : i32
      %dma_wait3A_94 = arith.constant 0 : i32
      %dma_wait3A_95 = tpu.memref_slice %arg2[%dma_wait3A_93, %dma_wait3A_94] : memref<10000x64xf32, #tpu.memory_space<hbm>> -> memref<10000x64xf32, #tpu.memory_space<hbm>>
      tpu.wait_indirect_dma semaphore(%arg13 : memref<!tpu.dma_semaphore, #tpu.memory_space<semaphore_mem>>) src(%dma_wait3A_95 : memref<10000x64xf32, #tpu.memory_space<hbm>>) dst(%arg11 : memref<125x64xf32, #tpu.memory_space<vmem>>)
      "tpu.region"() ({
        %run_scoped3A = tpu.sem_alloc : memref<!tpu.dma_semaphore, #tpu.memory_space<semaphore_mem>>
        %dma_start3A_120 = arith.constant 0 : i32
        %dma_start3A_121 = tpu.memref_slice %arg8[%add3A_89, %dma_start3A_120] : memref<80x125xi32, #tpu.memory_space<vmem>> -> memref<1x125xi32, #tpu.memory_space<vmem>>
        %dma_start3A_122 = tpu.memref_squeeze %dma_start3A_121 : memref<1x125xi32, #tpu.memory_space<vmem>> -> memref<125xi32, #tpu.memory_space<vmem>>
        %dma_start3A_123 = arith.constant 0 : i32
        %dma_start3A_124 = arith.constant 0 : i32
        %dma_start3A_125 = tpu.memref_slice %arg14[%dma_start3A_123, %dma_start3A_124] : memref<10000x64xf32, #tpu.memory_space<vmem_shared>> -> memref<10000x64xf32, #tpu.memory_space<vmem_shared>>
        tpu.enqueue_indirect_dma source(%arg11 : memref<125x64xf32, #tpu.memory_space<vmem>>) target(%dma_start3A_125 : memref<10000x64xf32, #tpu.memory_space<vmem_shared>>) offsets(%dma_start3A_122 : memref<125xi32, #tpu.memory_space<vmem>>) semaphore(%run_scoped3A : memref<!tpu.dma_semaphore, #tpu.memory_space<semaphore_mem>>) {add = true}
        %dma_wait3A_126 = arith.constant 0 : i32
        %dma_wait3A_127 = tpu.memref_slice %arg8[%add3A_89, %dma_wait3A_126] : memref<80x125xi32, #tpu.memory_space<vmem>> -> memref<1x125xi32, #tpu.memory_space<vmem>>
        %dma_wait3A_128 = tpu.memref_squeeze %dma_wait3A_127 : memref<1x125xi32, #tpu.memory_space<vmem>> -> memref<125xi32, #tpu.memory_space<vmem>>
        %dma_wait3A_129 = arith.constant 0 : i32
        %dma_wait3A_130 = arith.constant 0 : i32
        %dma_wait3A_131 = tpu.memref_slice %arg14[%dma_wait3A_129, %dma_wait3A_130] : memref<10000x64xf32, #tpu.memory_space<vmem_shared>> -> memref<10000x64xf32, #tpu.memory_space<vmem_shared>>
        tpu.wait_indirect_dma semaphore(%run_scoped3A : memref<!tpu.dma_semaphore, #tpu.memory_space<semaphore_mem>>) src(%arg11 : memref<125x64xf32, #tpu.memory_space<vmem>>) dst(%dma_wait3A_131 : memref<10000x64xf32, #tpu.memory_space<vmem_shared>>)
        tpu.yield
      }) : () -> ()
      %add3A_96 = arith.constant 4 : i32
      %add3A_97 = arith.addi %add3A_89, %add3A_96 : i32
      %lt3A_98 = arith.constant 80 : i32
      %lt3A_99 = arith.cmpi slt, %add3A_97, %lt3A_98 : i32
      %convert_element_type3A_100 = arith.extui %lt3A_99 : i1 to i32
      %cond3A_101 = arith.constant 0 : i32
      %cond3A_102 = arith.cmpi ne, %convert_element_type3A_100, %cond3A_101 : i32
      scf.if %cond3A_102 {
        %add3A_120 = arith.constant 4 : i32
        %add3A_121 = arith.addi %add3A_89, %add3A_120 : i32
        %dma_start3A_122 = arith.constant 0 : i32
        %dma_start3A_123 = tpu.memref_slice %arg7[%add3A_121, %dma_start3A_122] : memref<80x125xi32, #tpu.memory_space<vmem>> -> memref<1x125xi32, #tpu.memory_space<vmem>>
        %dma_start3A_124 = tpu.memref_squeeze %dma_start3A_123 : memref<1x125xi32, #tpu.memory_space<vmem>> -> memref<125xi32, #tpu.memory_space<vmem>>
        %dma_start3A_125 = arith.constant 0 : i32
        %dma_start3A_126 = arith.constant 0 : i32
        %dma_start3A_127 = tpu.memref_slice %arg2[%dma_start3A_125, %dma_start3A_126] : memref<10000x64xf32, #tpu.memory_space<hbm>> -> memref<10000x64xf32, #tpu.memory_space<hbm>>
        tpu.enqueue_indirect_dma source(%dma_start3A_127 : memref<10000x64xf32, #tpu.memory_space<hbm>>) target(%arg11 : memref<125x64xf32, #tpu.memory_space<vmem>>) offsets(%dma_start3A_124 : memref<125xi32, #tpu.memory_space<vmem>>) semaphore(%arg13 : memref<!tpu.dma_semaphore, #tpu.memory_space<semaphore_mem>>)
      } else {
      }
      %mul3A_103 = arith.constant 4 : i32
      %mul3A_104 = arith.muli %mul3A_103, %scan3A_52 : i32
      %add3A_105 = arith.constant 3 : i32
      %add3A_106 = arith.addi %mul3A_104, %add3A_105 : i32
      %dma_wait3A_107 = arith.constant 0 : i32
      %dma_wait3A_108 = tpu.memref_slice %arg7[%add3A_106, %dma_wait3A_107] : memref<80x125xi32, #tpu.memory_space<vmem>> -> memref<1x125xi32, #tpu.memory_space<vmem>>
      %dma_wait3A_109 = tpu.memref_squeeze %dma_wait3A_108 : memref<1x125xi32, #tpu.memory_space<vmem>> -> memref<125xi32, #tpu.memory_space<vmem>>
      %dma_wait3A_110 = arith.constant 0 : i32
      %dma_wait3A_111 = arith.constant 0 : i32
      %dma_wait3A_112 = tpu.memref_slice %arg2[%dma_wait3A_110, %dma_wait3A_111] : memref<10000x64xf32, #tpu.memory_space<hbm>> -> memref<10000x64xf32, #tpu.memory_space<hbm>>
      tpu.wait_indirect_dma semaphore(%arg13 : memref<!tpu.dma_semaphore, #tpu.memory_space<semaphore_mem>>) src(%dma_wait3A_112 : memref<10000x64xf32, #tpu.memory_space<hbm>>) dst(%arg12 : memref<125x64xf32, #tpu.memory_space<vmem>>)
      "tpu.region"() ({
        %run_scoped3A = tpu.sem_alloc : memref<!tpu.dma_semaphore, #tpu.memory_space<semaphore_mem>>
        %dma_start3A_120 = arith.constant 0 : i32
        %dma_start3A_121 = tpu.memref_slice %arg8[%add3A_106, %dma_start3A_120] : memref<80x125xi32, #tpu.memory_space<vmem>> -> memref<1x125xi32, #tpu.memory_space<vmem>>
        %dma_start3A_122 = tpu.memref_squeeze %dma_start3A_121 : memref<1x125xi32, #tpu.memory_space<vmem>> -> memref<125xi32, #tpu.memory_space<vmem>>
        %dma_start3A_123 = arith.constant 0 : i32
        %dma_start3A_124 = arith.constant 0 : i32
        %dma_start3A_125 = tpu.memref_slice %arg14[%dma_start3A_123, %dma_start3A_124] : memref<10000x64xf32, #tpu.memory_space<vmem_shared>> -> memref<10000x64xf32, #tpu.memory_space<vmem_shared>>
        tpu.enqueue_indirect_dma source(%arg12 : memref<125x64xf32, #tpu.memory_space<vmem>>) target(%dma_start3A_125 : memref<10000x64xf32, #tpu.memory_space<vmem_shared>>) offsets(%dma_start3A_122 : memref<125xi32, #tpu.memory_space<vmem>>) semaphore(%run_scoped3A : memref<!tpu.dma_semaphore, #tpu.memory_space<semaphore_mem>>) {add = true}
        %dma_wait3A_126 = arith.constant 0 : i32
        %dma_wait3A_127 = tpu.memref_slice %arg8[%add3A_106, %dma_wait3A_126] : memref<80x125xi32, #tpu.memory_space<vmem>> -> memref<1x125xi32, #tpu.memory_space<vmem>>
        %dma_wait3A_128 = tpu.memref_squeeze %dma_wait3A_127 : memref<1x125xi32, #tpu.memory_space<vmem>> -> memref<125xi32, #tpu.memory_space<vmem>>
        %dma_wait3A_129 = arith.constant 0 : i32
        %dma_wait3A_130 = arith.constant 0 : i32
        %dma_wait3A_131 = tpu.memref_slice %arg14[%dma_wait3A_129, %dma_wait3A_130] : memref<10000x64xf32, #tpu.memory_space<vmem_shared>> -> memref<10000x64xf32, #tpu.memory_space<vmem_shared>>
        tpu.wait_indirect_dma semaphore(%run_scoped3A : memref<!tpu.dma_semaphore, #tpu.memory_space<semaphore_mem>>) src(%arg12 : memref<125x64xf32, #tpu.memory_space<vmem>>) dst(%dma_wait3A_131 : memref<10000x64xf32, #tpu.memory_space<vmem_shared>>)
        tpu.yield
      }) : () -> ()
      %add3A_113 = arith.constant 4 : i32
      %add3A_114 = arith.addi %add3A_106, %add3A_113 : i32
      %lt3A_115 = arith.constant 80 : i32
      %lt3A_116 = arith.cmpi slt, %add3A_114, %lt3A_115 : i32
      %convert_element_type3A_117 = arith.extui %lt3A_116 : i1 to i32
      %cond3A_118 = arith.constant 0 : i32
      %cond3A_119 = arith.cmpi ne, %convert_element_type3A_117, %cond3A_118 : i32
      scf.if %cond3A_119 {
        %add3A_120 = arith.constant 4 : i32
        %add3A_121 = arith.addi %add3A_106, %add3A_120 : i32
        %dma_start3A_122 = arith.constant 0 : i32
        %dma_start3A_123 = tpu.memref_slice %arg7[%add3A_121, %dma_start3A_122] : memref<80x125xi32, #tpu.memory_space<vmem>> -> memref<1x125xi32, #tpu.memory_space<vmem>>
        %dma_start3A_124 = tpu.memref_squeeze %dma_start3A_123 : memref<1x125xi32, #tpu.memory_space<vmem>> -> memref<125xi32, #tpu.memory_space<vmem>>
        %dma_start3A_125 = arith.constant 0 : i32
        %dma_start3A_126 = arith.constant 0 : i32
        %dma_start3A_127 = tpu.memref_slice %arg2[%dma_start3A_125, %dma_start3A_126] : memref<10000x64xf32, #tpu.memory_space<hbm>> -> memref<10000x64xf32, #tpu.memory_space<hbm>>
        tpu.enqueue_indirect_dma source(%dma_start3A_127 : memref<10000x64xf32, #tpu.memory_space<hbm>>) target(%arg12 : memref<125x64xf32, #tpu.memory_space<vmem>>) offsets(%dma_start3A_124 : memref<125xi32, #tpu.memory_space<vmem>>) semaphore(%arg13 : memref<!tpu.dma_semaphore, #tpu.memory_space<semaphore_mem>>)
      } else {
      }
    }
    %scan3A_40 = arith.constant 20 : i32
    %barrier3A_41 = arith.constant 0 : index
    tpu.barrier barrier_id(%barrier3A_41)
    %lt3A_42 = arith.constant 15 : i32
    %lt3A_43 = arith.cmpi slt, %arg1, %lt3A_42 : i32
    %convert_element_type3A_44 = arith.extui %lt3A_43 : i1 to i32
    %cond3A_45 = arith.constant 0 : i32
    %cond3A_46 = arith.cmpi ne, %convert_element_type3A_44, %cond3A_45 : i32
    scf.if %cond3A_46 {
      "tpu.region"() ({
        %run_scoped3A = tpu.sem_alloc : memref<!tpu.dma_semaphore, #tpu.memory_space<semaphore_mem>>
        %dma_start3A_52 = arith.constant 0 : i32
        %dma_start3A_53 = tpu.memref_slice %arg6[%arg0, %mul3A_2, %dma_start3A_52] : memref<2x10000x64xf32, #tpu.memory_space<hbm>> -> memref<1x624x64xf32, #tpu.memory_space<hbm>>
        %dma_start3A_54 = tpu.memref_squeeze %dma_start3A_53 : memref<1x624x64xf32, #tpu.memory_space<hbm>> -> memref<624x64xf32, #tpu.memory_space<hbm>>
        %dma_start3A_55 = arith.constant 0 : i32
        %dma_start3A_56 = tpu.memref_slice %arg14[%mul3A_2, %dma_start3A_55] : memref<10000x64xf32, #tpu.memory_space<vmem_shared>> -> memref<624x64xf32, #tpu.memory_space<vmem_shared>>
        tpu.enqueue_dma source(%dma_start3A_56 : memref<624x64xf32, #tpu.memory_space<vmem_shared>>) target(%dma_start3A_54 : memref<624x64xf32, #tpu.memory_space<hbm>>) target_semaphore(%run_scoped3A : memref<!tpu.dma_semaphore, #tpu.memory_space<semaphore_mem>>)
        %dma_wait3A = arith.constant 0 : i32
        %dma_wait3A_57 = tpu.memref_slice %arg6[%arg0, %mul3A_2, %dma_wait3A] : memref<2x10000x64xf32, #tpu.memory_space<hbm>> -> memref<1x624x64xf32, #tpu.memory_space<hbm>>
        %dma_wait3A_58 = tpu.memref_squeeze %dma_wait3A_57 : memref<1x624x64xf32, #tpu.memory_space<hbm>> -> memref<624x64xf32, #tpu.memory_space<hbm>>
        %dma_wait3A_59 = arith.constant 0 : i32
        %dma_wait3A_60 = tpu.memref_slice %arg14[%mul3A_2, %dma_wait3A_59] : memref<10000x64xf32, #tpu.memory_space<vmem_shared>> -> memref<624x64xf32, #tpu.memory_space<vmem_shared>>
        tpu.wait_dma2 semaphore(%run_scoped3A : memref<!tpu.dma_semaphore, #tpu.memory_space<semaphore_mem>>) src(%dma_wait3A_60 : memref<624x64xf32, #tpu.memory_space<vmem_shared>>) dst(%dma_wait3A_58 : memref<624x64xf32, #tpu.memory_space<hbm>>)
        tpu.yield
      }) : () -> ()
    } else {
    }
    %eq3A_47 = arith.constant 15 : i32
    %eq3A_48 = arith.cmpi eq, %arg1, %eq3A_47 : i32
    %convert_element_type3A_49 = arith.extui %eq3A_48 : i1 to i32
    %cond3A_50 = arith.constant 0 : i32
    %cond3A_51 = arith.cmpi ne, %convert_element_type3A_49, %cond3A_50 : i32
    scf.if %cond3A_51 {
      "tpu.region"() ({
        %run_scoped3A = tpu.sem_alloc : memref<!tpu.dma_semaphore, #tpu.memory_space<semaphore_mem>>
        %dma_start3A_52 = arith.constant 9360 : i32
        %dma_start3A_53 = arith.constant 0 : i32
        %dma_start3A_54 = tpu.memref_slice %arg6[%arg0, %dma_start3A_52, %dma_start3A_53] : memref<2x10000x64xf32, #tpu.memory_space<hbm>> -> memref<1x640x64xf32, #tpu.memory_space<hbm>>
        %dma_start3A_55 = tpu.memref_squeeze %dma_start3A_54 : memref<1x640x64xf32, #tpu.memory_space<hbm>> -> memref<640x64xf32, #tpu.memory_space<hbm>>
        %dma_start3A_56 = arith.constant 9360 : i32
        %dma_start3A_57 = arith.constant 0 : i32
        %dma_start3A_58 = tpu.memref_slice %arg14[%dma_start3A_56, %dma_start3A_57] : memref<10000x64xf32, #tpu.memory_space<vmem_shared>> -> memref<640x64xf32, #tpu.memory_space<vmem_shared>>
        tpu.enqueue_dma source(%dma_start3A_58 : memref<640x64xf32, #tpu.memory_space<vmem_shared>>) target(%dma_start3A_55 : memref<640x64xf32, #tpu.memory_space<hbm>>) target_semaphore(%run_scoped3A : memref<!tpu.dma_semaphore, #tpu.memory_space<semaphore_mem>>)
        %dma_wait3A = arith.constant 9360 : i32
        %dma_wait3A_59 = arith.constant 0 : i32
        %dma_wait3A_60 = tpu.memref_slice %arg6[%arg0, %dma_wait3A, %dma_wait3A_59] : memref<2x10000x64xf32, #tpu.memory_space<hbm>> -> memref<1x640x64xf32, #tpu.memory_space<hbm>>
        %dma_wait3A_61 = tpu.memref_squeeze %dma_wait3A_60 : memref<1x640x64xf32, #tpu.memory_space<hbm>> -> memref<640x64xf32, #tpu.memory_space<hbm>>
        %dma_wait3A_62 = arith.constant 9360 : i32
        %dma_wait3A_63 = arith.constant 0 : i32
        %dma_wait3A_64 = tpu.memref_slice %arg14[%dma_wait3A_62, %dma_wait3A_63] : memref<10000x64xf32, #tpu.memory_space<vmem_shared>> -> memref<640x64xf32, #tpu.memory_space<vmem_shared>>
        tpu.wait_dma2 semaphore(%run_scoped3A : memref<!tpu.dma_semaphore, #tpu.memory_space<semaphore_mem>>) src(%dma_wait3A_64 : memref<640x64xf32, #tpu.memory_space<vmem_shared>>) dst(%dma_wait3A_61 : memref<640x64xf32, #tpu.memory_space<hbm>>)
        tpu.yield
      }) : () -> ()
    } else {
    }
    return
  }
}

#map = affine_map<(d0, d1) -> (0, 0)>
#map1 = affine_map<(d0, d1) -> (0, 0, 0)>
module attributes {stable_mosaic.version = 14 : i64} {
  func.func @_prop_body(%arg0: i32, %arg1: i32, %arg2: memref<10000x64xf32, #tpu.memory_space<hbm>>, %arg3: memref<32x80x125xi32, #tpu.memory_space<hbm>>, %arg4: memref<32x80x125xi32, #tpu.memory_space<hbm>>, %arg5: memref<10000x64xf32, #tpu.memory_space<hbm>>, %arg6: memref<2x10000x64xf32, #tpu.memory_space<hbm>>, %arg7: memref<80x125xi32, #tpu.memory_space<vmem>>, %arg8: memref<80x125xi32, #tpu.memory_space<vmem>>, %arg9: memref<125x64xf32, #tpu.memory_space<vmem>>, %arg10: memref<125x64xf32, #tpu.memory_space<vmem>>, %arg11: memref<125x64xf32, #tpu.memory_space<vmem>>, %arg12: memref<125x64xf32, #tpu.memory_space<vmem>>, %arg13: memref<!tpu.dma_semaphore, #tpu.memory_space<semaphore_mem>>, %arg14: memref<10000x64xf32, #tpu.memory_space<vmem_shared>>) attributes {dimension_semantics = [#tpu.dimension_semantics<core_parallel>, #tpu.dimension_semantics<subcore_parallel>], iteration_bounds = array<i64: 2, 16>, scalar_prefetch = 0 : i64, scratch_operands = 8 : i64, tpu.core_type = #tpu.core_type<sc_vector_subcore>, window_params = [{transform_indices = #map}, {transform_indices = #map1}, {transform_indices = #map1}, {transform_indices = #map}, {transform_indices = #map1}]} {
    %mul3A = arith.constant 16 : i32
    %mul3A_0 = arith.muli %arg0, %mul3A : i32
    %add3A = arith.addi %mul3A_0, %arg1 : i32
    %mul3A_1 = arith.constant 624 : i32
    %mul3A_2 = arith.muli %arg1, %mul3A_1 : i32
    %lt3A = arith.constant 15 : i32
    %lt3A_3 = arith.cmpi slt, %arg1, %lt3A : i32
    %convert_element_type3A = arith.extui %lt3A_3 : i1 to i32
    %cond3A = arith.constant 0 : i32
    %cond3A_4 = arith.cmpi ne, %convert_element_type3A, %cond3A : i32
    scf.if %cond3A_4 {
      "tpu.region"() ({
        %run_scoped3A = tpu.sem_alloc : memref<!tpu.dma_semaphore, #tpu.memory_space<semaphore_mem>>
        %dma_start3A_52 = arith.constant 0 : i32
        %dma_start3A_53 = tpu.memref_slice %arg14[%mul3A_2, %dma_start3A_52] : memref<10000x64xf32, #tpu.memory_space<vmem_shared>> -> memref<624x64xf32, #tpu.memory_space<vmem_shared>>
        %dma_start3A_54 = arith.constant 0 : i32
        %dma_start3A_55 = tpu.memref_slice %arg5[%mul3A_2, %dma_start3A_54] : memref<10000x64xf32, #tpu.memory_space<hbm>> -> memref<624x64xf32, #tpu.memory_space<hbm>>
        tpu.enqueue_dma source(%dma_start3A_55 : memref<624x64xf32, #tpu.memory_space<hbm>>) target(%dma_start3A_53 : memref<624x64xf32, #tpu.memory_space<vmem_shared>>) target_semaphore(%run_scoped3A : memref<!tpu.dma_semaphore, #tpu.memory_space<semaphore_mem>>)
        %dma_wait3A = arith.constant 0 : i32
        %dma_wait3A_56 = tpu.memref_slice %arg14[%mul3A_2, %dma_wait3A] : memref<10000x64xf32, #tpu.memory_space<vmem_shared>> -> memref<624x64xf32, #tpu.memory_space<vmem_shared>>
        %dma_wait3A_57 = arith.constant 0 : i32
        %dma_wait3A_58 = tpu.memref_slice %arg5[%mul3A_2, %dma_wait3A_57] : memref<10000x64xf32, #tpu.memory_space<hbm>> -> memref<624x64xf32, #tpu.memory_space<hbm>>
        tpu.wait_dma2 semaphore(%run_scoped3A : memref<!tpu.dma_semaphore, #tpu.memory_space<semaphore_mem>>) src(%dma_wait3A_58 : memref<624x64xf32, #tpu.memory_space<hbm>>) dst(%dma_wait3A_56 : memref<624x64xf32, #tpu.memory_space<vmem_shared>>)
        tpu.yield
      }) : () -> ()
    } else {
    }
    %eq3A = arith.constant 15 : i32
    %eq3A_5 = arith.cmpi eq, %arg1, %eq3A : i32
    %convert_element_type3A_6 = arith.extui %eq3A_5 : i1 to i32
    %cond3A_7 = arith.constant 0 : i32
    %cond3A_8 = arith.cmpi ne, %convert_element_type3A_6, %cond3A_7 : i32
    scf.if %cond3A_8 {
      "tpu.region"() ({
        %run_scoped3A = tpu.sem_alloc : memref<!tpu.dma_semaphore, #tpu.memory_space<semaphore_mem>>
        %dma_start3A_52 = arith.constant 9360 : i32
        %dma_start3A_53 = arith.constant 0 : i32
        %dma_start3A_54 = tpu.memref_slice %arg14[%dma_start3A_52, %dma_start3A_53] : memref<10000x64xf32, #tpu.memory_space<vmem_shared>> -> memref<640x64xf32, #tpu.memory_space<vmem_shared>>
        %dma_start3A_55 = arith.constant 9360 : i32
        %dma_start3A_56 = arith.constant 0 : i32
        %dma_start3A_57 = tpu.memref_slice %arg5[%dma_start3A_55, %dma_start3A_56] : memref<10000x64xf32, #tpu.memory_space<hbm>> -> memref<640x64xf32, #tpu.memory_space<hbm>>
        tpu.enqueue_dma source(%dma_start3A_57 : memref<640x64xf32, #tpu.memory_space<hbm>>) target(%dma_start3A_54 : memref<640x64xf32, #tpu.memory_space<vmem_shared>>) target_semaphore(%run_scoped3A : memref<!tpu.dma_semaphore, #tpu.memory_space<semaphore_mem>>)
        %dma_wait3A = arith.constant 9360 : i32
        %dma_wait3A_58 = arith.constant 0 : i32
        %dma_wait3A_59 = tpu.memref_slice %arg14[%dma_wait3A, %dma_wait3A_58] : memref<10000x64xf32, #tpu.memory_space<vmem_shared>> -> memref<640x64xf32, #tpu.memory_space<vmem_shared>>
        %dma_wait3A_60 = arith.constant 9360 : i32
        %dma_wait3A_61 = arith.constant 0 : i32
        %dma_wait3A_62 = tpu.memref_slice %arg5[%dma_wait3A_60, %dma_wait3A_61] : memref<10000x64xf32, #tpu.memory_space<hbm>> -> memref<640x64xf32, #tpu.memory_space<hbm>>
        tpu.wait_dma2 semaphore(%run_scoped3A : memref<!tpu.dma_semaphore, #tpu.memory_space<semaphore_mem>>) src(%dma_wait3A_62 : memref<640x64xf32, #tpu.memory_space<hbm>>) dst(%dma_wait3A_59 : memref<640x64xf32, #tpu.memory_space<vmem_shared>>)
        tpu.yield
      }) : () -> ()
    } else {
    }
    "tpu.region"() ({
      %run_scoped3A = tpu.sem_alloc : memref<!tpu.dma_semaphore, #tpu.memory_space<semaphore_mem>>
      %dma_start3A_52 = arith.constant 0 : i32
      %dma_start3A_53 = arith.constant 0 : i32
      %dma_start3A_54 = tpu.memref_slice %arg3[%add3A, %dma_start3A_52, %dma_start3A_53] : memref<32x80x125xi32, #tpu.memory_space<hbm>> -> memref<1x80x125xi32, #tpu.memory_space<hbm>>
      %dma_start3A_55 = tpu.memref_squeeze %dma_start3A_54 : memref<1x80x125xi32, #tpu.memory_space<hbm>> -> memref<80x125xi32, #tpu.memory_space<hbm>>
      %dma_start3A_56 = arith.constant 0 : i32
      %dma_start3A_57 = arith.constant 0 : i32
      %dma_start3A_58 = tpu.memref_slice %arg3[%add3A, %dma_start3A_56, %dma_start3A_57] : memref<32x80x125xi32, #tpu.memory_space<hbm>> -> memref<1x80x125xi32, #tpu.memory_space<hbm>>
      %dma_start3A_59 = tpu.memref_squeeze %dma_start3A_58 : memref<1x80x125xi32, #tpu.memory_space<hbm>> -> memref<80x125xi32, #tpu.memory_space<hbm>>
      tpu.enqueue_dma source(%dma_start3A_59 : memref<80x125xi32, #tpu.memory_space<hbm>>) target(%arg7 : memref<80x125xi32, #tpu.memory_space<vmem>>) target_semaphore(%run_scoped3A : memref<!tpu.dma_semaphore, #tpu.memory_space<semaphore_mem>>)
      %dma_wait3A = arith.constant 0 : i32
      %dma_wait3A_60 = arith.constant 0 : i32
      %dma_wait3A_61 = tpu.memref_slice %arg3[%add3A, %dma_wait3A, %dma_wait3A_60] : memref<32x80x125xi32, #tpu.memory_space<hbm>> -> memref<1x80x125xi32, #tpu.memory_space<hbm>>
      %dma_wait3A_62 = tpu.memref_squeeze %dma_wait3A_61 : memref<1x80x125xi32, #tpu.memory_space<hbm>> -> memref<80x125xi32, #tpu.memory_space<hbm>>
      %dma_wait3A_63 = arith.constant 0 : i32
      %dma_wait3A_64 = arith.constant 0 : i32
      %dma_wait3A_65 = tpu.memref_slice %arg3[%add3A, %dma_wait3A_63, %dma_wait3A_64] : memref<32x80x125xi32, #tpu.memory_space<hbm>> -> memref<1x80x125xi32, #tpu.memory_space<hbm>>
      %dma_wait3A_66 = tpu.memref_squeeze %dma_wait3A_65 : memref<1x80x125xi32, #tpu.memory_space<hbm>> -> memref<80x125xi32, #tpu.memory_space<hbm>>
      tpu.wait_dma2 semaphore(%run_scoped3A : memref<!tpu.dma_semaphore, #tpu.memory_space<semaphore_mem>>) src(%dma_wait3A_66 : memref<80x125xi32, #tpu.memory_space<hbm>>) dst(%arg7 : memref<80x125xi32, #tpu.memory_space<vmem>>)
      tpu.yield
    }) : () -> ()
    "tpu.region"() ({
      %run_scoped3A = tpu.sem_alloc : memref<!tpu.dma_semaphore, #tpu.memory_space<semaphore_mem>>
      %dma_start3A_52 = arith.constant 0 : i32
      %dma_start3A_53 = arith.constant 0 : i32
      %dma_start3A_54 = tpu.memref_slice %arg4[%add3A, %dma_start3A_52, %dma_start3A_53] : memref<32x80x125xi32, #tpu.memory_space<hbm>> -> memref<1x80x125xi32, #tpu.memory_space<hbm>>
      %dma_start3A_55 = tpu.memref_squeeze %dma_start3A_54 : memref<1x80x125xi32, #tpu.memory_space<hbm>> -> memref<80x125xi32, #tpu.memory_space<hbm>>
      %dma_start3A_56 = arith.constant 0 : i32
      %dma_start3A_57 = arith.constant 0 : i32
      %dma_start3A_58 = tpu.memref_slice %arg4[%add3A, %dma_start3A_56, %dma_start3A_57] : memref<32x80x125xi32, #tpu.memory_space<hbm>> -> memref<1x80x125xi32, #tpu.memory_space<hbm>>
      %dma_start3A_59 = tpu.memref_squeeze %dma_start3A_58 : memref<1x80x125xi32, #tpu.memory_space<hbm>> -> memref<80x125xi32, #tpu.memory_space<hbm>>
      tpu.enqueue_dma source(%dma_start3A_59 : memref<80x125xi32, #tpu.memory_space<hbm>>) target(%arg8 : memref<80x125xi32, #tpu.memory_space<vmem>>) target_semaphore(%run_scoped3A : memref<!tpu.dma_semaphore, #tpu.memory_space<semaphore_mem>>)
      %dma_wait3A = arith.constant 0 : i32
      %dma_wait3A_60 = arith.constant 0 : i32
      %dma_wait3A_61 = tpu.memref_slice %arg4[%add3A, %dma_wait3A, %dma_wait3A_60] : memref<32x80x125xi32, #tpu.memory_space<hbm>> -> memref<1x80x125xi32, #tpu.memory_space<hbm>>
      %dma_wait3A_62 = tpu.memref_squeeze %dma_wait3A_61 : memref<1x80x125xi32, #tpu.memory_space<hbm>> -> memref<80x125xi32, #tpu.memory_space<hbm>>
      %dma_wait3A_63 = arith.constant 0 : i32
      %dma_wait3A_64 = arith.constant 0 : i32
      %dma_wait3A_65 = tpu.memref_slice %arg4[%add3A, %dma_wait3A_63, %dma_wait3A_64] : memref<32x80x125xi32, #tpu.memory_space<hbm>> -> memref<1x80x125xi32, #tpu.memory_space<hbm>>
      %dma_wait3A_66 = tpu.memref_squeeze %dma_wait3A_65 : memref<1x80x125xi32, #tpu.memory_space<hbm>> -> memref<80x125xi32, #tpu.memory_space<hbm>>
      tpu.wait_dma2 semaphore(%run_scoped3A : memref<!tpu.dma_semaphore, #tpu.memory_space<semaphore_mem>>) src(%dma_wait3A_66 : memref<80x125xi32, #tpu.memory_space<hbm>>) dst(%arg8 : memref<80x125xi32, #tpu.memory_space<vmem>>)
      tpu.yield
    }) : () -> ()
    %barrier3A = arith.constant 0 : index
    tpu.barrier barrier_id(%barrier3A)
    %dma_start3A = arith.constant 0 : i32
    %dma_start3A_9 = arith.constant 0 : i32
    %dma_start3A_10 = tpu.memref_slice %arg7[%dma_start3A, %dma_start3A_9] : memref<80x125xi32, #tpu.memory_space<vmem>> -> memref<1x125xi32, #tpu.memory_space<vmem>>
    %dma_start3A_11 = tpu.memref_squeeze %dma_start3A_10 : memref<1x125xi32, #tpu.memory_space<vmem>> -> memref<125xi32, #tpu.memory_space<vmem>>
    %dma_start3A_12 = arith.constant 0 : i32
    %dma_start3A_13 = arith.constant 0 : i32
    %dma_start3A_14 = tpu.memref_slice %arg2[%dma_start3A_12, %dma_start3A_13] : memref<10000x64xf32, #tpu.memory_space<hbm>> -> memref<10000x64xf32, #tpu.memory_space<hbm>>
    tpu.enqueue_indirect_dma source(%dma_start3A_14 : memref<10000x64xf32, #tpu.memory_space<hbm>>) target(%arg9 : memref<125x64xf32, #tpu.memory_space<vmem>>) offsets(%dma_start3A_11 : memref<125xi32, #tpu.memory_space<vmem>>) semaphore(%arg13 : memref<!tpu.dma_semaphore, #tpu.memory_space<semaphore_mem>>)
    %dma_start3A_15 = arith.constant 1 : i32
    %dma_start3A_16 = arith.constant 0 : i32
    %dma_start3A_17 = tpu.memref_slice %arg7[%dma_start3A_15, %dma_start3A_16] : memref<80x125xi32, #tpu.memory_space<vmem>> -> memref<1x125xi32, #tpu.memory_space<vmem>>
    %dma_start3A_18 = tpu.memref_squeeze %dma_start3A_17 : memref<1x125xi32, #tpu.memory_space<vmem>> -> memref<125xi32, #tpu.memory_space<vmem>>
    %dma_start3A_19 = arith.constant 0 : i32
    %dma_start3A_20 = arith.constant 0 : i32
    %dma_start3A_21 = tpu.memref_slice %arg2[%dma_start3A_19, %dma_start3A_20] : memref<10000x64xf32, #tpu.memory_space<hbm>> -> memref<10000x64xf32, #tpu.memory_space<hbm>>
    tpu.enqueue_indirect_dma source(%dma_start3A_21 : memref<10000x64xf32, #tpu.memory_space<hbm>>) target(%arg10 : memref<125x64xf32, #tpu.memory_space<vmem>>) offsets(%dma_start3A_18 : memref<125xi32, #tpu.memory_space<vmem>>) semaphore(%arg13 : memref<!tpu.dma_semaphore, #tpu.memory_space<semaphore_mem>>)
    %dma_start3A_22 = arith.constant 2 : i32
    %dma_start3A_23 = arith.constant 0 : i32
    %dma_start3A_24 = tpu.memref_slice %arg7[%dma_start3A_22, %dma_start3A_23] : memref<80x125xi32, #tpu.memory_space<vmem>> -> memref<1x125xi32, #tpu.memory_space<vmem>>
    %dma_start3A_25 = tpu.memref_squeeze %dma_start3A_24 : memref<1x125xi32, #tpu.memory_space<vmem>> -> memref<125xi32, #tpu.memory_space<vmem>>
    %dma_start3A_26 = arith.constant 0 : i32
    %dma_start3A_27 = arith.constant 0 : i32
    %dma_start3A_28 = tpu.memref_slice %arg2[%dma_start3A_26, %dma_start3A_27] : memref<10000x64xf32, #tpu.memory_space<hbm>> -> memref<10000x64xf32, #tpu.memory_space<hbm>>
    tpu.enqueue_indirect_dma source(%dma_start3A_28 : memref<10000x64xf32, #tpu.memory_space<hbm>>) target(%arg11 : memref<125x64xf32, #tpu.memory_space<vmem>>) offsets(%dma_start3A_25 : memref<125xi32, #tpu.memory_space<vmem>>) semaphore(%arg13 : memref<!tpu.dma_semaphore, #tpu.memory_space<semaphore_mem>>)
    %dma_start3A_29 = arith.constant 3 : i32
    %dma_start3A_30 = arith.constant 0 : i32
    %dma_start3A_31 = tpu.memref_slice %arg7[%dma_start3A_29, %dma_start3A_30] : memref<80x125xi32, #tpu.memory_space<vmem>> -> memref<1x125xi32, #tpu.memory_space<vmem>>
    %dma_start3A_32 = tpu.memref_squeeze %dma_start3A_31 : memref<1x125xi32, #tpu.memory_space<vmem>> -> memref<125xi32, #tpu.memory_space<vmem>>
    %dma_start3A_33 = arith.constant 0 : i32
    %dma_start3A_34 = arith.constant 0 : i32
    %dma_start3A_35 = tpu.memref_slice %arg2[%dma_start3A_33, %dma_start3A_34] : memref<10000x64xf32, #tpu.memory_space<hbm>> -> memref<10000x64xf32, #tpu.memory_space<hbm>>
    tpu.enqueue_indirect_dma source(%dma_start3A_35 : memref<10000x64xf32, #tpu.memory_space<hbm>>) target(%arg12 : memref<125x64xf32, #tpu.memory_space<vmem>>) offsets(%dma_start3A_32 : memref<125xi32, #tpu.memory_space<vmem>>) semaphore(%arg13 : memref<!tpu.dma_semaphore, #tpu.memory_space<semaphore_mem>>)
    %scan3A = arith.constant 0 : i32
    %scan3A_36 = arith.constant 0 : i32
    %scan3A_37 = arith.constant 20 : i32
    %scan3A_38 = arith.addi %scan3A_36, %scan3A_37 : i32
    %scan3A_39 = arith.constant 1 : i32
    scf.for %scan3A_52 = %scan3A_36 to %scan3A_38 step %scan3A_39  : i32 {
      %mul3A_53 = arith.constant 4 : i32
      %mul3A_54 = arith.muli %mul3A_53, %scan3A_52 : i32
      %add3A_55 = arith.constant 0 : i32
      %add3A_56 = arith.addi %mul3A_54, %add3A_55 : i32
      %dma_wait3A = arith.constant 0 : i32
      %dma_wait3A_57 = tpu.memref_slice %arg7[%add3A_56, %dma_wait3A] : memref<80x125xi32, #tpu.memory_space<vmem>> -> memref<1x125xi32, #tpu.memory_space<vmem>>
      %dma_wait3A_58 = tpu.memref_squeeze %dma_wait3A_57 : memref<1x125xi32, #tpu.memory_space<vmem>> -> memref<125xi32, #tpu.memory_space<vmem>>
      %dma_wait3A_59 = arith.constant 0 : i32
      %dma_wait3A_60 = arith.constant 0 : i32
      %dma_wait3A_61 = tpu.memref_slice %arg2[%dma_wait3A_59, %dma_wait3A_60] : memref<10000x64xf32, #tpu.memory_space<hbm>> -> memref<10000x64xf32, #tpu.memory_space<hbm>>
      tpu.wait_indirect_dma semaphore(%arg13 : memref<!tpu.dma_semaphore, #tpu.memory_space<semaphore_mem>>) src(%dma_wait3A_61 : memref<10000x64xf32, #tpu.memory_space<hbm>>) dst(%arg9 : memref<125x64xf32, #tpu.memory_space<vmem>>)
      "tpu.region"() ({
        %run_scoped3A = tpu.sem_alloc : memref<!tpu.dma_semaphore, #tpu.memory_space<semaphore_mem>>
        %dma_start3A_120 = arith.constant 0 : i32
        %dma_start3A_121 = tpu.memref_slice %arg8[%add3A_56, %dma_start3A_120] : memref<80x125xi32, #tpu.memory_space<vmem>> -> memref<1x125xi32, #tpu.memory_space<vmem>>
        %dma_start3A_122 = tpu.memref_squeeze %dma_start3A_121 : memref<1x125xi32, #tpu.memory_space<vmem>> -> memref<125xi32, #tpu.memory_space<vmem>>
        %dma_start3A_123 = arith.constant 0 : i32
        %dma_start3A_124 = arith.constant 0 : i32
        %dma_start3A_125 = tpu.memref_slice %arg14[%dma_start3A_123, %dma_start3A_124] : memref<10000x64xf32, #tpu.memory_space<vmem_shared>> -> memref<10000x64xf32, #tpu.memory_space<vmem_shared>>
        tpu.enqueue_indirect_dma source(%arg9 : memref<125x64xf32, #tpu.memory_space<vmem>>) target(%dma_start3A_125 : memref<10000x64xf32, #tpu.memory_space<vmem_shared>>) offsets(%dma_start3A_122 : memref<125xi32, #tpu.memory_space<vmem>>) semaphore(%run_scoped3A : memref<!tpu.dma_semaphore, #tpu.memory_space<semaphore_mem>>) {add = true}
        %dma_wait3A_126 = arith.constant 0 : i32
        %dma_wait3A_127 = tpu.memref_slice %arg8[%add3A_56, %dma_wait3A_126] : memref<80x125xi32, #tpu.memory_space<vmem>> -> memref<1x125xi32, #tpu.memory_space<vmem>>
        %dma_wait3A_128 = tpu.memref_squeeze %dma_wait3A_127 : memref<1x125xi32, #tpu.memory_space<vmem>> -> memref<125xi32, #tpu.memory_space<vmem>>
        %dma_wait3A_129 = arith.constant 0 : i32
        %dma_wait3A_130 = arith.constant 0 : i32
        %dma_wait3A_131 = tpu.memref_slice %arg14[%dma_wait3A_129, %dma_wait3A_130] : memref<10000x64xf32, #tpu.memory_space<vmem_shared>> -> memref<10000x64xf32, #tpu.memory_space<vmem_shared>>
        tpu.wait_indirect_dma semaphore(%run_scoped3A : memref<!tpu.dma_semaphore, #tpu.memory_space<semaphore_mem>>) src(%arg9 : memref<125x64xf32, #tpu.memory_space<vmem>>) dst(%dma_wait3A_131 : memref<10000x64xf32, #tpu.memory_space<vmem_shared>>)
        tpu.yield
      }) : () -> ()
      %add3A_62 = arith.constant 4 : i32
      %add3A_63 = arith.addi %add3A_56, %add3A_62 : i32
      %lt3A_64 = arith.constant 80 : i32
      %lt3A_65 = arith.cmpi slt, %add3A_63, %lt3A_64 : i32
      %convert_element_type3A_66 = arith.extui %lt3A_65 : i1 to i32
      %cond3A_67 = arith.constant 0 : i32
      %cond3A_68 = arith.cmpi ne, %convert_element_type3A_66, %cond3A_67 : i32
      scf.if %cond3A_68 {
        %add3A_120 = arith.constant 4 : i32
        %add3A_121 = arith.addi %add3A_56, %add3A_120 : i32
        %dma_start3A_122 = arith.constant 0 : i32
        %dma_start3A_123 = tpu.memref_slice %arg7[%add3A_121, %dma_start3A_122] : memref<80x125xi32, #tpu.memory_space<vmem>> -> memref<1x125xi32, #tpu.memory_space<vmem>>
        %dma_start3A_124 = tpu.memref_squeeze %dma_start3A_123 : memref<1x125xi32, #tpu.memory_space<vmem>> -> memref<125xi32, #tpu.memory_space<vmem>>
        %dma_start3A_125 = arith.constant 0 : i32
        %dma_start3A_126 = arith.constant 0 : i32
        %dma_start3A_127 = tpu.memref_slice %arg2[%dma_start3A_125, %dma_start3A_126] : memref<10000x64xf32, #tpu.memory_space<hbm>> -> memref<10000x64xf32, #tpu.memory_space<hbm>>
        tpu.enqueue_indirect_dma source(%dma_start3A_127 : memref<10000x64xf32, #tpu.memory_space<hbm>>) target(%arg9 : memref<125x64xf32, #tpu.memory_space<vmem>>) offsets(%dma_start3A_124 : memref<125xi32, #tpu.memory_space<vmem>>) semaphore(%arg13 : memref<!tpu.dma_semaphore, #tpu.memory_space<semaphore_mem>>)
      } else {
      }
      %mul3A_69 = arith.constant 4 : i32
      %mul3A_70 = arith.muli %mul3A_69, %scan3A_52 : i32
      %add3A_71 = arith.constant 1 : i32
      %add3A_72 = arith.addi %mul3A_70, %add3A_71 : i32
      %dma_wait3A_73 = arith.constant 0 : i32
      %dma_wait3A_74 = tpu.memref_slice %arg7[%add3A_72, %dma_wait3A_73] : memref<80x125xi32, #tpu.memory_space<vmem>> -> memref<1x125xi32, #tpu.memory_space<vmem>>
      %dma_wait3A_75 = tpu.memref_squeeze %dma_wait3A_74 : memref<1x125xi32, #tpu.memory_space<vmem>> -> memref<125xi32, #tpu.memory_space<vmem>>
      %dma_wait3A_76 = arith.constant 0 : i32
      %dma_wait3A_77 = arith.constant 0 : i32
      %dma_wait3A_78 = tpu.memref_slice %arg2[%dma_wait3A_76, %dma_wait3A_77] : memref<10000x64xf32, #tpu.memory_space<hbm>> -> memref<10000x64xf32, #tpu.memory_space<hbm>>
      tpu.wait_indirect_dma semaphore(%arg13 : memref<!tpu.dma_semaphore, #tpu.memory_space<semaphore_mem>>) src(%dma_wait3A_78 : memref<10000x64xf32, #tpu.memory_space<hbm>>) dst(%arg10 : memref<125x64xf32, #tpu.memory_space<vmem>>)
      "tpu.region"() ({
        %run_scoped3A = tpu.sem_alloc : memref<!tpu.dma_semaphore, #tpu.memory_space<semaphore_mem>>
        %dma_start3A_120 = arith.constant 0 : i32
        %dma_start3A_121 = tpu.memref_slice %arg8[%add3A_72, %dma_start3A_120] : memref<80x125xi32, #tpu.memory_space<vmem>> -> memref<1x125xi32, #tpu.memory_space<vmem>>
        %dma_start3A_122 = tpu.memref_squeeze %dma_start3A_121 : memref<1x125xi32, #tpu.memory_space<vmem>> -> memref<125xi32, #tpu.memory_space<vmem>>
        %dma_start3A_123 = arith.constant 0 : i32
        %dma_start3A_124 = arith.constant 0 : i32
        %dma_start3A_125 = tpu.memref_slice %arg14[%dma_start3A_123, %dma_start3A_124] : memref<10000x64xf32, #tpu.memory_space<vmem_shared>> -> memref<10000x64xf32, #tpu.memory_space<vmem_shared>>
        tpu.enqueue_indirect_dma source(%arg10 : memref<125x64xf32, #tpu.memory_space<vmem>>) target(%dma_start3A_125 : memref<10000x64xf32, #tpu.memory_space<vmem_shared>>) offsets(%dma_start3A_122 : memref<125xi32, #tpu.memory_space<vmem>>) semaphore(%run_scoped3A : memref<!tpu.dma_semaphore, #tpu.memory_space<semaphore_mem>>) {add = true}
        %dma_wait3A_126 = arith.constant 0 : i32
        %dma_wait3A_127 = tpu.memref_slice %arg8[%add3A_72, %dma_wait3A_126] : memref<80x125xi32, #tpu.memory_space<vmem>> -> memref<1x125xi32, #tpu.memory_space<vmem>>
        %dma_wait3A_128 = tpu.memref_squeeze %dma_wait3A_127 : memref<1x125xi32, #tpu.memory_space<vmem>> -> memref<125xi32, #tpu.memory_space<vmem>>
        %dma_wait3A_129 = arith.constant 0 : i32
        %dma_wait3A_130 = arith.constant 0 : i32
        %dma_wait3A_131 = tpu.memref_slice %arg14[%dma_wait3A_129, %dma_wait3A_130] : memref<10000x64xf32, #tpu.memory_space<vmem_shared>> -> memref<10000x64xf32, #tpu.memory_space<vmem_shared>>
        tpu.wait_indirect_dma semaphore(%run_scoped3A : memref<!tpu.dma_semaphore, #tpu.memory_space<semaphore_mem>>) src(%arg10 : memref<125x64xf32, #tpu.memory_space<vmem>>) dst(%dma_wait3A_131 : memref<10000x64xf32, #tpu.memory_space<vmem_shared>>)
        tpu.yield
      }) : () -> ()
      %add3A_79 = arith.constant 4 : i32
      %add3A_80 = arith.addi %add3A_72, %add3A_79 : i32
      %lt3A_81 = arith.constant 80 : i32
      %lt3A_82 = arith.cmpi slt, %add3A_80, %lt3A_81 : i32
      %convert_element_type3A_83 = arith.extui %lt3A_82 : i1 to i32
      %cond3A_84 = arith.constant 0 : i32
      %cond3A_85 = arith.cmpi ne, %convert_element_type3A_83, %cond3A_84 : i32
      scf.if %cond3A_85 {
        %add3A_120 = arith.constant 4 : i32
        %add3A_121 = arith.addi %add3A_72, %add3A_120 : i32
        %dma_start3A_122 = arith.constant 0 : i32
        %dma_start3A_123 = tpu.memref_slice %arg7[%add3A_121, %dma_start3A_122] : memref<80x125xi32, #tpu.memory_space<vmem>> -> memref<1x125xi32, #tpu.memory_space<vmem>>
        %dma_start3A_124 = tpu.memref_squeeze %dma_start3A_123 : memref<1x125xi32, #tpu.memory_space<vmem>> -> memref<125xi32, #tpu.memory_space<vmem>>
        %dma_start3A_125 = arith.constant 0 : i32
        %dma_start3A_126 = arith.constant 0 : i32
        %dma_start3A_127 = tpu.memref_slice %arg2[%dma_start3A_125, %dma_start3A_126] : memref<10000x64xf32, #tpu.memory_space<hbm>> -> memref<10000x64xf32, #tpu.memory_space<hbm>>
        tpu.enqueue_indirect_dma source(%dma_start3A_127 : memref<10000x64xf32, #tpu.memory_space<hbm>>) target(%arg10 : memref<125x64xf32, #tpu.memory_space<vmem>>) offsets(%dma_start3A_124 : memref<125xi32, #tpu.memory_space<vmem>>) semaphore(%arg13 : memref<!tpu.dma_semaphore, #tpu.memory_space<semaphore_mem>>)
      } else {
      }
      %mul3A_86 = arith.constant 4 : i32
      %mul3A_87 = arith.muli %mul3A_86, %scan3A_52 : i32
      %add3A_88 = arith.constant 2 : i32
      %add3A_89 = arith.addi %mul3A_87, %add3A_88 : i32
      %dma_wait3A_90 = arith.constant 0 : i32
      %dma_wait3A_91 = tpu.memref_slice %arg7[%add3A_89, %dma_wait3A_90] : memref<80x125xi32, #tpu.memory_space<vmem>> -> memref<1x125xi32, #tpu.memory_space<vmem>>
      %dma_wait3A_92 = tpu.memref_squeeze %dma_wait3A_91 : memref<1x125xi32, #tpu.memory_space<vmem>> -> memref<125xi32, #tpu.memory_space<vmem>>
      %dma_wait3A_93 = arith.constant 0 : i32
      %dma_wait3A_94 = arith.constant 0 : i32
      %dma_wait3A_95 = tpu.memref_slice %arg2[%dma_wait3A_93, %dma_wait3A_94] : memref<10000x64xf32, #tpu.memory_space<hbm>> -> memref<10000x64xf32, #tpu.memory_space<hbm>>
      tpu.wait_indirect_dma semaphore(%arg13 : memref<!tpu.dma_semaphore, #tpu.memory_space<semaphore_mem>>) src(%dma_wait3A_95 : memref<10000x64xf32, #tpu.memory_space<hbm>>) dst(%arg11 : memref<125x64xf32, #tpu.memory_space<vmem>>)
      "tpu.region"() ({
        %run_scoped3A = tpu.sem_alloc : memref<!tpu.dma_semaphore, #tpu.memory_space<semaphore_mem>>
        %dma_start3A_120 = arith.constant 0 : i32
        %dma_start3A_121 = tpu.memref_slice %arg8[%add3A_89, %dma_start3A_120] : memref<80x125xi32, #tpu.memory_space<vmem>> -> memref<1x125xi32, #tpu.memory_space<vmem>>
        %dma_start3A_122 = tpu.memref_squeeze %dma_start3A_121 : memref<1x125xi32, #tpu.memory_space<vmem>> -> memref<125xi32, #tpu.memory_space<vmem>>
        %dma_start3A_123 = arith.constant 0 : i32
        %dma_start3A_124 = arith.constant 0 : i32
        %dma_start3A_125 = tpu.memref_slice %arg14[%dma_start3A_123, %dma_start3A_124] : memref<10000x64xf32, #tpu.memory_space<vmem_shared>> -> memref<10000x64xf32, #tpu.memory_space<vmem_shared>>
        tpu.enqueue_indirect_dma source(%arg11 : memref<125x64xf32, #tpu.memory_space<vmem>>) target(%dma_start3A_125 : memref<10000x64xf32, #tpu.memory_space<vmem_shared>>) offsets(%dma_start3A_122 : memref<125xi32, #tpu.memory_space<vmem>>) semaphore(%run_scoped3A : memref<!tpu.dma_semaphore, #tpu.memory_space<semaphore_mem>>) {add = true}
        %dma_wait3A_126 = arith.constant 0 : i32
        %dma_wait3A_127 = tpu.memref_slice %arg8[%add3A_89, %dma_wait3A_126] : memref<80x125xi32, #tpu.memory_space<vmem>> -> memref<1x125xi32, #tpu.memory_space<vmem>>
        %dma_wait3A_128 = tpu.memref_squeeze %dma_wait3A_127 : memref<1x125xi32, #tpu.memory_space<vmem>> -> memref<125xi32, #tpu.memory_space<vmem>>
        %dma_wait3A_129 = arith.constant 0 : i32
        %dma_wait3A_130 = arith.constant 0 : i32
        %dma_wait3A_131 = tpu.memref_slice %arg14[%dma_wait3A_129, %dma_wait3A_130] : memref<10000x64xf32, #tpu.memory_space<vmem_shared>> -> memref<10000x64xf32, #tpu.memory_space<vmem_shared>>
        tpu.wait_indirect_dma semaphore(%run_scoped3A : memref<!tpu.dma_semaphore, #tpu.memory_space<semaphore_mem>>) src(%arg11 : memref<125x64xf32, #tpu.memory_space<vmem>>) dst(%dma_wait3A_131 : memref<10000x64xf32, #tpu.memory_space<vmem_shared>>)
        tpu.yield
      }) : () -> ()
      %add3A_96 = arith.constant 4 : i32
      %add3A_97 = arith.addi %add3A_89, %add3A_96 : i32
      %lt3A_98 = arith.constant 80 : i32
      %lt3A_99 = arith.cmpi slt, %add3A_97, %lt3A_98 : i32
      %convert_element_type3A_100 = arith.extui %lt3A_99 : i1 to i32
      %cond3A_101 = arith.constant 0 : i32
      %cond3A_102 = arith.cmpi ne, %convert_element_type3A_100, %cond3A_101 : i32
      scf.if %cond3A_102 {
        %add3A_120 = arith.constant 4 : i32
        %add3A_121 = arith.addi %add3A_89, %add3A_120 : i32
        %dma_start3A_122 = arith.constant 0 : i32
        %dma_start3A_123 = tpu.memref_slice %arg7[%add3A_121, %dma_start3A_122] : memref<80x125xi32, #tpu.memory_space<vmem>> -> memref<1x125xi32, #tpu.memory_space<vmem>>
        %dma_start3A_124 = tpu.memref_squeeze %dma_start3A_123 : memref<1x125xi32, #tpu.memory_space<vmem>> -> memref<125xi32, #tpu.memory_space<vmem>>
        %dma_start3A_125 = arith.constant 0 : i32
        %dma_start3A_126 = arith.constant 0 : i32
        %dma_start3A_127 = tpu.memref_slice %arg2[%dma_start3A_125, %dma_start3A_126] : memref<10000x64xf32, #tpu.memory_space<hbm>> -> memref<10000x64xf32, #tpu.memory_space<hbm>>
        tpu.enqueue_indirect_dma source(%dma_start3A_127 : memref<10000x64xf32, #tpu.memory_space<hbm>>) target(%arg11 : memref<125x64xf32, #tpu.memory_space<vmem>>) offsets(%dma_start3A_124 : memref<125xi32, #tpu.memory_space<vmem>>) semaphore(%arg13 : memref<!tpu.dma_semaphore, #tpu.memory_space<semaphore_mem>>)
      } else {
      }
      %mul3A_103 = arith.constant 4 : i32
      %mul3A_104 = arith.muli %mul3A_103, %scan3A_52 : i32
      %add3A_105 = arith.constant 3 : i32
      %add3A_106 = arith.addi %mul3A_104, %add3A_105 : i32
      %dma_wait3A_107 = arith.constant 0 : i32
      %dma_wait3A_108 = tpu.memref_slice %arg7[%add3A_106, %dma_wait3A_107] : memref<80x125xi32, #tpu.memory_space<vmem>> -> memref<1x125xi32, #tpu.memory_space<vmem>>
      %dma_wait3A_109 = tpu.memref_squeeze %dma_wait3A_108 : memref<1x125xi32, #tpu.memory_space<vmem>> -> memref<125xi32, #tpu.memory_space<vmem>>
      %dma_wait3A_110 = arith.constant 0 : i32
      %dma_wait3A_111 = arith.constant 0 : i32
      %dma_wait3A_112 = tpu.memref_slice %arg2[%dma_wait3A_110, %dma_wait3A_111] : memref<10000x64xf32, #tpu.memory_space<hbm>> -> memref<10000x64xf32, #tpu.memory_space<hbm>>
      tpu.wait_indirect_dma semaphore(%arg13 : memref<!tpu.dma_semaphore, #tpu.memory_space<semaphore_mem>>) src(%dma_wait3A_112 : memref<10000x64xf32, #tpu.memory_space<hbm>>) dst(%arg12 : memref<125x64xf32, #tpu.memory_space<vmem>>)
      "tpu.region"() ({
        %run_scoped3A = tpu.sem_alloc : memref<!tpu.dma_semaphore, #tpu.memory_space<semaphore_mem>>
        %dma_start3A_120 = arith.constant 0 : i32
        %dma_start3A_121 = tpu.memref_slice %arg8[%add3A_106, %dma_start3A_120] : memref<80x125xi32, #tpu.memory_space<vmem>> -> memref<1x125xi32, #tpu.memory_space<vmem>>
        %dma_start3A_122 = tpu.memref_squeeze %dma_start3A_121 : memref<1x125xi32, #tpu.memory_space<vmem>> -> memref<125xi32, #tpu.memory_space<vmem>>
        %dma_start3A_123 = arith.constant 0 : i32
        %dma_start3A_124 = arith.constant 0 : i32
        %dma_start3A_125 = tpu.memref_slice %arg14[%dma_start3A_123, %dma_start3A_124] : memref<10000x64xf32, #tpu.memory_space<vmem_shared>> -> memref<10000x64xf32, #tpu.memory_space<vmem_shared>>
        tpu.enqueue_indirect_dma source(%arg12 : memref<125x64xf32, #tpu.memory_space<vmem>>) target(%dma_start3A_125 : memref<10000x64xf32, #tpu.memory_space<vmem_shared>>) offsets(%dma_start3A_122 : memref<125xi32, #tpu.memory_space<vmem>>) semaphore(%run_scoped3A : memref<!tpu.dma_semaphore, #tpu.memory_space<semaphore_mem>>) {add = true}
        %dma_wait3A_126 = arith.constant 0 : i32
        %dma_wait3A_127 = tpu.memref_slice %arg8[%add3A_106, %dma_wait3A_126] : memref<80x125xi32, #tpu.memory_space<vmem>> -> memref<1x125xi32, #tpu.memory_space<vmem>>
        %dma_wait3A_128 = tpu.memref_squeeze %dma_wait3A_127 : memref<1x125xi32, #tpu.memory_space<vmem>> -> memref<125xi32, #tpu.memory_space<vmem>>
        %dma_wait3A_129 = arith.constant 0 : i32
        %dma_wait3A_130 = arith.constant 0 : i32
        %dma_wait3A_131 = tpu.memref_slice %arg14[%dma_wait3A_129, %dma_wait3A_130] : memref<10000x64xf32, #tpu.memory_space<vmem_shared>> -> memref<10000x64xf32, #tpu.memory_space<vmem_shared>>
        tpu.wait_indirect_dma semaphore(%run_scoped3A : memref<!tpu.dma_semaphore, #tpu.memory_space<semaphore_mem>>) src(%arg12 : memref<125x64xf32, #tpu.memory_space<vmem>>) dst(%dma_wait3A_131 : memref<10000x64xf32, #tpu.memory_space<vmem_shared>>)
        tpu.yield
      }) : () -> ()
      %add3A_113 = arith.constant 4 : i32
      %add3A_114 = arith.addi %add3A_106, %add3A_113 : i32
      %lt3A_115 = arith.constant 80 : i32
      %lt3A_116 = arith.cmpi slt, %add3A_114, %lt3A_115 : i32
      %convert_element_type3A_117 = arith.extui %lt3A_116 : i1 to i32
      %cond3A_118 = arith.constant 0 : i32
      %cond3A_119 = arith.cmpi ne, %convert_element_type3A_117, %cond3A_118 : i32
      scf.if %cond3A_119 {
        %add3A_120 = arith.constant 4 : i32
        %add3A_121 = arith.addi %add3A_106, %add3A_120 : i32
        %dma_start3A_122 = arith.constant 0 : i32
        %dma_start3A_123 = tpu.memref_slice %arg7[%add3A_121, %dma_start3A_122] : memref<80x125xi32, #tpu.memory_space<vmem>> -> memref<1x125xi32, #tpu.memory_space<vmem>>
        %dma_start3A_124 = tpu.memref_squeeze %dma_start3A_123 : memref<1x125xi32, #tpu.memory_space<vmem>> -> memref<125xi32, #tpu.memory_space<vmem>>
        %dma_start3A_125 = arith.constant 0 : i32
        %dma_start3A_126 = arith.constant 0 : i32
        %dma_start3A_127 = tpu.memref_slice %arg2[%dma_start3A_125, %dma_start3A_126] : memref<10000x64xf32, #tpu.memory_space<hbm>> -> memref<10000x64xf32, #tpu.memory_space<hbm>>
        tpu.enqueue_indirect_dma source(%dma_start3A_127 : memref<10000x64xf32, #tpu.memory_space<hbm>>) target(%arg12 : memref<125x64xf32, #tpu.memory_space<vmem>>) offsets(%dma_start3A_124 : memref<125xi32, #tpu.memory_space<vmem>>) semaphore(%arg13 : memref<!tpu.dma_semaphore, #tpu.memory_space<semaphore_mem>>)
      } else {
      }
    }
    %scan3A_40 = arith.constant 20 : i32
    %barrier3A_41 = arith.constant 0 : index
    tpu.barrier barrier_id(%barrier3A_41)
    %lt3A_42 = arith.constant 15 : i32
    %lt3A_43 = arith.cmpi slt, %arg1, %lt3A_42 : i32
    %convert_element_type3A_44 = arith.extui %lt3A_43 : i1 to i32
    %cond3A_45 = arith.constant 0 : i32
    %cond3A_46 = arith.cmpi ne, %convert_element_type3A_44, %cond3A_45 : i32
    scf.if %cond3A_46 {
      "tpu.region"() ({
        %run_scoped3A = tpu.sem_alloc : memref<!tpu.dma_semaphore, #tpu.memory_space<semaphore_mem>>
        %dma_start3A_52 = arith.constant 0 : i32
        %dma_start3A_53 = tpu.memref_slice %arg6[%arg0, %mul3A_2, %dma_start3A_52] : memref<2x10000x64xf32, #tpu.memory_space<hbm>> -> memref<1x624x64xf32, #tpu.memory_space<hbm>>
        %dma_start3A_54 = tpu.memref_squeeze %dma_start3A_53 : memref<1x624x64xf32, #tpu.memory_space<hbm>> -> memref<624x64xf32, #tpu.memory_space<hbm>>
        %dma_start3A_55 = arith.constant 0 : i32
        %dma_start3A_56 = tpu.memref_slice %arg14[%mul3A_2, %dma_start3A_55] : memref<10000x64xf32, #tpu.memory_space<vmem_shared>> -> memref<624x64xf32, #tpu.memory_space<vmem_shared>>
        tpu.enqueue_dma source(%dma_start3A_56 : memref<624x64xf32, #tpu.memory_space<vmem_shared>>) target(%dma_start3A_54 : memref<624x64xf32, #tpu.memory_space<hbm>>) target_semaphore(%run_scoped3A : memref<!tpu.dma_semaphore, #tpu.memory_space<semaphore_mem>>)
        %dma_wait3A = arith.constant 0 : i32
        %dma_wait3A_57 = tpu.memref_slice %arg6[%arg0, %mul3A_2, %dma_wait3A] : memref<2x10000x64xf32, #tpu.memory_space<hbm>> -> memref<1x624x64xf32, #tpu.memory_space<hbm>>
        %dma_wait3A_58 = tpu.memref_squeeze %dma_wait3A_57 : memref<1x624x64xf32, #tpu.memory_space<hbm>> -> memref<624x64xf32, #tpu.memory_space<hbm>>
        %dma_wait3A_59 = arith.constant 0 : i32
        %dma_wait3A_60 = tpu.memref_slice %arg14[%mul3A_2, %dma_wait3A_59] : memref<10000x64xf32, #tpu.memory_space<vmem_shared>> -> memref<624x64xf32, #tpu.memory_space<vmem_shared>>
        tpu.wait_dma2 semaphore(%run_scoped3A : memref<!tpu.dma_semaphore, #tpu.memory_space<semaphore_mem>>) src(%dma_wait3A_60 : memref<624x64xf32, #tpu.memory_space<vmem_shared>>) dst(%dma_wait3A_58 : memref<624x64xf32, #tpu.memory_space<hbm>>)
        tpu.yield
      }) : () -> ()
    } else {
    }
    %eq3A_47 = arith.constant 15 : i32
    %eq3A_48 = arith.cmpi eq, %arg1, %eq3A_47 : i32
    %convert_element_type3A_49 = arith.extui %eq3A_48 : i1 to i32
    %cond3A_50 = arith.constant 0 : i32
    %cond3A_51 = arith.cmpi ne, %convert_element_type3A_49, %cond3A_50 : i32
    scf.if %cond3A_51 {
      "tpu.region"() ({
        %run_scoped3A = tpu.sem_alloc : memref<!tpu.dma_semaphore, #tpu.memory_space<semaphore_mem>>
        %dma_start3A_52 = arith.constant 9360 : i32
        %dma_start3A_53 = arith.constant 0 : i32
        %dma_start3A_54 = tpu.memref_slice %arg6[%arg0, %dma_start3A_52, %dma_start3A_53] : memref<2x10000x64xf32, #tpu.memory_space<hbm>> -> memref<1x640x64xf32, #tpu.memory_space<hbm>>
        %dma_start3A_55 = tpu.memref_squeeze %dma_start3A_54 : memref<1x640x64xf32, #tpu.memory_space<hbm>> -> memref<640x64xf32, #tpu.memory_space<hbm>>
        %dma_start3A_56 = arith.constant 9360 : i32
        %dma_start3A_57 = arith.constant 0 : i32
        %dma_start3A_58 = tpu.memref_slice %arg14[%dma_start3A_56, %dma_start3A_57] : memref<10000x64xf32, #tpu.memory_space<vmem_shared>> -> memref<640x64xf32, #tpu.memory_space<vmem_shared>>
        tpu.enqueue_dma source(%dma_start3A_58 : memref<640x64xf32, #tpu.memory_space<vmem_shared>>) target(%dma_start3A_55 : memref<640x64xf32, #tpu.memory_space<hbm>>) target_semaphore(%run_scoped3A : memref<!tpu.dma_semaphore, #tpu.memory_space<semaphore_mem>>)
        %dma_wait3A = arith.constant 9360 : i32
        %dma_wait3A_59 = arith.constant 0 : i32
        %dma_wait3A_60 = tpu.memref_slice %arg6[%arg0, %dma_wait3A, %dma_wait3A_59] : memref<2x10000x64xf32, #tpu.memory_space<hbm>> -> memref<1x640x64xf32, #tpu.memory_space<hbm>>
        %dma_wait3A_61 = tpu.memref_squeeze %dma_wait3A_60 : memref<1x640x64xf32, #tpu.memory_space<hbm>> -> memref<640x64xf32, #tpu.memory_space<hbm>>
        %dma_wait3A_62 = arith.constant 9360 : i32
        %dma_wait3A_63 = arith.constant 0 : i32
        %dma_wait3A_64 = tpu.memref_slice %arg14[%dma_wait3A_62, %dma_wait3A_63] : memref<10000x64xf32, #tpu.memory_space<vmem_shared>> -> memref<640x64xf32, #tpu.memory_space<vmem_shared>>
        tpu.wait_dma2 semaphore(%run_scoped3A : memref<!tpu.dma_semaphore, #tpu.memory_space<semaphore_mem>>) src(%dma_wait3A_64 : memref<640x64xf32, #tpu.memory_space<vmem_shared>>) dst(%dma_wait3A_61 : memref<640x64xf32, #tpu.memory_space<hbm>>)
        tpu.yield
      }) : () -> ()
    } else {
    }
    return
  }
}

module attributes {stable_mosaic.version = 14 : i64} {
  func.func @_mmps_body(%arg0: i32, %arg1: memref<2000x128xf32, #tpu.memory_space<vmem>>, %arg2: memref<128x64xf32, #tpu.memory_space<vmem>>, %arg3: memref<2000x1xf32, #tpu.memory_space<vmem>>, %arg4: memref<2000x64xf32, #tpu.memory_space<vmem>>, %arg5: memref<2000x1xf32, #tpu.memory_space<vmem>>, %arg6: memref<2000x64xf32, #tpu.memory_space<vmem>>) attributes {dimension_semantics = [#tpu.dimension_semantics<arbitrary>], iteration_bounds = array<i64: 5>, scalar_prefetch = 0 : i64, scratch_operands = 0 : i64, tpu.core_type = #tpu.core_type<tc>, window_params = [{transform_indices = @transform_0, window_bounds = array<i64: 2000, 128>}, {pipeline_mode = #tpu.pipeline_mode<synchronous>, transform_indices = @transform_1, window_bounds = array<i64: 128, 64>}, {transform_indices = @transform_2, window_bounds = array<i64: 2000, 1>}, {transform_indices = @transform_3, window_bounds = array<i64: 2000, 64>}, {transform_indices = @transform_4, window_bounds = array<i64: 2000, 1>}, {transform_indices = @transform_5, window_bounds = array<i64: 2000, 64>}]} {
    %get3A = arith.constant 0 : index
    %get3A_0 = arith.constant 0 : index
    %get3A_1 = vector.load %arg1[%get3A, %get3A_0] : memref<2000x128xf32, #tpu.memory_space<vmem>>, vector<2000x128xf32>
    %get3A_2 = arith.constant 0 : index
    %get3A_3 = arith.constant 0 : index
    %get3A_4 = vector.load %arg2[%get3A_2, %get3A_3] : memref<128x64xf32, #tpu.memory_space<vmem>>, vector<128x64xf32>
    %dot_general3A = arith.constant dense<0.000000e+00> : vector<2000x64xf32>
    %dot_general3A_5 = tpu.matmul %get3A_1, %get3A_4, %dot_general3A {dimension_numbers = #tpu.dot_dimension_numbers<[1], [0], [0], [1], [0, 0, 1, 1], [], []>, transpose_lhs_hint = false} : vector<2000x128xf32>, vector<128x64xf32>, vector<2000x64xf32> -> vector<2000x64xf32>
    %get3A_6 = arith.constant 0 : index
    %get3A_7 = arith.constant 0 : index
    %get3A_8 = vector.load %arg3[%get3A_6, %get3A_7] : memref<2000x1xf32, #tpu.memory_space<vmem>>, vector<2000x1xf32>
    %add3A = arith.constant 1.000000e+00 : f32
    %add3A_9 = vector.broadcast %add3A : f32 to vector<2000x1xf32>
    %add3A_10 = arith.addf %get3A_8, %add3A_9 : vector<2000x1xf32>
    %rsqrt3A = math.rsqrt %add3A_10 : vector<2000x1xf32>
    %swap3A = arith.constant 0 : index
    %swap3A_11 = arith.constant 0 : index
    %swap3A_12 = vector.load %arg4[%swap3A, %swap3A_11] : memref<2000x64xf32, #tpu.memory_space<vmem>>, vector<2000x64xf32>
    tpu.vector_store %arg4[%swap3A, %swap3A_11], %dot_general3A_5 {strides = array<i32>} : memref<2000x64xf32, #tpu.memory_space<vmem>>, vector<2000x64xf32>,
    %swap3A_13 = arith.constant 0 : index
    %swap3A_14 = arith.constant 0 : index
    %swap3A_15 = vector.load %arg5[%swap3A_13, %swap3A_14] : memref<2000x1xf32, #tpu.memory_space<vmem>>, vector<2000x1xf32>
    tpu.vector_store %arg5[%swap3A_13, %swap3A_14], %rsqrt3A {strides = array<i32>} : memref<2000x1xf32, #tpu.memory_space<vmem>>, vector<2000x1xf32>,
    %mul3A = vector.broadcast %rsqrt3A : vector<2000x1xf32> to vector<2000x64xf32>
    %mul3A_16 = arith.mulf %dot_general3A_5, %mul3A : vector<2000x64xf32>
    %swap3A_17 = arith.constant 0 : index
    %swap3A_18 = arith.constant 0 : index
    %swap3A_19 = vector.load %arg6[%swap3A_17, %swap3A_18] : memref<2000x64xf32, #tpu.memory_space<vmem>>, vector<2000x64xf32>
    tpu.vector_store %arg6[%swap3A_17, %swap3A_18], %mul3A_16 {strides = array<i32>} : memref<2000x64xf32, #tpu.memory_space<vmem>>, vector<2000x64xf32>,
    return
  }
  func.func @transform_0(%arg0: i32) -> (i32, i32) {
    %c0_i32 = arith.constant 0 : i32
    %c0_i32_0 = arith.constant 0 : i32
    return %arg0, %c0_i32 : i32, i32
  }
  func.func @transform_1(%arg0: i32) -> (i32, i32) {
    %c0_i32 = arith.constant 0 : i32
    %c0_i32_0 = arith.constant 0 : i32
    %c0_i32_1 = arith.constant 0 : i32
    return %c0_i32, %c0_i32_0 : i32, i32
  }
  func.func @transform_2(%arg0: i32) -> (i32, i32) {
    %c0_i32 = arith.constant 0 : i32
    %c0_i32_0 = arith.constant 0 : i32
    return %arg0, %c0_i32 : i32, i32
  }
  func.func @transform_3(%arg0: i32) -> (i32, i32) {
    %c0_i32 = arith.constant 0 : i32
    %c0_i32_0 = arith.constant 0 : i32
    return %arg0, %c0_i32 : i32, i32
  }
  func.func @transform_4(%arg0: i32) -> (i32, i32) {
    %c0_i32 = arith.constant 0 : i32
    %c0_i32_0 = arith.constant 0 : i32
    return %arg0, %c0_i32 : i32, i32
  }
  func.func @transform_5(%arg0: i32) -> (i32, i32) {
    %c0_i32 = arith.constant 0 : i32
    %c0_i32_0 = arith.constant 0 : i32
    return %arg0, %c0_i32 : i32, i32
  }
}

module attributes {stable_mosaic.version = 14 : i64} {
  func.func @_combine1_body(%arg0: i32, %arg1: memref<2x2000x64xf32, #tpu.memory_space<vmem>>, %arg2: memref<2000x64xf32, #tpu.memory_space<vmem>>, %arg3: memref<2000x1xf32, #tpu.memory_space<vmem>>, %arg4: memref<1x64xf32, #tpu.memory_space<vmem>>, %arg5: memref<64x64xf32, #tpu.memory_space<vmem>>, %arg6: memref<2000x64xf32, #tpu.memory_space<vmem>>, %arg7: memref<2000x64xf32, #tpu.memory_space<vmem>>) attributes {dimension_semantics = [#tpu.dimension_semantics<arbitrary>], iteration_bounds = array<i64: 5>, scalar_prefetch = 0 : i64, scratch_operands = 0 : i64, tpu.core_type = #tpu.core_type<tc>, window_params = [{transform_indices = @transform_0, window_bounds = array<i64: 2, 2000, 64>}, {transform_indices = @transform_1, window_bounds = array<i64: 2000, 64>}, {transform_indices = @transform_2, window_bounds = array<i64: 2000, 1>}, {pipeline_mode = #tpu.pipeline_mode<synchronous>, transform_indices = @transform_3, window_bounds = array<i64: 1, 64>}, {pipeline_mode = #tpu.pipeline_mode<synchronous>, transform_indices = @transform_4, window_bounds = array<i64: 64, 64>}, {transform_indices = @transform_5, window_bounds = array<i64: 2000, 64>}, {transform_indices = @transform_6, window_bounds = array<i64: 2000, 64>}]} {
    %get3A = arith.constant 0 : index
    %get3A_0 = arith.constant 0 : index
    %get3A_1 = vector.load %arg3[%get3A, %get3A_0] : memref<2000x1xf32, #tpu.memory_space<vmem>>, vector<2000x1xf32>
    %get3A_2 = arith.constant 0 : index
    %get3A_3 = arith.constant 0 : index
    %get3A_4 = arith.constant 0 : index
    %get3A_5 = vector.load %arg1[%get3A_2, %get3A_3, %get3A_4] : memref<2x2000x64xf32, #tpu.memory_space<vmem>>, vector<1x2000x64xf32>
    %get3A_6 = vector.shape_cast %get3A_5 : vector<1x2000x64xf32> to vector<2000x64xf32>
    %get3A_7 = arith.constant 1 : index
    %get3A_8 = arith.constant 0 : index
    %get3A_9 = arith.constant 0 : index
    %get3A_10 = vector.load %arg1[%get3A_7, %get3A_8, %get3A_9] : memref<2x2000x64xf32, #tpu.memory_space<vmem>>, vector<1x2000x64xf32>
    %get3A_11 = vector.shape_cast %get3A_10 : vector<1x2000x64xf32> to vector<2000x64xf32>
    %add3A = arith.addf %get3A_6, %get3A_11 : vector<2000x64xf32>
    %mul3A = vector.broadcast %get3A_1 : vector<2000x1xf32> to vector<2000x64xf32>
    %mul3A_12 = arith.mulf %mul3A, %add3A : vector<2000x64xf32>
    %mul3A_13 = arith.mulf %get3A_1, %get3A_1 : vector<2000x1xf32>
    %get3A_14 = arith.constant 0 : index
    %get3A_15 = arith.constant 0 : index
    %get3A_16 = vector.load %arg2[%get3A_14, %get3A_15] : memref<2000x64xf32, #tpu.memory_space<vmem>>, vector<2000x64xf32>
    %mul3A_17 = vector.broadcast %mul3A_13 : vector<2000x1xf32> to vector<2000x64xf32>
    %mul3A_18 = arith.mulf %mul3A_17, %get3A_16 : vector<2000x64xf32>
    %add3A_19 = arith.addf %mul3A_12, %mul3A_18 : vector<2000x64xf32>
    %get3A_20 = arith.constant 0 : index
    %get3A_21 = arith.constant 0 : index
    %get3A_22 = vector.load %arg4[%get3A_20, %get3A_21] : memref<1x64xf32, #tpu.memory_space<vmem>>, vector<1x64xf32>
    %add3A_23 = vector.broadcast %get3A_22 : vector<1x64xf32> to vector<2000x64xf32>
    %add3A_24 = arith.addf %add3A_19, %add3A_23 : vector<2000x64xf32>
    %max3A = arith.constant 0.000000e+00 : f32
    %max3A_25 = vector.broadcast %max3A : f32 to vector<2000x64xf32>
    %max3A_26 = arith.maximumf %add3A_24, %max3A_25 : vector<2000x64xf32>
    %get3A_27 = arith.constant 0 : index
    %get3A_28 = arith.constant 0 : index
    %get3A_29 = vector.load %arg5[%get3A_27, %get3A_28] : memref<64x64xf32, #tpu.memory_space<vmem>>, vector<64x64xf32>
    %dot_general3A = arith.constant dense<0.000000e+00> : vector<2000x64xf32>
    %dot_general3A_30 = tpu.matmul %max3A_26, %get3A_29, %dot_general3A {dimension_numbers = #tpu.dot_dimension_numbers<[1], [0], [0], [1], [0, 0, 1, 1], [], []>, transpose_lhs_hint = false} : vector<2000x64xf32>, vector<64x64xf32>, vector<2000x64xf32> -> vector<2000x64xf32>
    %swap3A = arith.constant 0 : index
    %swap3A_31 = arith.constant 0 : index
    %swap3A_32 = vector.load %arg6[%swap3A, %swap3A_31] : memref<2000x64xf32, #tpu.memory_space<vmem>>, vector<2000x64xf32>
    tpu.vector_store %arg6[%swap3A, %swap3A_31], %dot_general3A_30 {strides = array<i32>} : memref<2000x64xf32, #tpu.memory_space<vmem>>, vector<2000x64xf32>,
    %mul3A_33 = vector.broadcast %get3A_1 : vector<2000x1xf32> to vector<2000x64xf32>
    %mul3A_34 = arith.mulf %dot_general3A_30, %mul3A_33 : vector<2000x64xf32>
    %swap3A_35 = arith.constant 0 : index
    %swap3A_36 = arith.constant 0 : index
    %swap3A_37 = vector.load %arg7[%swap3A_35, %swap3A_36] : memref<2000x64xf32, #tpu.memory_space<vmem>>, vector<2000x64xf32>
    tpu.vector_store %arg7[%swap3A_35, %swap3A_36], %mul3A_34 {strides = array<i32>} : memref<2000x64xf32, #tpu.memory_space<vmem>>, vector<2000x64xf32>,
    return
  }
  func.func @transform_0(%arg0: i32) -> (i32, i32, i32) {
    %c0_i32 = arith.constant 0 : i32
    %c0_i32_0 = arith.constant 0 : i32
    %c0_i32_1 = arith.constant 0 : i32
    return %c0_i32, %arg0, %c0_i32_0 : i32, i32, i32
  }
  func.func @transform_1(%arg0: i32) -> (i32, i32) {
    %c0_i32 = arith.constant 0 : i32
    %c0_i32_0 = arith.constant 0 : i32
    return %arg0, %c0_i32 : i32, i32
  }
  func.func @transform_2(%arg0: i32) -> (i32, i32) {
    %c0_i32 = arith.constant 0 : i32
    %c0_i32_0 = arith.constant 0 : i32
    return %arg0, %c0_i32 : i32, i32
  }
  func.func @transform_3(%arg0: i32) -> (i32, i32) {
    %c0_i32 = arith.constant 0 : i32
    %c0_i32_0 = arith.constant 0 : i32
    %c0_i32_1 = arith.constant 0 : i32
    return %c0_i32, %c0_i32_0 : i32, i32
  }
  func.func @transform_4(%arg0: i32) -> (i32, i32) {
    %c0_i32 = arith.constant 0 : i32
    %c0_i32_0 = arith.constant 0 : i32
    %c0_i32_1 = arith.constant 0 : i32
    return %c0_i32, %c0_i32_0 : i32, i32
  }
  func.func @transform_5(%arg0: i32) -> (i32, i32) {
    %c0_i32 = arith.constant 0 : i32
    %c0_i32_0 = arith.constant 0 : i32
    return %arg0, %c0_i32 : i32, i32
  }
  func.func @transform_6(%arg0: i32) -> (i32, i32) {
    %c0_i32 = arith.constant 0 : i32
    %c0_i32_0 = arith.constant 0 : i32
    return %arg0, %c0_i32 : i32, i32
  }
}

module attributes {stable_mosaic.version = 14 : i64} {
  func.func @_combine2_body(%arg0: i32, %arg1: memref<2x2000x64xf32, #tpu.memory_space<vmem>>, %arg2: memref<2000x64xf32, #tpu.memory_space<vmem>>, %arg3: memref<2000x1xf32, #tpu.memory_space<vmem>>, %arg4: memref<1x64xf32, #tpu.memory_space<vmem>>, %arg5: memref<2000x64xf32, #tpu.memory_space<vmem>>) attributes {dimension_semantics = [#tpu.dimension_semantics<arbitrary>], iteration_bounds = array<i64: 5>, scalar_prefetch = 0 : i64, scratch_operands = 0 : i64, tpu.core_type = #tpu.core_type<tc>, window_params = [{transform_indices = @transform_0, window_bounds = array<i64: 2, 2000, 64>}, {transform_indices = @transform_1, window_bounds = array<i64: 2000, 64>}, {transform_indices = @transform_2, window_bounds = array<i64: 2000, 1>}, {pipeline_mode = #tpu.pipeline_mode<synchronous>, transform_indices = @transform_3, window_bounds = array<i64: 1, 64>}, {transform_indices = @transform_4, window_bounds = array<i64: 2000, 64>}]} {
    %get3A = arith.constant 0 : index
    %get3A_0 = arith.constant 0 : index
    %get3A_1 = vector.load %arg3[%get3A, %get3A_0] : memref<2000x1xf32, #tpu.memory_space<vmem>>, vector<2000x1xf32>
    %get3A_2 = arith.constant 0 : index
    %get3A_3 = arith.constant 0 : index
    %get3A_4 = arith.constant 0 : index
    %get3A_5 = vector.load %arg1[%get3A_2, %get3A_3, %get3A_4] : memref<2x2000x64xf32, #tpu.memory_space<vmem>>, vector<1x2000x64xf32>
    %get3A_6 = vector.shape_cast %get3A_5 : vector<1x2000x64xf32> to vector<2000x64xf32>
    %get3A_7 = arith.constant 1 : index
    %get3A_8 = arith.constant 0 : index
    %get3A_9 = arith.constant 0 : index
    %get3A_10 = vector.load %arg1[%get3A_7, %get3A_8, %get3A_9] : memref<2x2000x64xf32, #tpu.memory_space<vmem>>, vector<1x2000x64xf32>
    %get3A_11 = vector.shape_cast %get3A_10 : vector<1x2000x64xf32> to vector<2000x64xf32>
    %add3A = arith.addf %get3A_6, %get3A_11 : vector<2000x64xf32>
    %mul3A = vector.broadcast %get3A_1 : vector<2000x1xf32> to vector<2000x64xf32>
    %mul3A_12 = arith.mulf %mul3A, %add3A : vector<2000x64xf32>
    %mul3A_13 = arith.mulf %get3A_1, %get3A_1 : vector<2000x1xf32>
    %get3A_14 = arith.constant 0 : index
    %get3A_15 = arith.constant 0 : index
    %get3A_16 = vector.load %arg2[%get3A_14, %get3A_15] : memref<2000x64xf32, #tpu.memory_space<vmem>>, vector<2000x64xf32>
    %mul3A_17 = vector.broadcast %mul3A_13 : vector<2000x1xf32> to vector<2000x64xf32>
    %mul3A_18 = arith.mulf %mul3A_17, %get3A_16 : vector<2000x64xf32>
    %add3A_19 = arith.addf %mul3A_12, %mul3A_18 : vector<2000x64xf32>
    %get3A_20 = arith.constant 0 : index
    %get3A_21 = arith.constant 0 : index
    %get3A_22 = vector.load %arg4[%get3A_20, %get3A_21] : memref<1x64xf32, #tpu.memory_space<vmem>>, vector<1x64xf32>
    %add3A_23 = vector.broadcast %get3A_22 : vector<1x64xf32> to vector<2000x64xf32>
    %add3A_24 = arith.addf %add3A_19, %add3A_23 : vector<2000x64xf32>
    %swap3A = arith.constant 0 : index
    %swap3A_25 = arith.constant 0 : index
    %swap3A_26 = vector.load %arg5[%swap3A, %swap3A_25] : memref<2000x64xf32, #tpu.memory_space<vmem>>, vector<2000x64xf32>
    tpu.vector_store %arg5[%swap3A, %swap3A_25], %add3A_24 {strides = array<i32>} : memref<2000x64xf32, #tpu.memory_space<vmem>>, vector<2000x64xf32>,
    return
  }
  func.func @transform_0(%arg0: i32) -> (i32, i32, i32) {
    %c0_i32 = arith.constant 0 : i32
    %c0_i32_0 = arith.constant 0 : i32
    %c0_i32_1 = arith.constant 0 : i32
    return %c0_i32, %arg0, %c0_i32_0 : i32, i32, i32
  }
  func.func @transform_1(%arg0: i32) -> (i32, i32) {
    %c0_i32 = arith.constant 0 : i32
    %c0_i32_0 = arith.constant 0 : i32
    return %arg0, %c0_i32 : i32, i32
  }
  func.func @transform_2(%arg0: i32) -> (i32, i32) {
    %c0_i32 = arith.constant 0 : i32
    %c0_i32_0 = arith.constant 0 : i32
    return %arg0, %c0_i32 : i32, i32
  }
  func.func @transform_3(%arg0: i32) -> (i32, i32) {
    %c0_i32 = arith.constant 0 : i32
    %c0_i32_0 = arith.constant 0 : i32
    %c0_i32_1 = arith.constant 0 : i32
    return %c0_i32, %c0_i32_0 : i32, i32
  }
  func.func @transform_4(%arg0: i32) -> (i32, i32) {
    %c0_i32 = arith.constant 0 : i32
    %c0_i32_0 = arith.constant 0 : i32
    return %arg0, %c0_i32 : i32, i32
  }
}

</mosaic_0001>

<sc_bundles>
// kernel: _run.11.cloned.1.call-start
scs
__scs_entry_jumppad:
0x0: {  	(pc) =	sbr.rel $0x88, $3  }
0x1: {  	(tag) =	ssettag $0x0;
	lr =	simm.s32 $0x1  }
0x2: {  	[smem:$0x3F9B] =	sst lr;
	_ =	strace $0xD0000000  }
0x3: {  	_ = 	snop  }
0x4: {  	_ = 	snop  }
0x5: {  	_ = 	snop  }
0x6: {  	_ = 	snop  }
0x7: {  	_ = 	snop  }
__scs_overlays_trampoline_lowered:
0x8: {  	[smem:$0x3FAA] =	sst s0  }
0x9: {  	[smem:$0x3FAB] =	sst s1  }
0xa: {  	[smem:$0x3FAC] =	sst s2  }
0xb: {  	[smem:$0x3FAD] =	sst s3  }
0xc: {  	[smem:$0x3FAE] =	sst s4  }
0xd: {  	[smem:$0x3FAF] =	sst s5  }
0xe: {  	[smem:$0x3FB0] =	sst s6  }
0xf: {  	[smem:$0x3FB1] =	sst s7  }
0x10: {  	[smem:$0x3FB2] =	sst s8  }
0x11: {  	[smem:$0x3FB3] =	sst s9;
	s0 =	simm.s32 @!p0 $0x0  }
0x12: {  	s1 =	sld [smem:$0x3F99];
	s0 =	simm.s32 @p0 $0x1  }
0x13: {  	[smem:$0x3FB4] =	sst s0;
	s0 =	simm.s32 @!p1 $0x0  }
0x14: {  	s2 =	sld [smem:$0x3F98];
	s0 =	simm.s32 @p1 $0x1  }
0x15: {  	[smem:$0x3FB5] =	sst s0;
	s0 =	simm.s32 @!p2 $0x0  }
0x16: {  	s3 =	sld [smem:$0x3FDB];
	s0 =	simm.s32 @p2 $0x1  }
0x17: {  	s4 =	simm.s32 $0x1BF5;
	[smem:$0x3FB7] =	sst s0  }
0x18: {  	s0 =	sld [smem:$0x3F9A];
	_ =	swait.ge [sflag:s4], $0x0  }
0x19: {  	s7 =	sld [smem:$0x3F9B]  }
0x1a: {  	s8 =	sadd.s32 $0xFFFFE003, lr  }
0x1b: {  	s9 =	sadd.s32 $0xFFFFFEF7, lr;
	s5 =	simm.s32 $0xFFFFFFFF;
	p2 =	slt.u32 s8, $0xFFFFF086  }
0x1c: {  	p1 =	slt.u32 s9, $0xF7A;
	s5 =	simm.s32 @!p2 $0x0  }
0x1d: {  	s5 =	simm.s32 @p1 $0x1;
	p0 =	seq.s32 s7, s2  }
0x1e: {  	s7 =	smul.u32 @!p0 $0xF7A, s2;
	p2 =	seq.s32 @!p0 s5, $0x0  }
0x1f: {  	s9 =	smul.u32 $0xF7A, s1;
	s8 =	simm.s32 @!p0 $0x1BF5;
	p2 =	por !p2, p0  }
0x20: {  	[sflag:s8] =	ssyncset.s32 @!p0 $0xFFFFF086;
	s6 =	sadd.s32 @!p0 s3, s7;
	s7 =	simm.s32 @!p0 $0x108  }
0x21: {  	s3 =	sadd.s32 s3, s9;
	s6 =	sadd.s32 @!p0 $0x88, s6;
	s7 =	simm.s32 @p2 $0x1082  }
0x22: {  	[simem:s7], [sflag:s8] =	dma.local @!p0 [hbm:s6], $0xF7A  }
0x23: {  	s9 =	sor.u32 $0xD0000000, s2;
	s6 =	simm.s32 $0x108;
	_ =	swait.ge @!p0 [sflag:s8], $0x0  }
0x24: {  	s3 =	sadd.s32 $0x88, s3;
	s6 =	simm.s32 @!p1 $0x1082;
	[sflag:s4] =	ssyncset.s32 $0xFFFFF086  }
0x25: {  	[simem:s6], [sflag:s4] =	dma.local [hbm:s3], $0xF7A  }
0x26: {  	[smem:$0x3F9B] =	sst s1;
	(tag) =	ssettag s2;
	_ =	strace s9  }
0x27: {  	s1 =	sld [smem:$0x3FAB]  }
0x28: {  	s2 =	sld [smem:$0x3FAC]  }
0x29: {  	s4 =	sld [smem:$0x3FAE]  }
0x2a: {  	p0 =	seq.s32 s5, $0x0;
	s5 =	sld [smem:$0x3FAF]  }
0x2b: {  	s6 =	sld [smem:$0x3FB0]  }
0x2c: {  	s7 =	sld [smem:$0x3FB1]  }
0x2d: {  	s3 =	simm.s32 $0x108;
	s8 =	sld [smem:$0x3FB2]  }
0x2e: {  	s3 =	simm.s32 @!p0 $0x1082;
	s9 =	sld [smem:$0x3FB3]  }
0x2f: {  	lr =	sadd.s32 s0, s3;
	s0 =	sld [smem:$0x3FAA]  }
0x30: {  	s3 =	sld [smem:$0x3FAD]  }
0x31: {  	[smem:$0x3FB6] =	sst s10  }
0x32: {  	s10 =	sld [smem:$0x3FB4];
	_ =	sdelay $0x3  }
0x33: {  	p0 =	seq.s32 s10, $0x1;
	s10 =	sld [smem:$0x3FB6];
	_ =	sdelay $0x3  }
0x34: {  	[smem:$0x3FB6] =	sst s10  }
0x35: {  	s10 =	sld [smem:$0x3FB5];
	_ =	sdelay $0x3  }
0x36: {  	p1 =	seq.s32 s10, $0x1;
	s10 =	sld [smem:$0x3FB6];
	_ =	sdelay $0x3  }
0x37: {  	[smem:$0x3FB6] =	sst s10  }
0x38: {  	s10 =	sld [smem:$0x3FB7]  }
0x39: {  	_ = 	snop;
	(pc) =	sbr.ind lr, $3  }
0x3a: {  	_ = 	snop  }
0x3b: {  	_ = 	snop  }
0x3c: {  	p2 =	seq.s32 s10, $0x1;
	s10 =	sld [smem:$0x3FB6]  }
0x3d: {  	_ =	shalt  }
0x3e: {  	_ =	shalt  }
0x3f: {  	_ =	shalt  }
0x40: {  	_ =	shalt  }
0x41: {  	_ =	shalt  }
0x42: {  	_ =	shalt  }
0x43: {  	_ =	shalt  }
0x44: {  	_ =	shalt  }
0x45: {  	_ =	shalt  }
0x46: {  	_ =	shalt  }
0x47: {  	_ =	shalt  }
0x48: {  	_ =	shalt  }
0x49: {  	_ =	shalt  }
0x4a: {  	_ =	shalt  }
0x4b: {  	_ =	shalt  }
0x4c: {  	_ =	shalt  }
0x4d: {  	_ =	shalt  }
0x4e: {  	_ =	shalt  }
0x4f: {  	_ =	shalt  }
0x50: {  	_ =	shalt  }
0x51: {  	_ =	shalt  }
0x52: {  	_ =	shalt  }
0x53: {  	_ =	shalt  }
0x54: {  	_ =	shalt  }
0x55: {  	_ =	shalt  }
0x56: {  	_ =	shalt  }
0x57: {  	_ =	shalt  }
0x58: {  	_ =	shalt  }
0x59: {  	_ =	shalt  }
0x5a: {  	_ =	shalt  }
0x5b: {  	_ =	shalt  }
0x5c: {  	_ =	shalt  }
0x5d: {  	_ =	shalt  }
0x5e: {  	_ =	shalt  }
0x5f: {  	_ =	shalt  }
0x60: {  	_ =	shalt  }
0x61: {  	_ =	shalt  }
0x62: {  	_ =	shalt  }
0x63: {  	_ =	shalt  }
0x64: {  	_ =	shalt  }
0x65: {  	_ =	shalt  }
0x66: {  	_ =	shalt  }
0x67: {  	_ =	shalt  }
0x68: {  	_ =	shalt  }
0x69: {  	_ =	shalt  }
0x6a: {  	_ =	shalt  }
0x6b: {  	_ =	shalt  }
0x6c: {  	_ =	shalt  }
0x6d: {  	_ =	shalt  }
0x6e: {  	_ =	shalt  }
0x6f: {  	_ =	shalt  }
0x70: {  	_ =	shalt  }
0x71: {  	_ =	shalt  }
0x72: {  	_ =	shalt  }
0x73: {  	_ =	shalt  }
0x74: {  	_ =	shalt  }
0x75: {  	_ =	shalt  }
0x76: {  	_ =	shalt  }
0x77: {  	_ =	shalt  }
0x78: {  	_ =	shalt  }
0x79: {  	_ =	shalt  }
0x7a: {  	_ =	shalt  }
0x7b: {  	_ =	shalt  }
0x7c: {  	_ =	shalt  }
0x7d: {  	_ =	shalt  }
0x7e: {  	_ =	shalt  }
0x7f: {  	_ =	shalt  }
0x80: {  	_ =	shalt  }
0x81: {  	_ =	shalt  }
0x82: {  	_ =	shalt  }
0x83: {  	_ =	shalt  }
0x84: {  	_ =	shalt  }
0x85: {  	_ =	shalt  }
0x86: {  	_ =	shalt  }
0x87: {  	_ =	shalt  }
.Lfunc_end0:
.L_simem_size_0:
called_computation.1_lowered:
.L_overlay_start_0:
0x88: {  	s2 =	sld [smem:$0x3FD9]  }
0x89: {  	s3 =	sld [smem:$0x3FFE];
	_ =	sdelay $0x1  }
0x8a: {  	s1 =	srdreg.scid  }
0x8b: {  	s0 =	sand.u32 $0x1, s1  }
0x8c: {  	s17 =	sshll.u32 s0, $0xA;
	s2 =	sadd.s32 s3, s2  }
0x8d: {  	s2 =	sadd.s32 s2, s17  }
0x8e: {  	[smem:$0x3FC2] =	sst s2  }
0x8f: {  	_ = 	snop  }
0x90: {  	s2 =	sld [smem:$0x3FD0];
	(tm) =	ssettm $0x1  }
0x91: {  	s18 =	sld [smem:$0x3FFB];
	_ =	sdelay $0x3  }
0x92: {  	_ =	strace s18  }
0x93: {  	s3 =	sld [smem:$0x3FFC];
	_ =	sdelay $0x3  }
0x94: {  	_ =	strace s3  }
0x95: {  	s3 =	sld [smem:$0x3FFD];
	_ =	sdelay $0x3  }
0x96: {  	_ =	strace s3  }
0x97: {  	_ =	strace $0x8FFFFFFF  }
0x98: {  	s19 =	sld [smem:$0x3FDB];
	_ =	sdelay $0x1  }
0x99: {  	s4 =	simm.s32 $_scs_section_size  }
0x9a: {  	s5 =	simm.s32 $_size__tile_overlayer_lowered;
	s6 =	simm.s32 $_tile_overlayer_lowered  }
0x9b: {  	s22 =	simm.s32 $0x1BFF;
	s21 =	sshll.u32 s6, $0x1;
	s3 =	sadd.s32 s4, s19  }
0x9c: {  	s7 =	simm.s32 $0x0;
	s20 =	sshll.u32 s5, $0x1;
	s5 =	sadd.s32 s21, s3  }
0x9d: {  	[timem:s7], [sflag:s22] =	dma.local [hbm:s5], s20  }
0x9e: {  	_ =	swait.ge [sflag:s22], s20  }
0x9f: {  	s4 =	ssub.s32 $0x0, s20;
	[sflag:s22] =	ssyncset.done $0x0  }
0xa0: {  	[sflag:s22] =	ssyncadd.s32 s4;
	_ =	sdelay $0x1  }
0xa1: {  	s23 =	simm.s32 $0x1B8B  }
0xa2: {  	_ =	swait.ge [sflag:s23], $0x1  }
0xa3: {  	[sflag:s23] =	ssyncset.done $0x0  }
0xa4: {  	s25 =	simm.s32 $0x1B8E;
	s24 =	sld [smem:$0x3FFE];
	[sflag:s23] =	ssyncadd.s32 $0xFFFFFFFF  }
0xa5: {  	s26 =	simm.s32 $execute0_lowered;
	[smem:$0x3FD2] =	sst s25  }
0xa6: {  	s5 =	sshll.u32 s26, $0x1;
	_ =	strace $0x80000049;
	[dreg:$0x1] =	wrdreg $0xFFFFFFFF  }
0xa7: {  	s28 =	simm.s32 $_size_execute0_lowered;
	s3 =	sadd.s32 s3, s5;
	[dreg:$0x0] =	wrdreg $0x0  }
0xa8: {  	s5 =	sshll.u32 s28, $0x1;
	[dreg:$0x2] =	wrdreg s3  }
0xa9: {  	[dreg:$0x3] =	wrdreg s5  }
0xaa: {  	[dreg:$0x4] =	wrdreg $0xC0  }
0xab: {  	_ =	task [dreg:s7], $0x5FFFF  }
0xac: {  	[dreg:$0x1] =	wrdreg $0xFFFFFFFF  }
0xad: {  	[dreg:$0x0] =	wrdreg $0x60  }
0xae: {  	[dreg:$0x2] =	wrdreg s2  }
0xaf: {  	[dreg:$0x3] =	wrdreg s24  }
0xb0: {  	[dreg:$0x4] =	wrdreg $0xCD000  }
0xb1: {  	[dreg:$0x5] =	wrdreg $0x9  }
0xb2: {  	_ =	task.clear_ibuf [dreg:s7], $0x6FFFF;
	_ =	strace $0x90000049  }
0xb3: {  	s29 =	simm.s32 $0x9;
	_ =	strace $0x8000004B  }
0xb4: {  	_ =	swait.ge [sflag:s29], $0x1  }
0xb5: {  	[sflag:s29] =	ssyncadd.s32 $0xFFFFFFFF  }
0xb6: {  	_ =	strace $0x9000004B  }
0xb7: {  	_ =	sfence  }
0xb8: {  	s30 =	sld [smem:$0x0];
	_ =	sdelay $0x2  }
0xb9: {  	s31 =	sshll.u32 s1, $0xD;
	s1 =	sshrl.u32 s1, $0x2  }
0xba: {  	s3 =	sand.u32 $0x4000, s31;
	s1 =	sadd.s32 s1, s30  }
0xbb: {  	s0 =	sor.u32 s3, s0;
	s1 =	sshll.u32 s1, $0x11  }
0xbc: {  	s0 =	sor.u32 s1, s0  }
0xbd: {  	s0 =	sadd.s32 $0x8F2B, s0  }
0xbe: {  	[sflag:s0] =	ssyncadd.remote.s32 $0x1  }
0xbf: {  	_ =	sfence.sel $0xFFFF  }
0xc0: {  	[dreg:$0x0] =	wrdreg $0xFFFFFFFF;
	(pc) =	sbr.abs _section_cstart, $3  }
0xc1: {  	[dreg:$0x1] =	wrdreg $0xFFFFFFFF  }
0xc2: {  	_ =	task.clear_ibuf [dreg:s7], $0x2FFFF;
	_ =	strace $0x9FFFFFFF  }
0xc3: {  	(tm) =	ssettm $0x7FFFFFFF  }
tec
execute0_lowered:
.L_overlay_start_1:
0x0: {  	(tag) =	ssettag $0x1  }
0x1: {  	s1 =	rddreg [dreg:$0x0]  }
0x2: {  	s0 =	srdreg.scid;
	s2 =	rddreg [dreg:$0x1]  }
0x3: {  	s13 =	stileid.u32;
	s3 =	rddreg [dreg:$0x2];
	s15 =	simm.s32 $0x2  }
0x4: {  	s17 =	simm.s32 $0x7D;
	s18 =	simm.s32 $0x5000;
	s19 =	simm.s32 $0x80  }
0x5: {  	s20 =	simm.s32 $0x6F40;
	s21 =	simm.s32 $0x100;
	s22 =	simm.s32 $0x8E80  }
0x6: {  	s23 =	simm.s32 $0x180;
	s24 =	simm.s32 $0xADC0;
	s28 =	simm.s32 $0x4E80  }
0x7: {  	s29 =	simm.s32 $0x4F00;
	s30 =	simm.s32 $0x4F80;
	s31 =	simm.s32 $0x0  }
0x8: {  	s0 =	sand.u32 $0x1, s0;
	s8 =	smul.u32 $0x9C00, s13;
	s10 =	sadd.s32 $0x29800, s2  }
0x9: {  	s12 =	sadd.s32 $0x92400, s3;
	p0 =	seq.s32 s13, $0xF;
	s4 =	sshll.u32 s0, $0x4  }
0xa: {  	s6 =	ssub.s32 $0x2, s0;
	s0 =	smul.u32 $0x9C400, s0;
	s12 =	sshrl.u32 @p0 s12, $0x3  }
0xb: {  	s5 =	sor.u32 s13, s4;
	s4 =	simm.s32 $0x0;
	s25 =	sshrl.u32 s8, $0x3  }
0xc: {  	s7 =	sshrl.u32 s6, $0x1;
	s14 =	sadd.s32 s8, s3;
	s5 =	smul.u32 $0x500, s5  }
0xd: {  	[smem:$0x7FF] =	sst s4;
	s11 =	ssub.s32 s6, s7;
	s6 =	sadd.s32 $0x28280, s2  }
0xe: {  	s26 =	sadd.s32 s8, s0;
	s0 =	sshrl.u32 s0, $0x3;
	s14 =	sshrl.u32 @!p0 s14, $0x3  }
0xf: {  	_ =	strace $0x8000004A;
	s0 =	sadd.s32 s10, s0;
	s11 =	smax.u32 s11, $0x1  }
0x10: {  	s9 =	sadd.s32 s5, s2;
	s5 =	sadd.s32 s25, s2;
	s2 =	sshrl.u32 s26, $0x3  }
0x11: {  	s25 =	simm.s32 $0x1;
	s7 =	sadd.s32 $0x1E00, s9;
	s8 =	sadd.s32 $0xBE00, s9  }
0x12: {  	s9 =	sadd.s32 s10, s2;
	s10 =	sadd.s32 $0x12480, s0;
	s0 =	sshll.u32 @!p0 s13, $0x6  }
0x13: {  	s26 =	simm.s32 $0x4E00;
	s5 =	sadd.s32 $0x15E00, s5;
	s13 =	sor.u32 @!p0 $0x1C02, s0  }
.LBB2_1:
0x14: {  	s0 =	simm.s32 @p0 $0x1FC2  }
0x15: {  	[spmem:s12], [sflag:s0] =	dma.local @p0 [hbm:s6], $0x1400  }
0x16: {  	s0 =	simm.s32 @p0 $0x2  }
0x17: {  	_ =	swait.ge @p0 [sflag:s0], $0x1400  }
0x18: {  	[sflag:s0] =	ssyncset.done @p0 $0x0  }
0x19: {  	[sflag:s0] =	ssyncadd.s32 @p0 $0xFFFFEC00;
	s0 =	simm.s32 @!p0 $0x2  }
0x1a: {  	[spmem:s14], [sflag:s13] =	dma.local @!p0 [hbm:s5], $0x1380  }
0x1b: {  	_ =	swait.ge @!p0 [sflag:s0], $0x1380  }
0x1c: {  	[sflag:s0] =	ssyncset.done @!p0 $0x0  }
0x1d: {  	[sflag:s0] =	ssyncadd.s32 @!p0 $0xFFFFEC80  }
0x1e: {  	[tilespmem:s4], [sflag:$0x2] =	stream.linear.gather [hbm4b:s7+s4], $0x2800, $0x38;
	[tilespmem:$0x16940] =	vst v63  }
0x1f: {  	_ =	swait.ge [sflag:s15], $0x2800  }
0x20: {  	[sflag:s15] =	ssyncset.done $0x0  }
0x21: {  	s2 =	simm.s32 $0x2800;
	[sflag:s15] =	ssyncadd.s32 $0xFFFFD800  }
0x22: {  	[tilespmem:s2], [sflag:$0x2] =	stream.linear.gather [hbm4b:s8+s4], $0x2800, $0x38;
	[tilespmem:$0x16940] =	vst v63  }
0x23: {  	_ =	swait.ge [sflag:s15], $0x2800  }
0x24: {  	[sflag:s15] =	ssyncset.done $0x0  }
0x25: {  	[sflag:s15] =	ssyncadd.s32 $0xFFFFD800  }
0x26: {  	[bflag:$0x0] =	sbarrier.arrive $0xFFFF  }
0x27: {  	[tilespmem:s18], [sflag:$0x1] =	stream.indirect.gather [hbm4b:s1+s17], $0x40, s4, s17, $0xb8;
	[tilespmem:$0x16940] =	vst v63  }
0x28: {  	_ = 	snop  }
0x29: {  	[tilespmem:s20], [sflag:$0x1] =	stream.indirect.gather [hbm4b:s1+s17], $0x40, s19, s17, $0xb8;
	[tilespmem:$0x16940] =	vst v63  }
0x2a: {  	_ = 	snop  }
0x2b: {  	[tilespmem:s22], [sflag:$0x1] =	stream.indirect.gather [hbm4b:s1+s17], $0x40, s21, s17, $0xb8;
	[tilespmem:$0x16940] =	vst v63  }
0x2c: {  	_ = 	snop  }
0x2d: {  	[tilespmem:s24], [sflag:$0x1] =	stream.indirect.gather [hbm4b:s1+s17], $0x40, s23, s17, $0xb8;
	[tilespmem:$0x16940] =	vst v63  }
0x2e: {  	_ =	swait.ge [sflag:s25], $0x1F40  }
0x2f: {  	[sflag:s25] =	ssyncset.done $0x0  }
0x30: {  	s16 =	simm.s32 $0x2800;
	[sflag:s25] =	ssyncadd.s32 $0xFFFFE0C0  }
0x31: {  	[spmem:s3] =	stream.indirect.scatter.add.f32 [tilespmem:s18], [sflag:$0x2], $0x40, s16, s17, $0xb8;
	[tilespmem:$0x16940] =	vst v63  }
0x32: {  	_ =	swait.ge [sflag:s15], $0x1F40  }
0x33: {  	[sflag:s15] =	ssyncset.done $0x0  }
0x34: {  	s2 =	simm.s32 $0x200;
	[sflag:s15] =	ssyncadd.s32 $0xFFFFE0C0  }
0x35: {  	[tilespmem:s18], [sflag:$0x1] =	stream.indirect.gather [hbm4b:s1+s17], $0x40, s2, s17, $0xb8;
	[tilespmem:$0x16940] =	vst v63  }
0x36: {  	_ =	swait.ge [sflag:s25], $0x1F40  }
0x37: {  	[sflag:s25] =	ssyncset.done $0x0  }
0x38: {  	s16 =	simm.s32 $0x2880;
	[sflag:s25] =	ssyncadd.s32 $0xFFFFE0C0  }
0x39: {  	[spmem:s3] =	stream.indirect.scatter.add.f32 [tilespmem:s20], [sflag:$0x2], $0x40, s16, s17, $0xb8;
	[tilespmem:$0x16940] =	vst v63  }
0x3a: {  	_ =	swait.ge [sflag:s15], $0x1F40  }
0x3b: {  	[sflag:s15] =	ssyncset.done $0x0  }
0x3c: {  	s2 =	simm.s32 $0x280;
	[sflag:s15] =	ssyncadd.s32 $0xFFFFE0C0  }
0x3d: {  	[tilespmem:s20], [sflag:$0x1] =	stream.indirect.gather [hbm4b:s1+s17], $0x40, s2, s17, $0xb8;
	[tilespmem:$0x16940] =	vst v63  }
0x3e: {  	_ =	swait.ge [sflag:s25], $0x1F40  }
0x3f: {  	[sflag:s25] =	ssyncset.done $0x0  }
0x40: {  	s16 =	simm.s32 $0x2900;
	[sflag:s25] =	ssyncadd.s32 $0xFFFFE0C0  }
0x41: {  	[spmem:s3] =	stream.indirect.scatter.add.f32 [tilespmem:s22], [sflag:$0x2], $0x40, s16, s17, $0xb8;
	[tilespmem:$0x16940] =	vst v63  }
0x42: {  	_ =	swait.ge [sflag:s15], $0x1F40  }
0x43: {  	[sflag:s15] =	ssyncset.done $0x0  }
0x44: {  	s2 =	simm.s32 $0x300;
	[sflag:s15] =	ssyncadd.s32 $0xFFFFE0C0  }
0x45: {  	[tilespmem:s22], [sflag:$0x1] =	stream.indirect.gather [hbm4b:s1+s17], $0x40, s2, s17, $0xb8;
	[tilespmem:$0x16940] =	vst v63  }
0x46: {  	_ =	swait.ge [sflag:s25], $0x1F40  }
0x47: {  	[sflag:s25] =	ssyncset.done $0x0  }
0x48: {  	s16 =	simm.s32 $0x2980;
	[sflag:s25] =	ssyncadd.s32 $0xFFFFE0C0  }
0x49: {  	[spmem:s3] =	stream.indirect.scatter.add.f32 [tilespmem:s24], [sflag:$0x2], $0x40, s16, s17, $0xb8;
	[tilespmem:$0x16940] =	vst v63  }
0x4a: {  	_ =	swait.ge [sflag:s15], $0x1F40  }
0x4b: {  	[sflag:s15] =	ssyncset.done $0x0  }
0x4c: {  	s0 =	simm.s32 $0x380;
	s2 =	simm.s32 $0x800;
	[sflag:s15] =	ssyncadd.s32 $0xFFFFE0C0  }
.LBB2_2:
0x4d: {  	[tilespmem:s24], [sflag:$0x1] =	stream.indirect.gather [hbm4b:s1+s17], $0x40, s0, s17, $0xb8;
	[tilespmem:$0x16940] =	vst v63  }
0x4e: {  	s0 =	smov.u32 s2  }
0x4f: {  	p1 =	sne.s32 s2, $0x9000;
	s2 =	sadd.s32 $0x800, s2;
	_ =	swait.ge [sflag:s25], $0x1F40  }
0x50: {  	s0 =	sshra.s32 s0, $0x2;
	[sflag:s25] =	ssyncset.done $0x0  }
0x51: {  	s16 =	sadd.s32 $0x2800, s0;
	[sflag:s25] =	ssyncadd.s32 $0xFFFFE0C0  }
0x52: {  	[spmem:s3] =	stream.indirect.scatter.add.f32 [tilespmem:s18], [sflag:$0x2], $0x40, s16, s17, $0xb8;
	[tilespmem:$0x16940] =	vst v63  }
0x53: {  	_ =	swait.ge [sflag:s15], $0x1F40  }
0x54: {  	[sflag:s15] =	ssyncset.done $0x0  }
0x55: {  	s16 =	sadd.s32 $0x200, s0;
	[sflag:s15] =	ssyncadd.s32 $0xFFFFE0C0  }
0x56: {  	[tilespmem:s18], [sflag:$0x1] =	stream.indirect.gather [hbm4b:s1+s17], $0x40, s16, s17, $0xb8;
	[tilespmem:$0x16940] =	vst v63  }
0x57: {  	_ =	swait.ge [sflag:s25], $0x1F40  }
0x58: {  	[sflag:s25] =	ssyncset.done $0x0  }
0x59: {  	s16 =	sadd.s32 $0x2880, s0;
	[sflag:s25] =	ssyncadd.s32 $0xFFFFE0C0  }
0x5a: {  	[spmem:s3] =	stream.indirect.scatter.add.f32 [tilespmem:s20], [sflag:$0x2], $0x40, s16, s17, $0xb8;
	[tilespmem:$0x16940] =	vst v63  }
0x5b: {  	_ =	swait.ge [sflag:s15], $0x1F40  }
0x5c: {  	[sflag:s15] =	ssyncset.done $0x0  }
0x5d: {  	s16 =	sadd.s32 $0x280, s0;
	[sflag:s15] =	ssyncadd.s32 $0xFFFFE0C0  }
0x5e: {  	[tilespmem:s20], [sflag:$0x1] =	stream.indirect.gather [hbm4b:s1+s17], $0x40, s16, s17, $0xb8;
	[tilespmem:$0x16940] =	vst v63  }
0x5f: {  	_ =	swait.ge [sflag:s25], $0x1F40  }
0x60: {  	[sflag:s25] =	ssyncset.done $0x0  }
0x61: {  	s16 =	sadd.s32 $0x2900, s0;
	[sflag:s25] =	ssyncadd.s32 $0xFFFFE0C0  }
0x62: {  	[spmem:s3] =	stream.indirect.scatter.add.f32 [tilespmem:s22], [sflag:$0x2], $0x40, s16, s17, $0xb8;
	[tilespmem:$0x16940] =	vst v63  }
0x63: {  	_ =	swait.ge [sflag:s15], $0x1F40  }
0x64: {  	[sflag:s15] =	ssyncset.done $0x0  }
0x65: {  	s16 =	sadd.s32 $0x300, s0;
	[sflag:s15] =	ssyncadd.s32 $0xFFFFE0C0  }
0x66: {  	[tilespmem:s22], [sflag:$0x1] =	stream.indirect.gather [hbm4b:s1+s17], $0x40, s16, s17, $0xb8;
	[tilespmem:$0x16940] =	vst v63  }
0x67: {  	_ =	swait.ge [sflag:s25], $0x1F40  }
0x68: {  	[sflag:s25] =	ssyncset.done $0x0  }
.Ltmp0:
0x69: {  	s16 =	sadd.s32 $0x2980, s0;
	[sflag:s25] =	ssyncadd.s32 $0xFFFFE0C0;
	(pc) =	sbr.rel @p1 .LBB2_2-.Ltmp0, $4  }
0x6a: {  	[spmem:s3] =	stream.indirect.scatter.add.f32 [tilespmem:s24], [sflag:$0x2], $0x40, s16, s17, $0xb8;
	[tilespmem:$0x16940] =	vst v63  }
0x6b: {  	_ =	swait.ge [sflag:s15], $0x1F40  }
0x6c: {  	[sflag:s15] =	ssyncset.done $0x0  }
0x6d: {  	s0 =	sadd.s32 $0x380, s0;
	[sflag:s15] =	ssyncadd.s32 $0xFFFFE0C0  }
0x6e: {  	[tilespmem:s24], [sflag:$0x1] =	stream.indirect.gather [hbm4b:s1+s17], $0x40, s0, s17, $0xb8;
	[tilespmem:$0x16940] =	vst v63  }
0x6f: {  	_ =	swait.ge [sflag:s25], $0x1F40  }
0x70: {  	[sflag:s25] =	ssyncset.done $0x0  }
0x71: {  	[sflag:s25] =	ssyncadd.s32 $0xFFFFE0C0  }
0x72: {  	[spmem:s3] =	stream.indirect.scatter.add.f32 [tilespmem:s18], [sflag:$0x2], $0x40, s26, s17, $0xb8;
	[tilespmem:$0x16940] =	vst v63  }
0x73: {  	_ =	swait.ge [sflag:s15], $0x1F40  }
0x74: {  	[sflag:s15] =	ssyncset.done $0x0  }
0x75: {  	[sflag:s15] =	ssyncadd.s32 $0xFFFFE0C0  }
0x76: {  	_ =	swait.ge [sflag:s25], $0x1F40  }
0x77: {  	[sflag:s25] =	ssyncset.done $0x0  }
0x78: {  	[sflag:s25] =	ssyncadd.s32 $0xFFFFE0C0  }
0x79: {  	[spmem:s3] =	stream.indirect.scatter.add.f32 [tilespmem:s20], [sflag:$0x2], $0x40, s28, s17, $0xb8;
	[tilespmem:$0x16940] =	vst v63  }
0x7a: {  	_ =	swait.ge [sflag:s15], $0x1F40  }
0x7b: {  	[sflag:s15] =	ssyncset.done $0x0  }
0x7c: {  	[sflag:s15] =	ssyncadd.s32 $0xFFFFE0C0  }
0x7d: {  	_ =	swait.ge [sflag:s25], $0x1F40  }
0x7e: {  	[sflag:s25] =	ssyncset.done $0x0  }
0x7f: {  	[sflag:s25] =	ssyncadd.s32 $0xFFFFE0C0  }
0x80: {  	[spmem:s3] =	stream.indirect.scatter.add.f32 [tilespmem:s22], [sflag:$0x2], $0x40, s29, s17, $0xb8;
	[tilespmem:$0x16940] =	vst v63  }
0x81: {  	_ =	swait.ge [sflag:s15], $0x1F40  }
0x82: {  	[sflag:s15] =	ssyncset.done $0x0  }
0x83: {  	[sflag:s15] =	ssyncadd.s32 $0xFFFFE0C0  }
0x84: {  	_ =	swait.ge [sflag:s25], $0x1F40  }
0x85: {  	[sflag:s25] =	ssyncset.done $0x0  }
0x86: {  	[sflag:s25] =	ssyncadd.s32 $0xFFFFE0C0  }
0x87: {  	[spmem:s3] =	stream.indirect.scatter.add.f32 [tilespmem:s24], [sflag:$0x2], $0x40, s30, s17, $0xb8;
	[tilespmem:$0x16940] =	vst v63  }
0x88: {  	_ =	swait.ge [sflag:s15], $0x1F40  }
0x89: {  	[sflag:s15] =	ssyncset.done $0x0  }
0x8a: {  	[sflag:s15] =	ssyncadd.s32 $0xFFFFE0C0  }
0x8b: {  	s0 =	simm.s32 @p0 $0x1FC2;
	[bflag:$0x0] =	sbarrier.arrive $0xFFFF  }
0x8c: {  	[hbm:s10], [sflag:s0] =	dma.local @p0 [spmem:s12], $0x1400  }
0x8d: {  	s0 =	simm.s32 @p0 $0x2  }
0x8e: {  	s31 =	sadd.s32 $0x1, s31;
	_ =	swait.ge @p0 [sflag:s0], $0x1400  }
0x8f: {  	p1 =	sne.s32 s31, s11;
	[sflag:s0] =	ssyncset.done @p0 $0x0  }
.Ltmp1:
0x90: {  	[sflag:s0] =	ssyncadd.s32 @p0 $0xFFFFEC00;
	s0 =	simm.s32 @!p0 $0x2;
	(pc) =	sbr.rel @p1 .LBB2_1-.Ltmp1, $4  }
0x91: {  	[hbm:s9], [sflag:s13] =	dma.local @!p0 [spmem:s14], $0x1380  }
0x92: {  	_ =	swait.ge @!p0 [sflag:s0], $0x1380  }
0x93: {  	[sflag:s0] =	ssyncset.done @!p0 $0x0  }
0x94: {  	[sflag:s0] =	ssyncadd.s32 @!p0 $0xFFFFEC80  }
0x95: {  	_ =	sfence.sel $0x180000  }
0x96: {  	[bflag:$0x0] =	sbarrier.arrive $0xFFFF  }
0x97: {  	_ =	strace $0x9000004A  }
0x98: {  	s0 =	stileid.u32;
	[bflag:$0x2] =	sbarrier.arrive $0xFFFF  }
0x99: {  	p0 =	sne.s32 s0, $0x0;
	s0 =	rddreg [dreg:$0x3]  }
0x9a: {  	s0 =	sadd.s32 @!p0 $0x100000, s0  }
0x9b: {  	[sflag:s0] =	ssyncadd.tile.s32 @!p0 $0x1;
	_ =	shalt  }
.Lfunc_end2:
_tile_overlayer_lowered:
.L_overlay_start_2:
0x9c: {  	(tag) =	ssettag $0x2  }
0x9d: {  	s0 =	rddreg [dreg:$0x0];
	s2 =	stileid.u32  }
0x9e: {  	s1 =	rddreg [dreg:$0x1];
	p0 =	sne.s32 s2, $0x0  }
0x9f: {  	s3 =	rddreg [dreg:$0x2];
	[bflag:$0x3] =	sbarrier.arrive $0xFFFF;
	s2 =	simm.s32 @!p0 $0x1C02  }
0xa0: {  	[timem:s3], [sflag:s2] =	dma.local @!p0 [hbm:s0], s1  }
0xa1: {  	s0 =	simm.s32 @!p0 $0x2  }
0xa2: {  	_ =	swait.ge @!p0 [sflag:s0], s1  }
0xa3: {  	s1 =	ssub.s32 @!p0 $0x0, s1;
	[sflag:s0] =	ssyncset.done @!p0 $0x0  }
0xa4: {  	[sflag:s0] =	ssyncadd.s32 @!p0 s1  }
0xa5: {  	[bflag:$0x3] =	sbarrier.arrive $0xFFFF  }
0xa6: {  	_ =	shalt  }

// kernel: _run.14.cloned.1.call-start
scs
__scs_entry_jumppad:
0x0: {  	(pc) =	sbr.rel $0x88, $3  }
0x1: {  	(tag) =	ssettag $0x0;
	lr =	simm.s32 $0x1  }
0x2: {  	[smem:$0x3F9B] =	sst lr;
	_ =	strace $0xD0000000  }
0x3: {  	_ = 	snop  }
0x4: {  	_ = 	snop  }
0x5: {  	_ = 	snop  }
0x6: {  	_ = 	snop  }
0x7: {  	_ = 	snop  }
__scs_overlays_trampoline_lowered:
0x8: {  	[smem:$0x3FAA] =	sst s0  }
0x9: {  	[smem:$0x3FAB] =	sst s1  }
0xa: {  	[smem:$0x3FAC] =	sst s2  }
0xb: {  	[smem:$0x3FAD] =	sst s3  }
0xc: {  	[smem:$0x3FAE] =	sst s4  }
0xd: {  	[smem:$0x3FAF] =	sst s5  }
0xe: {  	[smem:$0x3FB0] =	sst s6  }
0xf: {  	[smem:$0x3FB1] =	sst s7  }
0x10: {  	[smem:$0x3FB2] =	sst s8  }
0x11: {  	[smem:$0x3FB3] =	sst s9;
	s0 =	simm.s32 @!p0 $0x0  }
0x12: {  	s1 =	sld [smem:$0x3F99];
	s0 =	simm.s32 @p0 $0x1  }
0x13: {  	[smem:$0x3FB4] =	sst s0;
	s0 =	simm.s32 @!p1 $0x0  }
0x14: {  	s2 =	sld [smem:$0x3F98];
	s0 =	simm.s32 @p1 $0x1  }
0x15: {  	[smem:$0x3FB5] =	sst s0;
	s0 =	simm.s32 @!p2 $0x0  }
0x16: {  	s3 =	sld [smem:$0x3FDB];
	s0 =	simm.s32 @p2 $0x1  }
0x17: {  	s4 =	simm.s32 $0x1BF5;
	[smem:$0x3FB7] =	sst s0  }
0x18: {  	s0 =	sld [smem:$0x3F9A];
	_ =	swait.ge [sflag:s4], $0x0  }
0x19: {  	s7 =	sld [smem:$0x3F9B]  }
0x1a: {  	s8 =	sadd.s32 $0xFFFFE003, lr  }
0x1b: {  	s9 =	sadd.s32 $0xFFFFFEF7, lr;
	s5 =	simm.s32 $0xFFFFFFFF;
	p2 =	slt.u32 s8, $0xFFFFF086  }
0x1c: {  	p1 =	slt.u32 s9, $0xF7A;
	s5 =	simm.s32 @!p2 $0x0  }
0x1d: {  	s5 =	simm.s32 @p1 $0x1;
	p0 =	seq.s32 s7, s2  }
0x1e: {  	s7 =	smul.u32 @!p0 $0xF7A, s2;
	p2 =	seq.s32 @!p0 s5, $0x0  }
0x1f: {  	s9 =	smul.u32 $0xF7A, s1;
	s8 =	simm.s32 @!p0 $0x1BF5;
	p2 =	por !p2, p0  }
0x20: {  	[sflag:s8] =	ssyncset.s32 @!p0 $0xFFFFF086;
	s6 =	sadd.s32 @!p0 s3, s7;
	s7 =	simm.s32 @!p0 $0x108  }
0x21: {  	s3 =	sadd.s32 s3, s9;
	s6 =	sadd.s32 @!p0 $0x88, s6;
	s7 =	simm.s32 @p2 $0x1082  }
0x22: {  	[simem:s7], [sflag:s8] =	dma.local @!p0 [hbm:s6], $0xF7A  }
0x23: {  	s9 =	sor.u32 $0xD0000000, s2;
	s6 =	simm.s32 $0x108;
	_ =	swait.ge @!p0 [sflag:s8], $0x0  }
0x24: {  	s3 =	sadd.s32 $0x88, s3;
	s6 =	simm.s32 @!p1 $0x1082;
	[sflag:s4] =	ssyncset.s32 $0xFFFFF086  }
0x25: {  	[simem:s6], [sflag:s4] =	dma.local [hbm:s3], $0xF7A  }
0x26: {  	[smem:$0x3F9B] =	sst s1;
	(tag) =	ssettag s2;
	_ =	strace s9  }
0x27: {  	s1 =	sld [smem:$0x3FAB]  }
0x28: {  	s2 =	sld [smem:$0x3FAC]  }
0x29: {  	s4 =	sld [smem:$0x3FAE]  }
0x2a: {  	p0 =	seq.s32 s5, $0x0;
	s5 =	sld [smem:$0x3FAF]  }
0x2b: {  	s6 =	sld [smem:$0x3FB0]  }
0x2c: {  	s7 =	sld [smem:$0x3FB1]  }
0x2d: {  	s3 =	simm.s32 $0x108;
	s8 =	sld [smem:$0x3FB2]  }
0x2e: {  	s3 =	simm.s32 @!p0 $0x1082;
	s9 =	sld [smem:$0x3FB3]  }
0x2f: {  	lr =	sadd.s32 s0, s3;
	s0 =	sld [smem:$0x3FAA]  }
0x30: {  	s3 =	sld [smem:$0x3FAD]  }
0x31: {  	[smem:$0x3FB6] =	sst s10  }
0x32: {  	s10 =	sld [smem:$0x3FB4];
	_ =	sdelay $0x3  }
0x33: {  	p0 =	seq.s32 s10, $0x1;
	s10 =	sld [smem:$0x3FB6];
	_ =	sdelay $0x3  }
0x34: {  	[smem:$0x3FB6] =	sst s10  }
0x35: {  	s10 =	sld [smem:$0x3FB5];
	_ =	sdelay $0x3  }
0x36: {  	p1 =	seq.s32 s10, $0x1;
	s10 =	sld [smem:$0x3FB6];
	_ =	sdelay $0x3  }
0x37: {  	[smem:$0x3FB6] =	sst s10  }
0x38: {  	s10 =	sld [smem:$0x3FB7]  }
0x39: {  	_ = 	snop;
	(pc) =	sbr.ind lr, $3  }
0x3a: {  	_ = 	snop  }
0x3b: {  	_ = 	snop  }
0x3c: {  	p2 =	seq.s32 s10, $0x1;
	s10 =	sld [smem:$0x3FB6]  }
0x3d: {  	_ =	shalt  }
0x3e: {  	_ =	shalt  }
0x3f: {  	_ =	shalt  }
0x40: {  	_ =	shalt  }
0x41: {  	_ =	shalt  }
0x42: {  	_ =	shalt  }
0x43: {  	_ =	shalt  }
0x44: {  	_ =	shalt  }
0x45: {  	_ =	shalt  }
0x46: {  	_ =	shalt  }
0x47: {  	_ =	shalt  }
0x48: {  	_ =	shalt  }
0x49: {  	_ =	shalt  }
0x4a: {  	_ =	shalt  }
0x4b: {  	_ =	shalt  }
0x4c: {  	_ =	shalt  }
0x4d: {  	_ =	shalt  }
0x4e: {  	_ =	shalt  }
0x4f: {  	_ =	shalt  }
0x50: {  	_ =	shalt  }
0x51: {  	_ =	shalt  }
0x52: {  	_ =	shalt  }
0x53: {  	_ =	shalt  }
0x54: {  	_ =	shalt  }
0x55: {  	_ =	shalt  }
0x56: {  	_ =	shalt  }
0x57: {  	_ =	shalt  }
0x58: {  	_ =	shalt  }
0x59: {  	_ =	shalt  }
0x5a: {  	_ =	shalt  }
0x5b: {  	_ =	shalt  }
0x5c: {  	_ =	shalt  }
0x5d: {  	_ =	shalt  }
0x5e: {  	_ =	shalt  }
0x5f: {  	_ =	shalt  }
0x60: {  	_ =	shalt  }
0x61: {  	_ =	shalt  }
0x62: {  	_ =	shalt  }
0x63: {  	_ =	shalt  }
0x64: {  	_ =	shalt  }
0x65: {  	_ =	shalt  }
0x66: {  	_ =	shalt  }
0x67: {  	_ =	shalt  }
0x68: {  	_ =	shalt  }
0x69: {  	_ =	shalt  }
0x6a: {  	_ =	shalt  }
0x6b: {  	_ =	shalt  }
0x6c: {  	_ =	shalt  }
0x6d: {  	_ =	shalt  }
0x6e: {  	_ =	shalt  }
0x6f: {  	_ =	shalt  }
0x70: {  	_ =	shalt  }
0x71: {  	_ =	shalt  }
0x72: {  	_ =	shalt  }
0x73: {  	_ =	shalt  }
0x74: {  	_ =	shalt  }
0x75: {  	_ =	shalt  }
0x76: {  	_ =	shalt  }
0x77: {  	_ =	shalt  }
0x78: {  	_ =	shalt  }
0x79: {  	_ =	shalt  }
0x7a: {  	_ =	shalt  }
0x7b: {  	_ =	shalt  }
0x7c: {  	_ =	shalt  }
0x7d: {  	_ =	shalt  }
0x7e: {  	_ =	shalt  }
0x7f: {  	_ =	shalt  }
0x80: {  	_ =	shalt  }
0x81: {  	_ =	shalt  }
0x82: {  	_ =	shalt  }
0x83: {  	_ =	shalt  }
0x84: {  	_ =	shalt  }
0x85: {  	_ =	shalt  }
0x86: {  	_ =	shalt  }
0x87: {  	_ =	shalt  }
.Lfunc_end0:
.L_simem_size_0:
called_computation.2_lowered:
.L_overlay_start_0:
0x88: {  	s2 =	sld [smem:$0x3FD9]  }
0x89: {  	s3 =	sld [smem:$0x3FFE];
	_ =	sdelay $0x1  }
0x8a: {  	s1 =	srdreg.scid  }
0x8b: {  	s0 =	sand.u32 $0x1, s1  }
0x8c: {  	s17 =	sshll.u32 s0, $0xA;
	s2 =	sadd.s32 s3, s2  }
0x8d: {  	s2 =	sadd.s32 s2, s17  }
0x8e: {  	[smem:$0x3FC2] =	sst s2  }
0x8f: {  	_ = 	snop  }
0x90: {  	s2 =	sld [smem:$0x3FD0];
	(tm) =	ssettm $0x1  }
0x91: {  	s18 =	sld [smem:$0x3FFB];
	_ =	sdelay $0x3  }
0x92: {  	_ =	strace s18  }
0x93: {  	s3 =	sld [smem:$0x3FFC];
	_ =	sdelay $0x3  }
0x94: {  	_ =	strace s3  }
0x95: {  	s3 =	sld [smem:$0x3FFD];
	_ =	sdelay $0x3  }
0x96: {  	_ =	strace s3  }
0x97: {  	_ =	strace $0x8FFFFFFF  }
0x98: {  	s19 =	sld [smem:$0x3FDB];
	_ =	sdelay $0x1  }
0x99: {  	s4 =	simm.s32 $_scs_section_size  }
0x9a: {  	s5 =	simm.s32 $_size__tile_overlayer_lowered;
	s6 =	simm.s32 $_tile_overlayer_lowered  }
0x9b: {  	s22 =	simm.s32 $0x1BFF;
	s21 =	sshll.u32 s6, $0x1;
	s3 =	sadd.s32 s4, s19  }
0x9c: {  	s7 =	simm.s32 $0x0;
	s20 =	sshll.u32 s5, $0x1;
	s5 =	sadd.s32 s21, s3  }
0x9d: {  	[timem:s7], [sflag:s22] =	dma.local [hbm:s5], s20  }
0x9e: {  	_ =	swait.ge [sflag:s22], s20  }
0x9f: {  	s4 =	ssub.s32 $0x0, s20;
	[sflag:s22] =	ssyncset.done $0x0  }
0xa0: {  	[sflag:s22] =	ssyncadd.s32 s4;
	_ =	sdelay $0x1  }
0xa1: {  	s23 =	simm.s32 $0x1B8B  }
0xa2: {  	_ =	swait.ge [sflag:s23], $0x1  }
0xa3: {  	[sflag:s23] =	ssyncset.done $0x0  }
0xa4: {  	s25 =	simm.s32 $0x1B8E;
	s24 =	sld [smem:$0x3FFE];
	[sflag:s23] =	ssyncadd.s32 $0xFFFFFFFF  }
0xa5: {  	s26 =	simm.s32 $execute0_lowered;
	[smem:$0x3FD2] =	sst s25  }
0xa6: {  	s5 =	sshll.u32 s26, $0x1;
	_ =	strace $0x8000004C;
	[dreg:$0x1] =	wrdreg $0xFFFFFFFF  }
0xa7: {  	s28 =	simm.s32 $_size_execute0_lowered;
	s3 =	sadd.s32 s3, s5;
	[dreg:$0x0] =	wrdreg $0x0  }
0xa8: {  	s5 =	sshll.u32 s28, $0x1;
	[dreg:$0x2] =	wrdreg s3  }
0xa9: {  	[dreg:$0x3] =	wrdreg s5  }
0xaa: {  	[dreg:$0x4] =	wrdreg $0xC0  }
0xab: {  	_ =	task [dreg:s7], $0x5FFFF  }
0xac: {  	[dreg:$0x1] =	wrdreg $0xFFFFFFFF  }
0xad: {  	[dreg:$0x0] =	wrdreg $0x60  }
0xae: {  	[dreg:$0x2] =	wrdreg s2  }
0xaf: {  	[dreg:$0x3] =	wrdreg s24  }
0xb0: {  	[dreg:$0x4] =	wrdreg $0xCD000  }
0xb1: {  	[dreg:$0x5] =	wrdreg $0x9  }
0xb2: {  	_ =	task.clear_ibuf [dreg:s7], $0x6FFFF;
	_ =	strace $0x9000004C  }
0xb3: {  	s29 =	simm.s32 $0x9;
	_ =	strace $0x8000004E  }
0xb4: {  	_ =	swait.ge [sflag:s29], $0x1  }
0xb5: {  	[sflag:s29] =	ssyncadd.s32 $0xFFFFFFFF  }
0xb6: {  	_ =	strace $0x9000004E  }
0xb7: {  	_ =	sfence  }
0xb8: {  	s30 =	sld [smem:$0x0];
	_ =	sdelay $0x2  }
0xb9: {  	s31 =	sshll.u32 s1, $0xD;
	s1 =	sshrl.u32 s1, $0x2  }
0xba: {  	s3 =	sand.u32 $0x4000, s31;
	s1 =	sadd.s32 s1, s30  }
0xbb: {  	s0 =	sor.u32 s3, s0;
	s1 =	sshll.u32 s1, $0x11  }
0xbc: {  	s0 =	sor.u32 s1, s0  }
0xbd: {  	s0 =	sadd.s32 $0x8F2B, s0  }
0xbe: {  	[sflag:s0] =	ssyncadd.remote.s32 $0x1  }
0xbf: {  	_ =	sfence.sel $0xFFFF  }
0xc0: {  	[dreg:$0x0] =	wrdreg $0xFFFFFFFF;
	(pc) =	sbr.abs _section_cstart, $3  }
0xc1: {  	[dreg:$0x1] =	wrdreg $0xFFFFFFFF  }
0xc2: {  	_ =	task.clear_ibuf [dreg:s7], $0x2FFFF;
	_ =	strace $0x9FFFFFFF  }
0xc3: {  	(tm) =	ssettm $0x7FFFFFFF  }
tec
execute0_lowered:
.L_overlay_start_1:
0x0: {  	(tag) =	ssettag $0x1  }
0x1: {  	s1 =	rddreg [dreg:$0x0]  }
0x2: {  	s0 =	srdreg.scid;
	s2 =	rddreg [dreg:$0x1]  }
0x3: {  	s13 =	stileid.u32;
	s3 =	rddreg [dreg:$0x2];
	s15 =	simm.s32 $0x2  }
0x4: {  	s17 =	simm.s32 $0x7D;
	s18 =	simm.s32 $0x5000;
	s19 =	simm.s32 $0x80  }
0x5: {  	s20 =	simm.s32 $0x6F40;
	s21 =	simm.s32 $0x100;
	s22 =	simm.s32 $0x8E80  }
0x6: {  	s23 =	simm.s32 $0x180;
	s24 =	simm.s32 $0xADC0;
	s28 =	simm.s32 $0x4E80  }
0x7: {  	s29 =	simm.s32 $0x4F00;
	s30 =	simm.s32 $0x4F80;
	s31 =	simm.s32 $0x0  }
0x8: {  	s0 =	sand.u32 $0x1, s0;
	s8 =	smul.u32 $0x9C00, s13;
	s10 =	sadd.s32 $0x29800, s2  }
0x9: {  	s12 =	sadd.s32 $0x92400, s3;
	p0 =	seq.s32 s13, $0xF;
	s4 =	sshll.u32 s0, $0x4  }
0xa: {  	s6 =	ssub.s32 $0x2, s0;
	s0 =	smul.u32 $0x9C400, s0;
	s12 =	sshrl.u32 @p0 s12, $0x3  }
0xb: {  	s5 =	sor.u32 s13, s4;
	s4 =	simm.s32 $0x0;
	s25 =	sshrl.u32 s8, $0x3  }
0xc: {  	s7 =	sshrl.u32 s6, $0x1;
	s14 =	sadd.s32 s8, s3;
	s5 =	smul.u32 $0x500, s5  }
0xd: {  	[smem:$0x7FF] =	sst s4;
	s11 =	ssub.s32 s6, s7;
	s6 =	sadd.s32 $0x28280, s2  }
0xe: {  	s26 =	sadd.s32 s8, s0;
	s0 =	sshrl.u32 s0, $0x3;
	s14 =	sshrl.u32 @!p0 s14, $0x3  }
0xf: {  	_ =	strace $0x8000004D;
	s0 =	sadd.s32 s10, s0;
	s11 =	smax.u32 s11, $0x1  }
0x10: {  	s9 =	sadd.s32 s5, s2;
	s5 =	sadd.s32 s25, s2;
	s2 =	sshrl.u32 s26, $0x3  }
0x11: {  	s25 =	simm.s32 $0x1;
	s7 =	sadd.s32 $0x1E00, s9;
	s8 =	sadd.s32 $0xBE00, s9  }
0x12: {  	s9 =	sadd.s32 s10, s2;
	s10 =	sadd.s32 $0x12480, s0;
	s0 =	sshll.u32 @!p0 s13, $0x6  }
0x13: {  	s26 =	simm.s32 $0x4E00;
	s5 =	sadd.s32 $0x15E00, s5;
	s13 =	sor.u32 @!p0 $0x1C02, s0  }
.LBB2_1:
0x14: {  	s0 =	simm.s32 @p0 $0x1FC2  }
0x15: {  	[spmem:s12], [sflag:s0] =	dma.local @p0 [hbm:s6], $0x1400  }
0x16: {  	s0 =	simm.s32 @p0 $0x2  }
0x17: {  	_ =	swait.ge @p0 [sflag:s0], $0x1400  }
0x18: {  	[sflag:s0] =	ssyncset.done @p0 $0x0  }
0x19: {  	[sflag:s0] =	ssyncadd.s32 @p0 $0xFFFFEC00;
	s0 =	simm.s32 @!p0 $0x2  }
0x1a: {  	[spmem:s14], [sflag:s13] =	dma.local @!p0 [hbm:s5], $0x1380  }
0x1b: {  	_ =	swait.ge @!p0 [sflag:s0], $0x1380  }
0x1c: {  	[sflag:s0] =	ssyncset.done @!p0 $0x0  }
0x1d: {  	[sflag:s0] =	ssyncadd.s32 @!p0 $0xFFFFEC80  }
0x1e: {  	[tilespmem:s4], [sflag:$0x2] =	stream.linear.gather [hbm4b:s7+s4], $0x2800, $0x38;
	[tilespmem:$0x16940] =	vst v63  }
0x1f: {  	_ =	swait.ge [sflag:s15], $0x2800  }
0x20: {  	[sflag:s15] =	ssyncset.done $0x0  }
0x21: {  	s2 =	simm.s32 $0x2800;
	[sflag:s15] =	ssyncadd.s32 $0xFFFFD800  }
0x22: {  	[tilespmem:s2], [sflag:$0x2] =	stream.linear.gather [hbm4b:s8+s4], $0x2800, $0x38;
	[tilespmem:$0x16940] =	vst v63  }
0x23: {  	_ =	swait.ge [sflag:s15], $0x2800  }
0x24: {  	[sflag:s15] =	ssyncset.done $0x0  }
0x25: {  	[sflag:s15] =	ssyncadd.s32 $0xFFFFD800  }
0x26: {  	[bflag:$0x0] =	sbarrier.arrive $0xFFFF  }
0x27: {  	[tilespmem:s18], [sflag:$0x1] =	stream.indirect.gather [hbm4b:s1+s17], $0x40, s4, s17, $0xb8;
	[tilespmem:$0x16940] =	vst v63  }
0x28: {  	_ = 	snop  }
0x29: {  	[tilespmem:s20], [sflag:$0x1] =	stream.indirect.gather [hbm4b:s1+s17], $0x40, s19, s17, $0xb8;
	[tilespmem:$0x16940] =	vst v63  }
0x2a: {  	_ = 	snop  }
0x2b: {  	[tilespmem:s22], [sflag:$0x1] =	stream.indirect.gather [hbm4b:s1+s17], $0x40, s21, s17, $0xb8;
	[tilespmem:$0x16940] =	vst v63  }
0x2c: {  	_ = 	snop  }
0x2d: {  	[tilespmem:s24], [sflag:$0x1] =	stream.indirect.gather [hbm4b:s1+s17], $0x40, s23, s17, $0xb8;
	[tilespmem:$0x16940] =	vst v63  }
0x2e: {  	_ =	swait.ge [sflag:s25], $0x1F40  }
0x2f: {  	[sflag:s25] =	ssyncset.done $0x0  }
0x30: {  	s16 =	simm.s32 $0x2800;
	[sflag:s25] =	ssyncadd.s32 $0xFFFFE0C0  }
0x31: {  	[spmem:s3] =	stream.indirect.scatter.add.f32 [tilespmem:s18], [sflag:$0x2], $0x40, s16, s17, $0xb8;
	[tilespmem:$0x16940] =	vst v63  }
0x32: {  	_ =	swait.ge [sflag:s15], $0x1F40  }
0x33: {  	[sflag:s15] =	ssyncset.done $0x0  }
0x34: {  	s2 =	simm.s32 $0x200;
	[sflag:s15] =	ssyncadd.s32 $0xFFFFE0C0  }
0x35: {  	[tilespmem:s18], [sflag:$0x1] =	stream.indirect.gather [hbm4b:s1+s17], $0x40, s2, s17, $0xb8;
	[tilespmem:$0x16940] =	vst v63  }
0x36: {  	_ =	swait.ge [sflag:s25], $0x1F40  }
0x37: {  	[sflag:s25] =	ssyncset.done $0x0  }
0x38: {  	s16 =	simm.s32 $0x2880;
	[sflag:s25] =	ssyncadd.s32 $0xFFFFE0C0  }
0x39: {  	[spmem:s3] =	stream.indirect.scatter.add.f32 [tilespmem:s20], [sflag:$0x2], $0x40, s16, s17, $0xb8;
	[tilespmem:$0x16940] =	vst v63  }
0x3a: {  	_ =	swait.ge [sflag:s15], $0x1F40  }
0x3b: {  	[sflag:s15] =	ssyncset.done $0x0  }
0x3c: {  	s2 =	simm.s32 $0x280;
	[sflag:s15] =	ssyncadd.s32 $0xFFFFE0C0  }
0x3d: {  	[tilespmem:s20], [sflag:$0x1] =	stream.indirect.gather [hbm4b:s1+s17], $0x40, s2, s17, $0xb8;
	[tilespmem:$0x16940] =	vst v63  }
0x3e: {  	_ =	swait.ge [sflag:s25], $0x1F40  }
0x3f: {  	[sflag:s25] =	ssyncset.done $0x0  }
0x40: {  	s16 =	simm.s32 $0x2900;
	[sflag:s25] =	ssyncadd.s32 $0xFFFFE0C0  }
0x41: {  	[spmem:s3] =	stream.indirect.scatter.add.f32 [tilespmem:s22], [sflag:$0x2], $0x40, s16, s17, $0xb8;
	[tilespmem:$0x16940] =	vst v63  }
0x42: {  	_ =	swait.ge [sflag:s15], $0x1F40  }
0x43: {  	[sflag:s15] =	ssyncset.done $0x0  }
0x44: {  	s2 =	simm.s32 $0x300;
	[sflag:s15] =	ssyncadd.s32 $0xFFFFE0C0  }
0x45: {  	[tilespmem:s22], [sflag:$0x1] =	stream.indirect.gather [hbm4b:s1+s17], $0x40, s2, s17, $0xb8;
	[tilespmem:$0x16940] =	vst v63  }
0x46: {  	_ =	swait.ge [sflag:s25], $0x1F40  }
0x47: {  	[sflag:s25] =	ssyncset.done $0x0  }
0x48: {  	s16 =	simm.s32 $0x2980;
	[sflag:s25] =	ssyncadd.s32 $0xFFFFE0C0  }
0x49: {  	[spmem:s3] =	stream.indirect.scatter.add.f32 [tilespmem:s24], [sflag:$0x2], $0x40, s16, s17, $0xb8;
	[tilespmem:$0x16940] =	vst v63  }
0x4a: {  	_ =	swait.ge [sflag:s15], $0x1F40  }
0x4b: {  	[sflag:s15] =	ssyncset.done $0x0  }
0x4c: {  	s0 =	simm.s32 $0x380;
	s2 =	simm.s32 $0x800;
	[sflag:s15] =	ssyncadd.s32 $0xFFFFE0C0  }
.LBB2_2:
0x4d: {  	[tilespmem:s24], [sflag:$0x1] =	stream.indirect.gather [hbm4b:s1+s17], $0x40, s0, s17, $0xb8;
	[tilespmem:$0x16940] =	vst v63  }
0x4e: {  	s0 =	smov.u32 s2  }
0x4f: {  	p1 =	sne.s32 s2, $0x9000;
	s2 =	sadd.s32 $0x800, s2;
	_ =	swait.ge [sflag:s25], $0x1F40  }
0x50: {  	s0 =	sshra.s32 s0, $0x2;
	[sflag:s25] =	ssyncset.done $0x0  }
0x51: {  	s16 =	sadd.s32 $0x2800, s0;
	[sflag:s25] =	ssyncadd.s32 $0xFFFFE0C0  }
0x52: {  	[spmem:s3] =	stream.indirect.scatter.add.f32 [tilespmem:s18], [sflag:$0x2], $0x40, s16, s17, $0xb8;
	[tilespmem:$0x16940] =	vst v63  }
0x53: {  	_ =	swait.ge [sflag:s15], $0x1F40  }
0x54: {  	[sflag:s15] =	ssyncset.done $0x0  }
0x55: {  	s16 =	sadd.s32 $0x200, s0;
	[sflag:s15] =	ssyncadd.s32 $0xFFFFE0C0  }
0x56: {  	[tilespmem:s18], [sflag:$0x1] =	stream.indirect.gather [hbm4b:s1+s17], $0x40, s16, s17, $0xb8;
	[tilespmem:$0x16940] =	vst v63  }
0x57: {  	_ =	swait.ge [sflag:s25], $0x1F40  }
0x58: {  	[sflag:s25] =	ssyncset.done $0x0  }
0x59: {  	s16 =	sadd.s32 $0x2880, s0;
	[sflag:s25] =	ssyncadd.s32 $0xFFFFE0C0  }
0x5a: {  	[spmem:s3] =	stream.indirect.scatter.add.f32 [tilespmem:s20], [sflag:$0x2], $0x40, s16, s17, $0xb8;
	[tilespmem:$0x16940] =	vst v63  }
0x5b: {  	_ =	swait.ge [sflag:s15], $0x1F40  }
0x5c: {  	[sflag:s15] =	ssyncset.done $0x0  }
0x5d: {  	s16 =	sadd.s32 $0x280, s0;
	[sflag:s15] =	ssyncadd.s32 $0xFFFFE0C0  }
0x5e: {  	[tilespmem:s20], [sflag:$0x1] =	stream.indirect.gather [hbm4b:s1+s17], $0x40, s16, s17, $0xb8;
	[tilespmem:$0x16940] =	vst v63  }
0x5f: {  	_ =	swait.ge [sflag:s25], $0x1F40  }
0x60: {  	[sflag:s25] =	ssyncset.done $0x0  }
0x61: {  	s16 =	sadd.s32 $0x2900, s0;
	[sflag:s25] =	ssyncadd.s32 $0xFFFFE0C0  }
0x62: {  	[spmem:s3] =	stream.indirect.scatter.add.f32 [tilespmem:s22], [sflag:$0x2], $0x40, s16, s17, $0xb8;
	[tilespmem:$0x16940] =	vst v63  }
0x63: {  	_ =	swait.ge [sflag:s15], $0x1F40  }
0x64: {  	[sflag:s15] =	ssyncset.done $0x0  }
0x65: {  	s16 =	sadd.s32 $0x300, s0;
	[sflag:s15] =	ssyncadd.s32 $0xFFFFE0C0  }
0x66: {  	[tilespmem:s22], [sflag:$0x1] =	stream.indirect.gather [hbm4b:s1+s17], $0x40, s16, s17, $0xb8;
	[tilespmem:$0x16940] =	vst v63  }
0x67: {  	_ =	swait.ge [sflag:s25], $0x1F40  }
0x68: {  	[sflag:s25] =	ssyncset.done $0x0  }
.Ltmp0:
0x69: {  	s16 =	sadd.s32 $0x2980, s0;
	[sflag:s25] =	ssyncadd.s32 $0xFFFFE0C0;
	(pc) =	sbr.rel @p1 .LBB2_2-.Ltmp0, $4  }
0x6a: {  	[spmem:s3] =	stream.indirect.scatter.add.f32 [tilespmem:s24], [sflag:$0x2], $0x40, s16, s17, $0xb8;
	[tilespmem:$0x16940] =	vst v63  }
0x6b: {  	_ =	swait.ge [sflag:s15], $0x1F40  }
0x6c: {  	[sflag:s15] =	ssyncset.done $0x0  }
0x6d: {  	s0 =	sadd.s32 $0x380, s0;
	[sflag:s15] =	ssyncadd.s32 $0xFFFFE0C0  }
0x6e: {  	[tilespmem:s24], [sflag:$0x1] =	stream.indirect.gather [hbm4b:s1+s17], $0x40, s0, s17, $0xb8;
	[tilespmem:$0x16940] =	vst v63  }
0x6f: {  	_ =	swait.ge [sflag:s25], $0x1F40  }
0x70: {  	[sflag:s25] =	ssyncset.done $0x0  }
0x71: {  	[sflag:s25] =	ssyncadd.s32 $0xFFFFE0C0  }
0x72: {  	[spmem:s3] =	stream.indirect.scatter.add.f32 [tilespmem:s18], [sflag:$0x2], $0x40, s26, s17, $0xb8;
	[tilespmem:$0x16940] =	vst v63  }
0x73: {  	_ =	swait.ge [sflag:s15], $0x1F40  }
0x74: {  	[sflag:s15] =	ssyncset.done $0x0  }
0x75: {  	[sflag:s15] =	ssyncadd.s32 $0xFFFFE0C0  }
0x76: {  	_ =	swait.ge [sflag:s25], $0x1F40  }
0x77: {  	[sflag:s25] =	ssyncset.done $0x0  }
0x78: {  	[sflag:s25] =	ssyncadd.s32 $0xFFFFE0C0  }
0x79: {  	[spmem:s3] =	stream.indirect.scatter.add.f32 [tilespmem:s20], [sflag:$0x2], $0x40, s28, s17, $0xb8;
	[tilespmem:$0x16940] =	vst v63  }
0x7a: {  	_ =	swait.ge [sflag:s15], $0x1F40  }
0x7b: {  	[sflag:s15] =	ssyncset.done $0x0  }
0x7c: {  	[sflag:s15] =	ssyncadd.s32 $0xFFFFE0C0  }
0x7d: {  	_ =	swait.ge [sflag:s25], $0x1F40  }
0x7e: {  	[sflag:s25] =	ssyncset.done $0x0  }
0x7f: {  	[sflag:s25] =	ssyncadd.s32 $0xFFFFE0C0  }
0x80: {  	[spmem:s3] =	stream.indirect.scatter.add.f32 [tilespmem:s22], [sflag:$0x2], $0x40, s29, s17, $0xb8;
	[tilespmem:$0x16940] =	vst v63  }
0x81: {  	_ =	swait.ge [sflag:s15], $0x1F40  }
0x82: {  	[sflag:s15] =	ssyncset.done $0x0  }
0x83: {  	[sflag:s15] =	ssyncadd.s32 $0xFFFFE0C0  }
0x84: {  	_ =	swait.ge [sflag:s25], $0x1F40  }
0x85: {  	[sflag:s25] =	ssyncset.done $0x0  }
0x86: {  	[sflag:s25] =	ssyncadd.s32 $0xFFFFE0C0  }
0x87: {  	[spmem:s3] =	stream.indirect.scatter.add.f32 [tilespmem:s24], [sflag:$0x2], $0x40, s30, s17, $0xb8;
	[tilespmem:$0x16940] =	vst v63  }
0x88: {  	_ =	swait.ge [sflag:s15], $0x1F40  }
0x89: {  	[sflag:s15] =	ssyncset.done $0x0  }
0x8a: {  	[sflag:s15] =	ssyncadd.s32 $0xFFFFE0C0  }
0x8b: {  	s0 =	simm.s32 @p0 $0x1FC2;
	[bflag:$0x0] =	sbarrier.arrive $0xFFFF  }
0x8c: {  	[hbm:s10], [sflag:s0] =	dma.local @p0 [spmem:s12], $0x1400  }
0x8d: {  	s0 =	simm.s32 @p0 $0x2  }
0x8e: {  	s31 =	sadd.s32 $0x1, s31;
	_ =	swait.ge @p0 [sflag:s0], $0x1400  }
0x8f: {  	p1 =	sne.s32 s31, s11;
	[sflag:s0] =	ssyncset.done @p0 $0x0  }
.Ltmp1:
0x90: {  	[sflag:s0] =	ssyncadd.s32 @p0 $0xFFFFEC00;
	s0 =	simm.s32 @!p0 $0x2;
	(pc) =	sbr.rel @p1 .LBB2_1-.Ltmp1, $4  }
0x91: {  	[hbm:s9], [sflag:s13] =	dma.local @!p0 [spmem:s14], $0x1380  }
0x92: {  	_ =	swait.ge @!p0 [sflag:s0], $0x1380  }
0x93: {  	[sflag:s0] =	ssyncset.done @!p0 $0x0  }
0x94: {  	[sflag:s0] =	ssyncadd.s32 @!p0 $0xFFFFEC80  }
0x95: {  	_ =	sfence.sel $0x180000  }
0x96: {  	[bflag:$0x0] =	sbarrier.arrive $0xFFFF  }
0x97: {  	_ =	strace $0x9000004D  }
0x98: {  	s0 =	stileid.u32;
	[bflag:$0x2] =	sbarrier.arrive $0xFFFF  }
0x99: {  	p0 =	sne.s32 s0, $0x0;
	s0 =	rddreg [dreg:$0x3]  }
0x9a: {  	s0 =	sadd.s32 @!p0 $0x100000, s0  }
0x9b: {  	[sflag:s0] =	ssyncadd.tile.s32 @!p0 $0x1;
	_ =	shalt  }
.Lfunc_end2:
_tile_overlayer_lowered:
.L_overlay_start_2:
0x9c: {  	(tag) =	ssettag $0x2  }
0x9d: {  	s0 =	rddreg [dreg:$0x0];
	s2 =	stileid.u32  }
0x9e: {  	s1 =	rddreg [dreg:$0x1];
	p0 =	sne.s32 s2, $0x0  }
0x9f: {  	s3 =	rddreg [dreg:$0x2];
	[bflag:$0x3] =	sbarrier.arrive $0xFFFF;
	s2 =	simm.s32 @!p0 $0x1C02  }
0xa0: {  	[timem:s3], [sflag:s2] =	dma.local @!p0 [hbm:s0], s1  }
0xa1: {  	s0 =	simm.s32 @!p0 $0x2  }
0xa2: {  	_ =	swait.ge @!p0 [sflag:s0], s1  }
0xa3: {  	s1 =	ssub.s32 @!p0 $0x0, s1;
	[sflag:s0] =	ssyncset.done @!p0 $0x0  }
0xa4: {  	[sflag:s0] =	ssyncadd.s32 @!p0 s1  }
0xa5: {  	[bflag:$0x3] =	sbarrier.arrive $0xFFFF  }
0xa6: {  	_ =	shalt  }

// kernel: _run.8.cloned.1.call-start
scs
__scs_entry_jumppad:
0x0: {  	(pc) =	sbr.rel $0x88, $3  }
0x1: {  	(tag) =	ssettag $0x0;
	lr =	simm.s32 $0x1  }
0x2: {  	[smem:$0x3F9B] =	sst lr;
	_ =	strace $0xD0000000  }
0x3: {  	_ = 	snop  }
0x4: {  	_ = 	snop  }
0x5: {  	_ = 	snop  }
0x6: {  	_ = 	snop  }
0x7: {  	_ = 	snop  }
__scs_overlays_trampoline_lowered:
0x8: {  	[smem:$0x3FAA] =	sst s0  }
0x9: {  	[smem:$0x3FAB] =	sst s1  }
0xa: {  	[smem:$0x3FAC] =	sst s2  }
0xb: {  	[smem:$0x3FAD] =	sst s3  }
0xc: {  	[smem:$0x3FAE] =	sst s4  }
0xd: {  	[smem:$0x3FAF] =	sst s5  }
0xe: {  	[smem:$0x3FB0] =	sst s6  }
0xf: {  	[smem:$0x3FB1] =	sst s7  }
0x10: {  	[smem:$0x3FB2] =	sst s8  }
0x11: {  	[smem:$0x3FB3] =	sst s9;
	s0 =	simm.s32 @!p0 $0x0  }
0x12: {  	s1 =	sld [smem:$0x3F99];
	s0 =	simm.s32 @p0 $0x1  }
0x13: {  	[smem:$0x3FB4] =	sst s0;
	s0 =	simm.s32 @!p1 $0x0  }
0x14: {  	s2 =	sld [smem:$0x3F98];
	s0 =	simm.s32 @p1 $0x1  }
0x15: {  	[smem:$0x3FB5] =	sst s0;
	s0 =	simm.s32 @!p2 $0x0  }
0x16: {  	s3 =	sld [smem:$0x3FDB];
	s0 =	simm.s32 @p2 $0x1  }
0x17: {  	s4 =	simm.s32 $0x1BF5;
	[smem:$0x3FB7] =	sst s0  }
0x18: {  	s0 =	sld [smem:$0x3F9A];
	_ =	swait.ge [sflag:s4], $0x0  }
0x19: {  	s7 =	sld [smem:$0x3F9B]  }
0x1a: {  	s8 =	sadd.s32 $0xFFFFE003, lr  }
0x1b: {  	s9 =	sadd.s32 $0xFFFFFEF7, lr;
	s5 =	simm.s32 $0xFFFFFFFF;
	p2 =	slt.u32 s8, $0xFFFFF086  }
0x1c: {  	p1 =	slt.u32 s9, $0xF7A;
	s5 =	simm.s32 @!p2 $0x0  }
0x1d: {  	s5 =	simm.s32 @p1 $0x1;
	p0 =	seq.s32 s7, s2  }
0x1e: {  	s7 =	smul.u32 @!p0 $0xF7A, s2;
	p2 =	seq.s32 @!p0 s5, $0x0  }
0x1f: {  	s9 =	smul.u32 $0xF7A, s1;
	s8 =	simm.s32 @!p0 $0x1BF5;
	p2 =	por !p2, p0  }
0x20: {  	[sflag:s8] =	ssyncset.s32 @!p0 $0xFFFFF086;
	s6 =	sadd.s32 @!p0 s3, s7;
	s7 =	simm.s32 @!p0 $0x108  }
0x21: {  	s3 =	sadd.s32 s3, s9;
	s6 =	sadd.s32 @!p0 $0x88, s6;
	s7 =	simm.s32 @p2 $0x1082  }
0x22: {  	[simem:s7], [sflag:s8] =	dma.local @!p0 [hbm:s6], $0xF7A  }
0x23: {  	s9 =	sor.u32 $0xD0000000, s2;
	s6 =	simm.s32 $0x108;
	_ =	swait.ge @!p0 [sflag:s8], $0x0  }
0x24: {  	s3 =	sadd.s32 $0x88, s3;
	s6 =	simm.s32 @!p1 $0x1082;
	[sflag:s4] =	ssyncset.s32 $0xFFFFF086  }
0x25: {  	[simem:s6], [sflag:s4] =	dma.local [hbm:s3], $0xF7A  }
0x26: {  	[smem:$0x3F9B] =	sst s1;
	(tag) =	ssettag s2;
	_ =	strace s9  }
0x27: {  	s1 =	sld [smem:$0x3FAB]  }
0x28: {  	s2 =	sld [smem:$0x3FAC]  }
0x29: {  	s4 =	sld [smem:$0x3FAE]  }
0x2a: {  	p0 =	seq.s32 s5, $0x0;
	s5 =	sld [smem:$0x3FAF]  }
0x2b: {  	s6 =	sld [smem:$0x3FB0]  }
0x2c: {  	s7 =	sld [smem:$0x3FB1]  }
0x2d: {  	s3 =	simm.s32 $0x108;
	s8 =	sld [smem:$0x3FB2]  }
0x2e: {  	s3 =	simm.s32 @!p0 $0x1082;
	s9 =	sld [smem:$0x3FB3]  }
0x2f: {  	lr =	sadd.s32 s0, s3;
	s0 =	sld [smem:$0x3FAA]  }
0x30: {  	s3 =	sld [smem:$0x3FAD]  }
0x31: {  	[smem:$0x3FB6] =	sst s10  }
0x32: {  	s10 =	sld [smem:$0x3FB4];
	_ =	sdelay $0x3  }
0x33: {  	p0 =	seq.s32 s10, $0x1;
	s10 =	sld [smem:$0x3FB6];
	_ =	sdelay $0x3  }
0x34: {  	[smem:$0x3FB6] =	sst s10  }
0x35: {  	s10 =	sld [smem:$0x3FB5];
	_ =	sdelay $0x3  }
0x36: {  	p1 =	seq.s32 s10, $0x1;
	s10 =	sld [smem:$0x3FB6];
	_ =	sdelay $0x3  }
0x37: {  	[smem:$0x3FB6] =	sst s10  }
0x38: {  	s10 =	sld [smem:$0x3FB7]  }
0x39: {  	_ = 	snop;
	(pc) =	sbr.ind lr, $3  }
0x3a: {  	_ = 	snop  }
0x3b: {  	_ = 	snop  }
0x3c: {  	p2 =	seq.s32 s10, $0x1;
	s10 =	sld [smem:$0x3FB6]  }
0x3d: {  	_ =	shalt  }
0x3e: {  	_ =	shalt  }
0x3f: {  	_ =	shalt  }
0x40: {  	_ =	shalt  }
0x41: {  	_ =	shalt  }
0x42: {  	_ =	shalt  }
0x43: {  	_ =	shalt  }
0x44: {  	_ =	shalt  }
0x45: {  	_ =	shalt  }
0x46: {  	_ =	shalt  }
0x47: {  	_ =	shalt  }
0x48: {  	_ =	shalt  }
0x49: {  	_ =	shalt  }
0x4a: {  	_ =	shalt  }
0x4b: {  	_ =	shalt  }
0x4c: {  	_ =	shalt  }
0x4d: {  	_ =	shalt  }
0x4e: {  	_ =	shalt  }
0x4f: {  	_ =	shalt  }
0x50: {  	_ =	shalt  }
0x51: {  	_ =	shalt  }
0x52: {  	_ =	shalt  }
0x53: {  	_ =	shalt  }
0x54: {  	_ =	shalt  }
0x55: {  	_ =	shalt  }
0x56: {  	_ =	shalt  }
0x57: {  	_ =	shalt  }
0x58: {  	_ =	shalt  }
0x59: {  	_ =	shalt  }
0x5a: {  	_ =	shalt  }
0x5b: {  	_ =	shalt  }
0x5c: {  	_ =	shalt  }
0x5d: {  	_ =	shalt  }
0x5e: {  	_ =	shalt  }
0x5f: {  	_ =	shalt  }
0x60: {  	_ =	shalt  }
0x61: {  	_ =	shalt  }
0x62: {  	_ =	shalt  }
0x63: {  	_ =	shalt  }
0x64: {  	_ =	shalt  }
0x65: {  	_ =	shalt  }
0x66: {  	_ =	shalt  }
0x67: {  	_ =	shalt  }
0x68: {  	_ =	shalt  }
0x69: {  	_ =	shalt  }
0x6a: {  	_ =	shalt  }
0x6b: {  	_ =	shalt  }
0x6c: {  	_ =	shalt  }
0x6d: {  	_ =	shalt  }
0x6e: {  	_ =	shalt  }
0x6f: {  	_ =	shalt  }
0x70: {  	_ =	shalt  }
0x71: {  	_ =	shalt  }
0x72: {  	_ =	shalt  }
0x73: {  	_ =	shalt  }
0x74: {  	_ =	shalt  }
0x75: {  	_ =	shalt  }
0x76: {  	_ =	shalt  }
0x77: {  	_ =	shalt  }
0x78: {  	_ =	shalt  }
0x79: {  	_ =	shalt  }
0x7a: {  	_ =	shalt  }
0x7b: {  	_ =	shalt  }
0x7c: {  	_ =	shalt  }
0x7d: {  	_ =	shalt  }
0x7e: {  	_ =	shalt  }
0x7f: {  	_ =	shalt  }
0x80: {  	_ =	shalt  }
0x81: {  	_ =	shalt  }
0x82: {  	_ =	shalt  }
0x83: {  	_ =	shalt  }
0x84: {  	_ =	shalt  }
0x85: {  	_ =	shalt  }
0x86: {  	_ =	shalt  }
0x87: {  	_ =	shalt  }
.Lfunc_end0:
.L_simem_size_0:
called_computation_lowered:
.L_overlay_start_0:
0x88: {  	s2 =	sld [smem:$0x3FD9]  }
0x89: {  	s3 =	sld [smem:$0x3FFE];
	_ =	sdelay $0x1  }
0x8a: {  	s1 =	srdreg.scid  }
0x8b: {  	s0 =	sand.u32 $0x1, s1  }
0x8c: {  	s17 =	sshll.u32 s0, $0xA;
	s2 =	sadd.s32 s3, s2  }
0x8d: {  	s2 =	sadd.s32 s2, s17  }
0x8e: {  	[smem:$0x3FC2] =	sst s2  }
0x8f: {  	_ = 	snop  }
0x90: {  	s2 =	sld [smem:$0x3FD0];
	(tm) =	ssettm $0x1  }
0x91: {  	s18 =	sld [smem:$0x3FFB];
	_ =	sdelay $0x3  }
0x92: {  	_ =	strace s18  }
0x93: {  	s3 =	sld [smem:$0x3FFC];
	_ =	sdelay $0x3  }
0x94: {  	_ =	strace s3  }
0x95: {  	s3 =	sld [smem:$0x3FFD];
	_ =	sdelay $0x3  }
0x96: {  	_ =	strace s3  }
0x97: {  	_ =	strace $0x8FFFFFFF  }
0x98: {  	s19 =	sld [smem:$0x3FDB];
	_ =	sdelay $0x1  }
0x99: {  	s4 =	simm.s32 $_scs_section_size  }
0x9a: {  	s5 =	simm.s32 $_size__tile_overlayer_lowered;
	s6 =	simm.s32 $_tile_overlayer_lowered  }
0x9b: {  	s22 =	simm.s32 $0x1BFF;
	s21 =	sshll.u32 s6, $0x1;
	s3 =	sadd.s32 s4, s19  }
0x9c: {  	s7 =	simm.s32 $0x0;
	s20 =	sshll.u32 s5, $0x1;
	s5 =	sadd.s32 s21, s3  }
0x9d: {  	[timem:s7], [sflag:s22] =	dma.local [hbm:s5], s20  }
0x9e: {  	_ =	swait.ge [sflag:s22], s20  }
0x9f: {  	s4 =	ssub.s32 $0x0, s20;
	[sflag:s22] =	ssyncset.done $0x0  }
0xa0: {  	[sflag:s22] =	ssyncadd.s32 s4;
	_ =	sdelay $0x1  }
0xa1: {  	s23 =	simm.s32 $0x1B8B  }
0xa2: {  	_ =	swait.ge [sflag:s23], $0x1  }
0xa3: {  	[sflag:s23] =	ssyncset.done $0x0  }
0xa4: {  	s25 =	simm.s32 $0x1B8E;
	s24 =	sld [smem:$0x3FFE];
	[sflag:s23] =	ssyncadd.s32 $0xFFFFFFFF  }
0xa5: {  	s26 =	simm.s32 $execute0_lowered;
	[smem:$0x3FD2] =	sst s25  }
0xa6: {  	s5 =	sshll.u32 s26, $0x1;
	_ =	strace $0x80000046;
	[dreg:$0x1] =	wrdreg $0xFFFFFFFF  }
0xa7: {  	s28 =	simm.s32 $_size_execute0_lowered;
	s3 =	sadd.s32 s3, s5;
	[dreg:$0x0] =	wrdreg $0x0  }
0xa8: {  	s5 =	sshll.u32 s28, $0x1;
	[dreg:$0x2] =	wrdreg s3  }
0xa9: {  	[dreg:$0x3] =	wrdreg s5  }
0xaa: {  	[dreg:$0x4] =	wrdreg $0xC0  }
0xab: {  	_ =	task [dreg:s7], $0x5FFFF  }
0xac: {  	[dreg:$0x1] =	wrdreg $0xFFFFFFFF  }
0xad: {  	[dreg:$0x0] =	wrdreg $0x60  }
0xae: {  	[dreg:$0x2] =	wrdreg s2  }
0xaf: {  	[dreg:$0x3] =	wrdreg s24  }
0xb0: {  	[dreg:$0x4] =	wrdreg $0x58580  }
0xb1: {  	[dreg:$0x5] =	wrdreg $0x9  }
0xb2: {  	_ =	task.clear_ibuf [dreg:s7], $0x6FFFF;
	_ =	strace $0x90000046  }
0xb3: {  	s29 =	simm.s32 $0x9;
	_ =	strace $0x80000048  }
0xb4: {  	_ =	swait.ge [sflag:s29], $0x1  }
0xb5: {  	[sflag:s29] =	ssyncadd.s32 $0xFFFFFFFF  }
0xb6: {  	_ =	strace $0x90000048  }
0xb7: {  	_ =	sfence  }
0xb8: {  	s30 =	sld [smem:$0x0];
	_ =	sdelay $0x2  }
0xb9: {  	s31 =	sshll.u32 s1, $0xD;
	s1 =	sshrl.u32 s1, $0x2  }
0xba: {  	s3 =	sand.u32 $0x4000, s31;
	s1 =	sadd.s32 s1, s30  }
0xbb: {  	s0 =	sor.u32 s3, s0;
	s1 =	sshll.u32 s1, $0x11  }
0xbc: {  	s0 =	sor.u32 s1, s0  }
0xbd: {  	s0 =	sadd.s32 $0x8F2B, s0  }
0xbe: {  	[sflag:s0] =	ssyncadd.remote.s32 $0x1  }
0xbf: {  	_ =	sfence.sel $0xFFFF  }
0xc0: {  	[dreg:$0x0] =	wrdreg $0xFFFFFFFF;
	(pc) =	sbr.abs _section_cstart, $3  }
0xc1: {  	[dreg:$0x1] =	wrdreg $0xFFFFFFFF  }
0xc2: {  	_ =	task.clear_ibuf [dreg:s7], $0x2FFFF;
	_ =	strace $0x9FFFFFFF  }
0xc3: {  	(tm) =	ssettm $0x7FFFFFFF  }
tec
execute0_lowered:
.L_overlay_start_1:
0x0: {  	(tag) =	ssettag $0x1  }
0x1: {  	s5 =	rddreg [dreg:$0x0]  }
0x2: {  	s4 =	rddreg [dreg:$0x1]  }
0x3: {  	s1 =	rddreg [dreg:$0x2];
	s2 =	srdreg.scid  }
0x4: {  	s0 =	rddreg [dreg:$0x3];
	s6 =	sand.u32 $0x1, s2  }
0x5: {  	s3 =	simm.s32 $0x0;
	s2 =	stileid.u32;
	s7 =	smul.u32 $0x1388, s6  }
0x6: {  	s12 =	simm.s32 $0x1;
	[smem:$0x7FF] =	sst s3;
	s8 =	smul.u32 $0x3E8, s2  }
0x7: {  	s13 =	simm.s32 $0x0;
	_ =	strace $0x80000047;
	s30 =	smul.u32 $0xFA0, s2  }
0x8: {  	s6 =	ssub.s32 $0x2, s6;
	s11 =	smul.u32 $0xA00, s2;
	p0 =	sgt.u32 s2, $0x9  }
0x9: {  	p1 =	sgt.u32 s2, $0x4;
	s10 =	sshrl.u32 s6, $0x1;
	s7 =	sadd.s32 s8, s7  }
0xa: {  	s10 =	ssub.s32 s6, s10;
	s31 =	sshrl.u32 s30, $0x2;
	s5 =	sadd.s32 s5, s11  }
0xb: {  	s11 =	simm.s32 $0x5000;
	s9 =	sshrl.u32 s7, $0x3;
	s6 =	sadd.s32 s7, s1  }
0xc: {  	s8 =	smax.u32 s10, $0x1;
	s10 =	simm.s32 $0x7D;
	s9 =	sadd.s32 s9, s4  }
0xd: {  	v0 =	vimm.f32 $1.000000000e+00;
	v1 =	vimm.f32 $0.0e+00;
	s4 =	sadd.s32 s31, s1;
	s7 =	sadd.s32 $0x1800, s9;
	s9 =	simm.s32 $0x2  }
.LBB2_1:
0xe: {  	[tilespmem:$0x5000] =	vst v0  }
0xf: {  	[tilespmem:$0x5010] =	vst v0  }
0x10: {  	[tilespmem:$0x5020] =	vst v0  }
0x11: {  	[tilespmem:$0x5030] =	vst v0  }
0x12: {  	[tilespmem:$0x5040] =	vst v0  }
0x13: {  	[tilespmem:$0x5050] =	vst v0  }
0x14: {  	[tilespmem:$0x5060] =	vst v0  }
0x15: {  	[tilespmem:$0x5070] =	vst v0  }
0x16: {  	[tilespmem:$0x5080] =	vst v1  }
0x17: {  	[tilespmem:$0x5090] =	vst v1  }
0x18: {  	[tilespmem:$0x50A0] =	vst v1  }
0x19: {  	[tilespmem:$0x50B0] =	vst v1  }
0x1a: {  	[tilespmem:$0x50C0] =	vst v1  }
0x1b: {  	[tilespmem:$0x50D0] =	vst v1  }
0x1c: {  	[tilespmem:$0x50E0] =	vst v1  }
0x1d: {  	[tilespmem:$0x50F0] =	vst v1  }
0x1e: {  	[tilespmem:$0x5100] =	vst v1  }
0x1f: {  	[tilespmem:$0x5110] =	vst v1  }
0x20: {  	[tilespmem:$0x5120] =	vst v1  }
0x21: {  	[tilespmem:$0x5130] =	vst v1  }
0x22: {  	[tilespmem:$0x5140] =	vst v1  }
0x23: {  	[tilespmem:$0x5150] =	vst v1  }
0x24: {  	[tilespmem:$0x5160] =	vst v1  }
0x25: {  	[tilespmem:$0x5170] =	vst v1  }
0x26: {  	[tilespmem:$0x5180] =	vst v1  }
0x27: {  	[tilespmem:$0x5190] =	vst v1  }
0x28: {  	[tilespmem:$0x51A0] =	vst v1  }
0x29: {  	[tilespmem:$0x51B0] =	vst v1  }
0x2a: {  	[tilespmem:$0x51C0] =	vst v1  }
0x2b: {  	[tilespmem:$0x51D0] =	vst v1  }
0x2c: {  	[tilespmem:$0x51E0] =	vst v1  }
0x2d: {  	[tilespmem:$0x51F0] =	vst v1  }
0x2e: {  	[tilespmem:$0x5200] =	vst v1  }
0x2f: {  	[tilespmem:$0x5210] =	vst v1  }
0x30: {  	[tilespmem:$0x5220] =	vst v1  }
0x31: {  	[tilespmem:$0x5230] =	vst v1  }
0x32: {  	[tilespmem:$0x5240] =	vst v1  }
0x33: {  	[tilespmem:$0x5250] =	vst v1  }
0x34: {  	[tilespmem:$0x5260] =	vst v1  }
0x35: {  	[tilespmem:$0x5270] =	vst v1  }
0x36: {  	[tilespmem:$0x5280] =	vst v1  }
0x37: {  	[tilespmem:$0x5290] =	vst v1  }
0x38: {  	[tilespmem:$0x52A0] =	vst v1  }
0x39: {  	[tilespmem:$0x52B0] =	vst v1  }
0x3a: {  	[tilespmem:$0x52C0] =	vst v1  }
0x3b: {  	[tilespmem:$0x52D0] =	vst v1  }
0x3c: {  	[tilespmem:$0x52E0] =	vst v1  }
0x3d: {  	[tilespmem:$0x52F0] =	vst v1  }
0x3e: {  	[tilespmem:$0x5300] =	vst v1  }
0x3f: {  	[tilespmem:$0x5310] =	vst v1  }
0x40: {  	[tilespmem:$0x5320] =	vst v1  }
0x41: {  	[tilespmem:$0x5330] =	vst v1  }
0x42: {  	[tilespmem:$0x5340] =	vst v1  }
0x43: {  	[tilespmem:$0x5350] =	vst v1  }
0x44: {  	[tilespmem:$0x5360] =	vst v1  }
0x45: {  	[tilespmem:$0x5370] =	vst v1  }
0x46: {  	[tilespmem:$0x5380] =	vst v1  }
0x47: {  	[tilespmem:$0x5390] =	vst v1  }
0x48: {  	[tilespmem:$0x53A0] =	vst v1  }
0x49: {  	[tilespmem:$0x53B0] =	vst v1  }
0x4a: {  	[tilespmem:$0x53C0] =	vst v1  }
0x4b: {  	[tilespmem:$0x53D0] =	vst v1  }
0x4c: {  	[tilespmem:$0x53E0] =	vst v1  }
0x4d: {  	[tilespmem:$0x53F0] =	vst v1  }
0x4e: {  	[tilespmem:$0x5400] =	vst v1  }
0x4f: {  	[tilespmem:$0x5410] =	vst v1  }
0x50: {  	[tilespmem:$0x5420] =	vst v1  }
0x51: {  	[tilespmem:$0x5430] =	vst v1  }
0x52: {  	[tilespmem:$0x5440] =	vst v1  }
0x53: {  	[tilespmem:$0x5450] =	vst v1  }
0x54: {  	[tilespmem:$0x5460] =	vst v1;
	s14 =	simm.s32 @!p0 $0x5080  }
0x55: {  	[spmem:s4] =	stream.linear.scatter @!p0 [tilespmem:s14], [sflag:$0x2], $0x3E8, $0x38;
	[tilespmem:$0x5AD0] =	vst v63  }
0x56: {  	s14 =	simm.s32 @!p0 $0x2  }
0x57: {  	_ =	swait.ge @!p0 [sflag:s14], $0x3E8  }
0x58: {  	[sflag:s14] =	ssyncset.done @!p0 $0x0  }
0x59: {  	[sflag:s14] =	ssyncadd.s32 @!p0 $0xFFFFFC18  }
0x5a: {  	[tilespmem:s3], [sflag:$0x2] =	stream.linear.gather [hbm4b:s5+s3], $0x5000, $0x38;
	[tilespmem:$0x5AD0] =	vst v63  }
0x5b: {  	_ =	swait.ge [sflag:s9], $0x5000  }
0x5c: {  	[sflag:s9] =	ssyncset.done $0x0  }
0x5d: {  	p2 =	por $0x1, $0x1;
	[sflag:s9] =	ssyncadd.s32 $0xFFFFB000  }
0x5e: {  	s15 =	simm.s32 @!p2 $0x1;
	[bflag:$0x0] =	sbarrier.arrive $0xFFFF  }
0x5f: {  	_ =	swait.ge @!p2 [sflag:s15], $0x7D  }
0x60: {  	s16 =	simm.s32 $0x0;
	[sflag:s15] =	ssyncset.done @!p2 $0x0  }
0x61: {  	s14 =	simm.s32 $0x1;
	[sflag:s15] =	ssyncadd.s32 @!p2 $0xFFFFFF83;
	s15 =	simm.s32 $0x80  }
.LBB2_2:
0x62: {  	[spmem:s1] =	stream.indirect.scatter.add.f32 [tilespmem:s11], [sflag:$0x1], $0x1, s16, s10, $0xb8;
	[tilespmem:$0x5AD0] =	vst v63  }
0x63: {  	p2 =	slt.u32 s14, $0x8;
	s14 =	sadd.s32 $0x1, s14  }
0x64: {  	p3 =	sne.s32 s14, $0xA0  }
.Ltmp0:
0x65: {  	(pc) =	sbr.rel @p3 .LBB2_2-.Ltmp0, $4  }
0x66: {  	s16 =	smov.u32 s15;
	s17 =	simm.s32 @!p2 $0x1  }
0x67: {  	_ =	swait.ge @!p2 [sflag:s17], $0x7D  }
0x68: {  	[sflag:s17] =	ssyncset.done @!p2 $0x0  }
0x69: {  	s15 =	sadd.s32 $0x80, s15;
	[sflag:s17] =	ssyncadd.s32 @!p2 $0xFFFFFF83  }
0x6a: {  	[spmem:s1] =	stream.indirect.scatter.add.f32 [tilespmem:s11], [sflag:$0x1], $0x1, s16, s10, $0xb8;
	[tilespmem:$0x5AD0] =	vst v63  }
0x6b: {  	_ =	swait.ge [sflag:s12], $0x7D  }
0x6c: {  	[sflag:s12] =	ssyncset.done $0x0  }
0x6d: {  	[sflag:s12] =	ssyncadd.s32 $0xFFFFFF83  }
0x6e: {  	_ =	swait.ge [sflag:s12], $0x7D  }
0x6f: {  	[sflag:s12] =	ssyncset.done $0x0  }
0x70: {  	[sflag:s12] =	ssyncadd.s32 $0xFFFFFF83  }
0x71: {  	_ =	swait.ge [sflag:s12], $0x7D  }
0x72: {  	[sflag:s12] =	ssyncset.done $0x0  }
0x73: {  	[sflag:s12] =	ssyncadd.s32 $0xFFFFFF83  }
0x74: {  	_ =	swait.ge [sflag:s12], $0x7D  }
0x75: {  	[sflag:s12] =	ssyncset.done $0x0  }
0x76: {  	[sflag:s12] =	ssyncadd.s32 $0xFFFFFF83  }
0x77: {  	_ =	swait.ge [sflag:s12], $0x7D  }
0x78: {  	[sflag:s12] =	ssyncset.done $0x0  }
0x79: {  	[sflag:s12] =	ssyncadd.s32 $0xFFFFFF83  }
0x7a: {  	_ =	swait.ge [sflag:s12], $0x7D  }
0x7b: {  	[sflag:s12] =	ssyncset.done $0x0  }
0x7c: {  	[sflag:s12] =	ssyncadd.s32 $0xFFFFFF83  }
0x7d: {  	_ =	swait.ge [sflag:s12], $0x7D  }
0x7e: {  	[sflag:s12] =	ssyncset.done $0x0  }
0x7f: {  	[sflag:s12] =	ssyncadd.s32 $0xFFFFFF83  }
0x80: {  	_ =	swait.ge [sflag:s12], $0x7D  }
0x81: {  	[sflag:s12] =	ssyncset.done $0x0  }
0x82: {  	[sflag:s12] =	ssyncadd.s32 $0xFFFFFF83  }
0x83: {  	s14 =	simm.s32 @!p1 $0x5470;
	s15 =	simm.s32 @!p1 $0x2;
	[bflag:$0x0] =	sbarrier.arrive $0xFFFF  }
0x84: {  	[tilespmem:s14], [sflag:$0x2] =	stream.linear.gather @!p1 [spmem:s6], $0x3E8, $0x38;
	[tilespmem:$0x5AD0] =	vst v63  }
0x85: {  	s13 =	sadd.s32 $0x1, s13;
	_ =	swait.ge @!p1 [sflag:s15], $0x3E8  }
0x86: {  	p2 =	sne.s32 s13, s8;
	[sflag:s15] =	ssyncset.done @!p1 $0x0  }
.Ltmp1:
0x87: {  	s16 =	simm.s32 @!p1 $0x0;
	[sflag:s15] =	ssyncadd.s32 @!p1 $0xFFFFFC18;
	(pc) =	sbr.rel @p2 .LBB2_1-.Ltmp1, $4  }
0x88: {  	[hbm4b:s7+s16] =	stream.linear.scatter @!p1 [tilespmem:s14], [sflag:$0x2], $0x3E8, $0x38;
	[tilespmem:$0x5AD0] =	vst v63  }
0x89: {  	_ =	swait.ge @!p1 [sflag:s15], $0x3E8  }
0x8a: {  	[sflag:s15] =	ssyncset.done @!p1 $0x0  }
0x8b: {  	[sflag:s15] =	ssyncadd.s32 @!p1 $0xFFFFFC18  }
0x8c: {  	_ =	sfence.sel $0x180000  }
0x8d: {  	[bflag:$0x0] =	sbarrier.arrive $0xFFFF  }
0x8e: {  	p0 =	sne.s32 s2, $0x0;
	_ =	strace $0x90000047  }
0x8f: {  	s0 =	sadd.s32 @!p0 $0x100000, s0;
	[bflag:$0x2] =	sbarrier.arrive $0xFFFF  }
0x90: {  	[sflag:s0] =	ssyncadd.tile.s32 @!p0 $0x1;
	_ =	shalt  }
.Lfunc_end2:
_tile_overlayer_lowered:
.L_overlay_start_2:
0x91: {  	(tag) =	ssettag $0x2  }
0x92: {  	s0 =	rddreg [dreg:$0x0];
	s2 =	stileid.u32  }
0x93: {  	s1 =	rddreg [dreg:$0x1];
	p0 =	sne.s32 s2, $0x0  }
0x94: {  	s3 =	rddreg [dreg:$0x2];
	[bflag:$0x3] =	sbarrier.arrive $0xFFFF;
	s2 =	simm.s32 @!p0 $0x1C02  }
0x95: {  	[timem:s3], [sflag:s2] =	dma.local @!p0 [hbm:s0], s1  }
0x96: {  	s0 =	simm.s32 @!p0 $0x2  }
0x97: {  	_ =	swait.ge @!p0 [sflag:s0], s1  }
0x98: {  	s1 =	ssub.s32 @!p0 $0x0, s1;
	[sflag:s0] =	ssyncset.done @!p0 $0x0  }
0x99: {  	[sflag:s0] =	ssyncadd.s32 @!p0 s1  }
0x9a: {  	[bflag:$0x3] =	sbarrier.arrive $0xFFFF  }
0x9b: {  	_ =	shalt  }

</sc_bundles>
